<compile_context>
chip_gen: v7x
topology: tpu7x:2x2x1
jax: 0.10.2.dev20260603
libtpu: 0.0.44.dev20260713+nightly
codegen_flags: <defaults>
</compile_context>

<pallas_src>
import functools

import jax
import jax.numpy as jnp
import numpy as np
from jax import lax
from jax.experimental import pallas as pl
from jax.experimental.pallas import tpu as pltpu
from jax.experimental.pallas import tpu_sc as plsc

E = 8
K = 2
D = 768
H = 512
T = 8192
EPS = float(np.finfo(float).eps)

BT = 1024
NBLK = T // BT
BM = 512
P = 2 * T + E * BM
NB = P // BM

NW = 32
TPW = T // NW
CHD = 64
NCHD = TPW // CHD
CHC = 32
NCHC = TPW // CHC


def _cumsum0(x):
    n = x.shape[0]
    shift = 1
    while shift < n:
        z = jnp.zeros((shift,) + x.shape[1:], x.dtype)
        x = x + jnp.concatenate([z, x[:-shift]], axis=0)
        shift *= 2
    return x


def _cumsum1(x):
    n = x.shape[1]
    shift = 1
    while shift < n:
        z = jnp.zeros(x.shape[:1] + (shift,) + x.shape[2:], x.dtype)
        x = x + jnp.concatenate([z, x[:, :-shift]], axis=1)
        shift *= 2
    return x


def _k1_body(f_ref, gW1_ref, gb1_ref, gW2_ref, gb2_ref,
             g1_ref, g2_ref, be_ref, p1_ref, p2_ref,
             imp_ref, loss_ref,
             acc_ref, e1s_ref, e2s_ref, q1s_ref, q2s_ref):
    i = pl.program_id(0)
    nsteps = pl.num_programs(0)

    f = f_ref[...]
    h = jnp.maximum(
        jnp.dot(f, gW1_ref[...], preferred_element_type=jnp.float32)
        + gb1_ref[...], 0.0)
    logits = (jnp.dot(h, gW2_ref[...], preferred_element_type=jnp.float32)
              + gb2_ref[...])

    lane = lax.broadcasted_iota(jnp.int32, logits.shape, 1)
    m1 = jnp.max(logits, axis=1, keepdims=True)
    a1 = jnp.argmax(logits, axis=1).astype(jnp.int32)[:, None]
    masked = jnp.where(lane == a1, -jnp.inf, logits)
    m2 = jnp.max(masked, axis=1, keepdims=True)
    a2 = jnp.argmax(masked, axis=1).astype(jnp.int32)[:, None]
    e2v = jnp.exp(m2 - m1)
    denom = 1.0 + e2v
    g1_ref[...] = 1.0 / denom
    g2_ref[...] = e2v / denom

    oh = (jnp.where(lane == a1, 1, 0) + jnp.where(lane == a2, 1, 0)
          ).astype(jnp.int32)
    cume = _cumsum0(oh) - oh
    rank1 = jnp.sum(jnp.where(lane == a1, cume, 0), axis=1,
                    keepdims=True)
    rank2 = jnp.sum(jnp.where(lane == a2, cume, 0), axis=1,
                    keepdims=True)
    cnt_now = jnp.sum(oh, axis=0, keepdims=True)

    @pl.when(i == 0)
    def _init_acc():
        acc_ref[...] = jnp.zeros_like(acc_ref)

    bx = jnp.broadcast_to(acc_ref[...], (BT, E))
    base1 = jnp.sum(jnp.where(lane == a1, bx, 0), axis=1, keepdims=True)
    base2 = jnp.sum(jnp.where(lane == a2, bx, 0), axis=1, keepdims=True)
    e1s_ref[pl.ds(i * BT, BT), :] = a1
    e2s_ref[pl.ds(i * BT, BT), :] = a2
    q1s_ref[pl.ds(i * BT, BT), :] = base1 + rank1
    q2s_ref[pl.ds(i * BT, BT), :] = base2 + rank2
    acc_ref[...] += cnt_now

    gates = (jnp.where(lane == a1, g1_ref[...], 0.0)
             + jnp.where(lane == a2, g2_ref[...], 0.0))
    imp_blk = jnp.sum(gates, axis=0, keepdims=True)
    load_blk = jnp.sum((gates > 0.0).astype(jnp.float32), axis=0,
                       keepdims=True)
    blk = jnp.concatenate([imp_blk, load_blk], axis=0)

    @pl.when(i == 0)
    def _init():
        imp_ref[...] = blk

    @pl.when(i > 0)
    def _acc():
        imp_ref[...] += blk

    @pl.when(i == nsteps - 1)
    def _fin():
        cnt = acc_ref[...]
        cnt_pad = ((cnt + BM - 1) // BM) * BM
        seg_start = _cumsum1(cnt_pad) - cnt_pad
        rows = lax.broadcasted_iota(jnp.int32, (NB, E), 0) * BM
        ge = (rows >= seg_start).astype(jnp.int32)
        be_ref[...] = jnp.sum(ge, axis=1) - 1

        lane_t = lax.broadcasted_iota(jnp.int32, (T, E), 1)
        sb = jnp.broadcast_to(seg_start, (T, E))
        s1 = jnp.sum(jnp.where(lane_t == e1s_ref[...], sb, 0), axis=1,
                     keepdims=True)
        s2 = jnp.sum(jnp.where(lane_t == e2s_ref[...], sb, 0), axis=1,
                     keepdims=True)
        p1_ref[...] = q1s_ref[...] + s1
        p2_ref[...] = q2s_ref[...] + s2

        a = imp_ref[...]
        mean = jnp.mean(a, axis=1, keepdims=True)
        var = jnp.sum((a - mean) ** 2, axis=1, keepdims=True) / (E - 1)
        cv2 = var / (mean * mean + 1e-10)
        loss_ref[...] = (cv2[0:1, 0:1] + cv2[1:2, 0:1]) * 1e-2


def _k5_body(be_ref, xs_ref, aW_ref, ab_ref, ys_ref):
    w16 = aW_ref[0].astype(jnp.bfloat16)
    x16 = xs_ref[...].astype(jnp.bfloat16)
    z = (jnp.dot(x16, w16, preferred_element_type=jnp.float32)
         + ab_ref[0])
    ys_ref[...] = jnp.exp(z)


def _k4_sc(x_hbm, p1_hbm, p2_hbm, xs_hbm,
           idx1_v, idx2_v, xb0, xb1, lsem0, lsem1, ssem):
    wid = lax.axis_index("s") * 2 + lax.axis_index("c")
    pltpu.sync_copy(p1_hbm.at[wid], idx1_v)
    pltpu.sync_copy(p2_hbm.at[wid], idx2_v)
    bufs = (xb0, xb1)
    lsems = (lsem0, lsem1)
    loads = [None, None]
    scats = [[], []]
    loads[0] = pltpu.async_copy(
        x_hbm.at[pl.ds(wid * TPW, CHD)], xb0, lsem0)
    for c in range(NCHD):
        b = c % 2
        nb = (c + 1) % 2
        if c + 1 < NCHD:
            for h in scats[nb]:
                h.wait()
            scats[nb] = []
            loads[nb] = pltpu.async_copy(
                x_hbm.at[pl.ds(wid * TPW + (c + 1) * CHD, CHD)],
                bufs[nb], lsems[nb])
        loads[b].wait()
        scats[b] = [
            pltpu.async_copy(bufs[b], xs_hbm.at[idx1_v.at[c]], ssem),
            pltpu.async_copy(bufs[b], xs_hbm.at[idx2_v.at[c]], ssem),
        ]
    for hs in scats:
        for h in hs:
            h.wait()


def _k6_sc(ys_hbm, p1_hbm, p2_hbm, r1_hbm, r2_hbm,
           idx1_v, idx2_v, b1a, b2a, b1b, b2b, gsem_a, gsem_b, wsem):
    wid = lax.axis_index("s") * 2 + lax.axis_index("c")
    pltpu.sync_copy(p1_hbm.at[wid], idx1_v)
    pltpu.sync_copy(p2_hbm.at[wid], idx2_v)
    bufs = ((b1a, b2a), (b1b, b2b))
    gsems = (gsem_a, gsem_b)
    gath = [None, None]
    wbs = [[], []]
    gath[0] = [
        pltpu.async_copy(ys_hbm.at[idx1_v.at[0]], b1a, gsem_a),
        pltpu.async_copy(ys_hbm.at[idx2_v.at[0]], b2a, gsem_a),
    ]
    for c in range(NCHC):
        b = c % 2
        nb = (c + 1) % 2
        if c + 1 < NCHC:
            for h in wbs[nb]:
                h.wait()
            wbs[nb] = []
            gath[nb] = [
                pltpu.async_copy(ys_hbm.at[idx1_v.at[c + 1]],
                                 bufs[nb][0], gsems[nb]),
                pltpu.async_copy(ys_hbm.at[idx2_v.at[c + 1]],
                                 bufs[nb][1], gsems[nb]),
            ]
        for h in gath[b]:
            h.wait()
        base = wid * TPW + c * CHC
        wbs[b] = [
            pltpu.async_copy(bufs[b][0], r1_hbm.at[pl.ds(base, CHC)], wsem),
            pltpu.async_copy(bufs[b][1], r2_hbm.at[pl.ds(base, CHC)], wsem),
        ]
    for hs in wbs:
        for h in hs:
            h.wait()


def _k7_body(r1_ref, r2_ref, g1_ref, g2_ref, y_ref):
    s = g1_ref[...] * r1_ref[...] + g2_ref[...] * r2_ref[...]
    y_ref[...] = jnp.log(jnp.where(s == 0.0, EPS, s))


def _gating(feature, gW1, gb1, gW2, gb2):
    return pl.pallas_call(
        _k1_body,
        grid=(NBLK,),
        in_specs=[
            pl.BlockSpec((BT, D), lambda i: (i, 0)),
            pl.BlockSpec((D, H), lambda i: (0, 0)),
            pl.BlockSpec((H,), lambda i: (0,)),
            pl.BlockSpec((H, E), lambda i: (0, 0)),
            pl.BlockSpec((E,), lambda i: (0,)),
        ],
        out_specs=[
            pl.BlockSpec((BT, 1), lambda i: (i, 0)),
            pl.BlockSpec((BT, 1), lambda i: (i, 0)),
            pl.BlockSpec((NB,), lambda i: (0,)),
            pl.BlockSpec((T, 1), lambda i: (0, 0)),
            pl.BlockSpec((T, 1), lambda i: (0, 0)),
            pl.BlockSpec((2, E), lambda i: (0, 0)),
            pl.BlockSpec((1, 1), lambda i: (0, 0)),
        ],
        out_shape=[
            jax.ShapeDtypeStruct((T, 1), jnp.float32),
            jax.ShapeDtypeStruct((T, 1), jnp.float32),
            jax.ShapeDtypeStruct((NB,), jnp.int32),
            jax.ShapeDtypeStruct((T, 1), jnp.int32),
            jax.ShapeDtypeStruct((T, 1), jnp.int32),
            jax.ShapeDtypeStruct((2, E), jnp.float32),
            jax.ShapeDtypeStruct((1, 1), jnp.float32),
        ],
        scratch_shapes=[
            pltpu.VMEM((1, E), jnp.int32),
            pltpu.VMEM((T, 1), jnp.int32),
            pltpu.VMEM((T, 1), jnp.int32),
            pltpu.VMEM((T, 1), jnp.int32),
            pltpu.VMEM((T, 1), jnp.int32),
        ],
        compiler_params=pltpu.CompilerParams(
            dimension_semantics=("arbitrary",)),
    )(feature, gW1, gb1, gW2, gb2)


def _dispatch(x, pos1, pos2):
    mesh = plsc.VectorSubcoreMesh(core_axis_name="c", subcore_axis_name="s")
    f = functools.partial(
        pl.kernel,
        mesh=mesh,
        out_type=jax.ShapeDtypeStruct((P, D), jnp.float32),
        scratch_types=[
            pltpu.VMEM((NCHD, CHD), jnp.int32),
            pltpu.VMEM((NCHD, CHD), jnp.int32),
            pltpu.VMEM((CHD, D), jnp.float32),
            pltpu.VMEM((CHD, D), jnp.float32),
            pltpu.SemaphoreType.DMA,
            pltpu.SemaphoreType.DMA,
            pltpu.SemaphoreType.DMA,
        ],
    )(_k4_sc)
    return f(x, pos1, pos2)


def _expert_mm(xs, aW, ab3, be):
    return pl.pallas_call(
        _k5_body,
        grid_spec=pltpu.PrefetchScalarGridSpec(
            num_scalar_prefetch=1,
            grid=(NB,),
            in_specs=[
                pl.BlockSpec((BM, D), lambda i, be: (i, 0)),
                pl.BlockSpec((1, D, D), lambda i, be: (be[i], 0, 0)),
                pl.BlockSpec((1, 1, D), lambda i, be: (be[i], 0, 0)),
            ],
            out_specs=pl.BlockSpec((BM, D), lambda i, be: (i, 0)),
        ),
        out_shape=jax.ShapeDtypeStruct((P, D), jnp.float32),
        compiler_params=pltpu.CompilerParams(
            dimension_semantics=("arbitrary",)),
    )(be, xs, aW, ab3)


def _combine_gather(ys, pos1, pos2):
    mesh = plsc.VectorSubcoreMesh(core_axis_name="c", subcore_axis_name="s")
    f = functools.partial(
        pl.kernel,
        mesh=mesh,
        out_type=[
            jax.ShapeDtypeStruct((T, D), jnp.float32),
            jax.ShapeDtypeStruct((T, D), jnp.float32),
        ],
        scratch_types=[
            pltpu.VMEM((NCHC, CHC), jnp.int32),
            pltpu.VMEM((NCHC, CHC), jnp.int32),
            pltpu.VMEM((CHC, D), jnp.float32),
            pltpu.VMEM((CHC, D), jnp.float32),
            pltpu.VMEM((CHC, D), jnp.float32),
            pltpu.VMEM((CHC, D), jnp.float32),
            pltpu.SemaphoreType.DMA,
            pltpu.SemaphoreType.DMA,
            pltpu.SemaphoreType.DMA,
        ],
    )(_k6_sc)
    return f(ys, pos1, pos2)


def _combine_log(r1, r2, g1, g2):
    return pl.pallas_call(
        _k7_body,
        grid=(NBLK,),
        in_specs=[
            pl.BlockSpec((BT, D), lambda i: (i, 0)),
            pl.BlockSpec((BT, D), lambda i: (i, 0)),
            pl.BlockSpec((BT, 1), lambda i: (i, 0)),
            pl.BlockSpec((BT, 1), lambda i: (i, 0)),
        ],
        out_specs=pl.BlockSpec((BT, D), lambda i: (i, 0)),
        out_shape=jax.ShapeDtypeStruct((T, D), jnp.float32),
        compiler_params=pltpu.CompilerParams(
            dimension_semantics=("arbitrary",)),
    )(r1, r2, g1, g2)


@jax.jit
def kernel(feature, x, gW1, gb1, gW2, gb2, aW, ab):
    (g1, g2, be, pos1, pos2, _imp, loss2d) = _gating(
        feature, gW1, gb1, gW2, gb2)
    xs = _dispatch(x, pos1.reshape(NW, NCHD, CHD), pos2.reshape(NW, NCHD, CHD))
    ys = _expert_mm(xs, aW, ab.reshape(E, 1, D), be)
    r1, r2 = _combine_gather(ys, pos1.reshape(NW, NCHC, CHC),
                             pos2.reshape(NW, NCHC, CHC))
    y = _combine_log(r1, r2, g1, g2)
    return y, loss2d[0, 0]

# --- scband reference (transcript-rebuilt; emitter-appended) ---
"""Pipeline reference for scband-mo-e-75917841924151 (READ-ONLY COPY).

The authoritative reference and input builder live on the scoring server;
editing this copy changes nothing except your own understanding.
"""

import jax, jax.numpy as jnp
import numpy as np

E = 8      # num_adapters
K = 2      # top-k
D = 768    # input_size == extract_feature_size == adapter in/out dim
H = 512    # gating hidden size (hardcoded in module)
T = 8192   # tokens (batch*seq collapsed to 2D, as the module expects)
EPS = float(np.finfo(float).eps)


def setup_inputs(seed: int = 0) -> dict:
    key = jax.random.key(seed)
    ks = jax.random.split(key, 8)
    feature = jax.random.normal(ks[0], (T, D), dtype=jnp.float32)
    x = jax.random.normal(ks[1], (T, D), dtype=jnp.float32)
    # gating: Linear(D,512) -> ReLU -> Dropout(0.2) -> Linear(512,E)
    gW1 = jax.random.normal(ks[2], (D, H), dtype=jnp.float32) * (1.0 / np.sqrt(D))
    gb1 = jnp.zeros((H,), jnp.float32)
    gW2 = jax.random.normal(ks[3], (H, E), dtype=jnp.float32) * (1.0 / np.sqrt(H))
    gb2 = jnp.zeros((E,), jnp.float32)
    # E deep-copied adapters, each nn.Linear(D, D)
    aW = jax.random.normal(ks[4], (E, D, D), dtype=jnp.float32) * (1.0 / np.sqrt(D))
    ab = jnp.zeros((E, D), jnp.float32)
    return {"feature": feature, "x": x, "gW1": gW1, "gb1": gb1, "gW2": gW2, "gb2": gb2, "aW": aW, "ab": ab}


def _cv_squared(v):
    eps = 1e-10
    v = v.astype(jnp.float32)
    return jnp.var(v, ddof=1) / (jnp.mean(v) ** 2 + eps)


def reference(feature, x, gW1, gb1, gW2, gb2, aW, ab):
    n_tok = x.shape[0]
    # ---- noisy top-k gating (eval mode: dropout is identity, no noise added) ----
    h = jax.nn.relu(feature @ gW1 + gb1)
    logits = h @ gW2 + gb2
    top_logits, top_indices = jax.lax.top_k(logits, K + 1)
    top_k_logits = top_logits[:, :K]
    top_k_indices = top_indices[:, :K]
    top_k_gates = jax.nn.softmax(top_k_logits, axis=1)
    gates = jnp.zeros((n_tok, E), x.dtype).at[jnp.arange(n_tok)[:, None], top_k_indices].set(top_k_gates)
    importance = gates.sum(0)
    load = (gates > 0).sum(0)
    loss = (_cv_squared(importance) + _cv_squared(load)) * 1e-2
    # ---- SparseDispatcher dispatch -> adapters -> combine (dense-equivalent) ----
    # torch: stitched = cat(adapter_out).exp() * nonzero_gates; combined = zeros.index_add(batch_index, stitched)
    # dense-equivalent: sum_e gates[:, e] * exp(adapter_e(x)); zero gates contribute exactly 0.
    expert_out = jnp.einsum('td,edh->eth', x, aW) + ab[:, None, :]          # [E, T, D]
    stitched = jnp.exp(expert_out) * gates.T[:, :, None]                    # [E, T, D]
    combined = stitched.sum(0)                                              # [T, D]
    combined = jnp.where(combined == 0, EPS, combined)
    y = jnp.log(combined)
    return y, loss

if __name__ == "__main__":
    import jax
    _d = setup_inputs()
    print(jax.jit(kernel)(*tuple(_d.values())))

</pallas_src>

<mosaic_0001>
#map = affine_map<(d0, d1) -> (0, 0)>
#map1 = affine_map<(d0, d1) -> (0, 0, 0)>
module attributes {stable_mosaic.version = 14 : i64} {
  func.func @_k6_sc(%arg0: i32, %arg1: i32, %arg2: memref<20480x768xf32, #tpu.memory_space<hbm>>, %arg3: memref<32x8x32xi32, #tpu.memory_space<hbm>>, %arg4: memref<32x8x32xi32, #tpu.memory_space<hbm>>, %arg5: memref<8192x768xf32, #tpu.memory_space<hbm>>, %arg6: memref<8192x768xf32, #tpu.memory_space<hbm>>, %arg7: memref<8x32xi32, #tpu.memory_space<vmem>>, %arg8: memref<8x32xi32, #tpu.memory_space<vmem>>, %arg9: memref<32x768xf32, #tpu.memory_space<vmem>>, %arg10: memref<32x768xf32, #tpu.memory_space<vmem>>, %arg11: memref<32x768xf32, #tpu.memory_space<vmem>>, %arg12: memref<32x768xf32, #tpu.memory_space<vmem>>, %arg13: memref<!tpu.dma_semaphore, #tpu.memory_space<semaphore_mem>>, %arg14: memref<!tpu.dma_semaphore, #tpu.memory_space<semaphore_mem>>, %arg15: memref<!tpu.dma_semaphore, #tpu.memory_space<semaphore_mem>>) attributes {dimension_semantics = [#tpu.dimension_semantics<core_parallel>, #tpu.dimension_semantics<subcore_parallel>], iteration_bounds = array<i64: 2, 16>, scalar_prefetch = 0 : i64, scratch_operands = 9 : i64, tpu.core_type = #tpu.core_type<sc_vector_subcore>, window_params = [{transform_indices = #map}, {transform_indices = #map1}, {transform_indices = #map1}, {transform_indices = #map}, {transform_indices = #map}]} {
    %mul3A = arith.constant 2 : i32
    %mul3A_0 = arith.muli %arg1, %mul3A : i32
    %add3A = arith.addi %mul3A_0, %arg0 : i32
    "tpu.region"() ({
      %run_scoped3A = tpu.sem_alloc : memref<!tpu.dma_semaphore, #tpu.memory_space<semaphore_mem>>
      %dma_start3A_383 = arith.constant 0 : i32
      %dma_start3A_384 = arith.constant 0 : i32
      %dma_start3A_385 = tpu.memref_slice %arg3[%add3A, %dma_start3A_383, %dma_start3A_384] : memref<32x8x32xi32, #tpu.memory_space<hbm>> -> memref<1x8x32xi32, #tpu.memory_space<hbm>>
      %dma_start3A_386 = tpu.memref_squeeze %dma_start3A_385 : memref<1x8x32xi32, #tpu.memory_space<hbm>> -> memref<8x32xi32, #tpu.memory_space<hbm>>
      %dma_start3A_387 = arith.constant 0 : i32
      %dma_start3A_388 = arith.constant 0 : i32
      %dma_start3A_389 = tpu.memref_slice %arg3[%add3A, %dma_start3A_387, %dma_start3A_388] : memref<32x8x32xi32, #tpu.memory_space<hbm>> -> memref<1x8x32xi32, #tpu.memory_space<hbm>>
      %dma_start3A_390 = tpu.memref_squeeze %dma_start3A_389 : memref<1x8x32xi32, #tpu.memory_space<hbm>> -> memref<8x32xi32, #tpu.memory_space<hbm>>
      tpu.enqueue_dma source(%dma_start3A_390 : memref<8x32xi32, #tpu.memory_space<hbm>>) target(%arg7 : memref<8x32xi32, #tpu.memory_space<vmem>>) target_semaphore(%run_scoped3A : memref<!tpu.dma_semaphore, #tpu.memory_space<semaphore_mem>>)
      %dma_wait3A_391 = arith.constant 0 : i32
      %dma_wait3A_392 = arith.constant 0 : i32
      %dma_wait3A_393 = tpu.memref_slice %arg3[%add3A, %dma_wait3A_391, %dma_wait3A_392] : memref<32x8x32xi32, #tpu.memory_space<hbm>> -> memref<1x8x32xi32, #tpu.memory_space<hbm>>
      %dma_wait3A_394 = tpu.memref_squeeze %dma_wait3A_393 : memref<1x8x32xi32, #tpu.memory_space<hbm>> -> memref<8x32xi32, #tpu.memory_space<hbm>>
      %dma_wait3A_395 = arith.constant 0 : i32
      %dma_wait3A_396 = arith.constant 0 : i32
      %dma_wait3A_397 = tpu.memref_slice %arg3[%add3A, %dma_wait3A_395, %dma_wait3A_396] : memref<32x8x32xi32, #tpu.memory_space<hbm>> -> memref<1x8x32xi32, #tpu.memory_space<hbm>>
      %dma_wait3A_398 = tpu.memref_squeeze %dma_wait3A_397 : memref<1x8x32xi32, #tpu.memory_space<hbm>> -> memref<8x32xi32, #tpu.memory_space<hbm>>
      tpu.wait_dma2 semaphore(%run_scoped3A : memref<!tpu.dma_semaphore, #tpu.memory_space<semaphore_mem>>) src(%dma_wait3A_398 : memref<8x32xi32, #tpu.memory_space<hbm>>) dst(%arg7 : memref<8x32xi32, #tpu.memory_space<vmem>>)
      tpu.yield
    }) : () -> ()
    "tpu.region"() ({
      %run_scoped3A = tpu.sem_alloc : memref<!tpu.dma_semaphore, #tpu.memory_space<semaphore_mem>>
      %dma_start3A_383 = arith.constant 0 : i32
      %dma_start3A_384 = arith.constant 0 : i32
      %dma_start3A_385 = tpu.memref_slice %arg4[%add3A, %dma_start3A_383, %dma_start3A_384] : memref<32x8x32xi32, #tpu.memory_space<hbm>> -> memref<1x8x32xi32, #tpu.memory_space<hbm>>
      %dma_start3A_386 = tpu.memref_squeeze %dma_start3A_385 : memref<1x8x32xi32, #tpu.memory_space<hbm>> -> memref<8x32xi32, #tpu.memory_space<hbm>>
      %dma_start3A_387 = arith.constant 0 : i32
      %dma_start3A_388 = arith.constant 0 : i32
      %dma_start3A_389 = tpu.memref_slice %arg4[%add3A, %dma_start3A_387, %dma_start3A_388] : memref<32x8x32xi32, #tpu.memory_space<hbm>> -> memref<1x8x32xi32, #tpu.memory_space<hbm>>
      %dma_start3A_390 = tpu.memref_squeeze %dma_start3A_389 : memref<1x8x32xi32, #tpu.memory_space<hbm>> -> memref<8x32xi32, #tpu.memory_space<hbm>>
      tpu.enqueue_dma source(%dma_start3A_390 : memref<8x32xi32, #tpu.memory_space<hbm>>) target(%arg8 : memref<8x32xi32, #tpu.memory_space<vmem>>) target_semaphore(%run_scoped3A : memref<!tpu.dma_semaphore, #tpu.memory_space<semaphore_mem>>)
      %dma_wait3A_391 = arith.constant 0 : i32
      %dma_wait3A_392 = arith.constant 0 : i32
      %dma_wait3A_393 = tpu.memref_slice %arg4[%add3A, %dma_wait3A_391, %dma_wait3A_392] : memref<32x8x32xi32, #tpu.memory_space<hbm>> -> memref<1x8x32xi32, #tpu.memory_space<hbm>>
      %dma_wait3A_394 = tpu.memref_squeeze %dma_wait3A_393 : memref<1x8x32xi32, #tpu.memory_space<hbm>> -> memref<8x32xi32, #tpu.memory_space<hbm>>
      %dma_wait3A_395 = arith.constant 0 : i32
      %dma_wait3A_396 = arith.constant 0 : i32
      %dma_wait3A_397 = tpu.memref_slice %arg4[%add3A, %dma_wait3A_395, %dma_wait3A_396] : memref<32x8x32xi32, #tpu.memory_space<hbm>> -> memref<1x8x32xi32, #tpu.memory_space<hbm>>
      %dma_wait3A_398 = tpu.memref_squeeze %dma_wait3A_397 : memref<1x8x32xi32, #tpu.memory_space<hbm>> -> memref<8x32xi32, #tpu.memory_space<hbm>>
      tpu.wait_dma2 semaphore(%run_scoped3A : memref<!tpu.dma_semaphore, #tpu.memory_space<semaphore_mem>>) src(%dma_wait3A_398 : memref<8x32xi32, #tpu.memory_space<hbm>>) dst(%arg8 : memref<8x32xi32, #tpu.memory_space<vmem>>)
      tpu.yield
    }) : () -> ()
    %dma_start3A = arith.constant 0 : i32
    %dma_start3A_1 = arith.constant 0 : i32
    %dma_start3A_2 = tpu.memref_slice %arg7[%dma_start3A, %dma_start3A_1] : memref<8x32xi32, #tpu.memory_space<vmem>> -> memref<1x32xi32, #tpu.memory_space<vmem>>
    %dma_start3A_3 = tpu.memref_squeeze %dma_start3A_2 : memref<1x32xi32, #tpu.memory_space<vmem>> -> memref<32xi32, #tpu.memory_space<vmem>>
    %dma_start3A_4 = arith.constant 0 : i32
    %dma_start3A_5 = arith.constant 0 : i32
    %dma_start3A_6 = tpu.memref_slice %arg2[%dma_start3A_4, %dma_start3A_5] : memref<20480x768xf32, #tpu.memory_space<hbm>> -> memref<20480x768xf32, #tpu.memory_space<hbm>>
    tpu.enqueue_indirect_dma source(%dma_start3A_6 : memref<20480x768xf32, #tpu.memory_space<hbm>>) target(%arg9 : memref<32x768xf32, #tpu.memory_space<vmem>>) offsets(%dma_start3A_3 : memref<32xi32, #tpu.memory_space<vmem>>) semaphore(%arg13 : memref<!tpu.dma_semaphore, #tpu.memory_space<semaphore_mem>>)
    %dma_start3A_7 = arith.constant 0 : i32
    %dma_start3A_8 = arith.constant 0 : i32
    %dma_start3A_9 = tpu.memref_slice %arg8[%dma_start3A_7, %dma_start3A_8] : memref<8x32xi32, #tpu.memory_space<vmem>> -> memref<1x32xi32, #tpu.memory_space<vmem>>
    %dma_start3A_10 = tpu.memref_squeeze %dma_start3A_9 : memref<1x32xi32, #tpu.memory_space<vmem>> -> memref<32xi32, #tpu.memory_space<vmem>>
    %dma_start3A_11 = arith.constant 0 : i32
    %dma_start3A_12 = arith.constant 0 : i32
    %dma_start3A_13 = tpu.memref_slice %arg2[%dma_start3A_11, %dma_start3A_12] : memref<20480x768xf32, #tpu.memory_space<hbm>> -> memref<20480x768xf32, #tpu.memory_space<hbm>>
    tpu.enqueue_indirect_dma source(%dma_start3A_13 : memref<20480x768xf32, #tpu.memory_space<hbm>>) target(%arg10 : memref<32x768xf32, #tpu.memory_space<vmem>>) offsets(%dma_start3A_10 : memref<32xi32, #tpu.memory_space<vmem>>) semaphore(%arg13 : memref<!tpu.dma_semaphore, #tpu.memory_space<semaphore_mem>>)
    %dma_start3A_14 = arith.constant 1 : i32
    %dma_start3A_15 = arith.constant 0 : i32
    %dma_start3A_16 = tpu.memref_slice %arg7[%dma_start3A_14, %dma_start3A_15] : memref<8x32xi32, #tpu.memory_space<vmem>> -> memref<1x32xi32, #tpu.memory_space<vmem>>
    %dma_start3A_17 = tpu.memref_squeeze %dma_start3A_16 : memref<1x32xi32, #tpu.memory_space<vmem>> -> memref<32xi32, #tpu.memory_space<vmem>>
    %dma_start3A_18 = arith.constant 0 : i32
    %dma_start3A_19 = arith.constant 0 : i32
    %dma_start3A_20 = tpu.memref_slice %arg2[%dma_start3A_18, %dma_start3A_19] : memref<20480x768xf32, #tpu.memory_space<hbm>> -> memref<20480x768xf32, #tpu.memory_space<hbm>>
    tpu.enqueue_indirect_dma source(%dma_start3A_20 : memref<20480x768xf32, #tpu.memory_space<hbm>>) target(%arg11 : memref<32x768xf32, #tpu.memory_space<vmem>>) offsets(%dma_start3A_17 : memref<32xi32, #tpu.memory_space<vmem>>) semaphore(%arg14 : memref<!tpu.dma_semaphore, #tpu.memory_space<semaphore_mem>>)
    %dma_start3A_21 = arith.constant 1 : i32
    %dma_start3A_22 = arith.constant 0 : i32
    %dma_start3A_23 = tpu.memref_slice %arg8[%dma_start3A_21, %dma_start3A_22] : memref<8x32xi32, #tpu.memory_space<vmem>> -> memref<1x32xi32, #tpu.memory_space<vmem>>
    %dma_start3A_24 = tpu.memref_squeeze %dma_start3A_23 : memref<1x32xi32, #tpu.memory_space<vmem>> -> memref<32xi32, #tpu.memory_space<vmem>>
    %dma_start3A_25 = arith.constant 0 : i32
    %dma_start3A_26 = arith.constant 0 : i32
    %dma_start3A_27 = tpu.memref_slice %arg2[%dma_start3A_25, %dma_start3A_26] : memref<20480x768xf32, #tpu.memory_space<hbm>> -> memref<20480x768xf32, #tpu.memory_space<hbm>>
    tpu.enqueue_indirect_dma source(%dma_start3A_27 : memref<20480x768xf32, #tpu.memory_space<hbm>>) target(%arg12 : memref<32x768xf32, #tpu.memory_space<vmem>>) offsets(%dma_start3A_24 : memref<32xi32, #tpu.memory_space<vmem>>) semaphore(%arg14 : memref<!tpu.dma_semaphore, #tpu.memory_space<semaphore_mem>>)
    %dma_wait3A = arith.constant 0 : i32
    %dma_wait3A_28 = arith.constant 0 : i32
    %dma_wait3A_29 = tpu.memref_slice %arg7[%dma_wait3A, %dma_wait3A_28] : memref<8x32xi32, #tpu.memory_space<vmem>> -> memref<1x32xi32, #tpu.memory_space<vmem>>
    %dma_wait3A_30 = tpu.memref_squeeze %dma_wait3A_29 : memref<1x32xi32, #tpu.memory_space<vmem>> -> memref<32xi32, #tpu.memory_space<vmem>>
    %dma_wait3A_31 = arith.constant 0 : i32
    %dma_wait3A_32 = arith.constant 0 : i32
    %dma_wait3A_33 = tpu.memref_slice %arg2[%dma_wait3A_31, %dma_wait3A_32] : memref<20480x768xf32, #tpu.memory_space<hbm>> -> memref<20480x768xf32, #tpu.memory_space<hbm>>
    tpu.wait_indirect_dma semaphore(%arg13 : memref<!tpu.dma_semaphore, #tpu.memory_space<semaphore_mem>>) src(%dma_wait3A_33 : memref<20480x768xf32, #tpu.memory_space<hbm>>) dst(%arg9 : memref<32x768xf32, #tpu.memory_space<vmem>>)
    %dma_wait3A_34 = arith.constant 0 : i32
    %dma_wait3A_35 = arith.constant 0 : i32
    %dma_wait3A_36 = tpu.memref_slice %arg8[%dma_wait3A_34, %dma_wait3A_35] : memref<8x32xi32, #tpu.memory_space<vmem>> -> memref<1x32xi32, #tpu.memory_space<vmem>>
    %dma_wait3A_37 = tpu.memref_squeeze %dma_wait3A_36 : memref<1x32xi32, #tpu.memory_space<vmem>> -> memref<32xi32, #tpu.memory_space<vmem>>
    %dma_wait3A_38 = arith.constant 0 : i32
    %dma_wait3A_39 = arith.constant 0 : i32
    %dma_wait3A_40 = tpu.memref_slice %arg2[%dma_wait3A_38, %dma_wait3A_39] : memref<20480x768xf32, #tpu.memory_space<hbm>> -> memref<20480x768xf32, #tpu.memory_space<hbm>>
    tpu.wait_indirect_dma semaphore(%arg13 : memref<!tpu.dma_semaphore, #tpu.memory_space<semaphore_mem>>) src(%dma_wait3A_40 : memref<20480x768xf32, #tpu.memory_space<hbm>>) dst(%arg10 : memref<32x768xf32, #tpu.memory_space<vmem>>)
    %mul3A_41 = arith.constant 256 : i32
    %mul3A_42 = arith.muli %add3A, %mul3A_41 : i32
    %add3A_43 = arith.constant 0 : i32
    %add3A_44 = arith.addi %mul3A_42, %add3A_43 : i32
    %dma_start3A_45 = arith.constant 0 : i32
    %dma_start3A_46 = tpu.memref_slice %arg5[%add3A_44, %dma_start3A_45] : memref<8192x768xf32, #tpu.memory_space<hbm>> -> memref<32x768xf32, #tpu.memory_space<hbm>>
    %dma_start3A_47 = arith.constant 0 : i32
    %dma_start3A_48 = tpu.memref_slice %arg5[%add3A_44, %dma_start3A_47] : memref<8192x768xf32, #tpu.memory_space<hbm>> -> memref<32x768xf32, #tpu.memory_space<hbm>>
    tpu.enqueue_dma source(%arg9 : memref<32x768xf32, #tpu.memory_space<vmem>>) target(%dma_start3A_48 : memref<32x768xf32, #tpu.memory_space<hbm>>) target_semaphore(%arg15 : memref<!tpu.dma_semaphore, #tpu.memory_space<semaphore_mem>>)
    %dma_start3A_49 = arith.constant 0 : i32
    %dma_start3A_50 = tpu.memref_slice %arg6[%add3A_44, %dma_start3A_49] : memref<8192x768xf32, #tpu.memory_space<hbm>> -> memref<32x768xf32, #tpu.memory_space<hbm>>
    %dma_start3A_51 = arith.constant 0 : i32
    %dma_start3A_52 = tpu.memref_slice %arg6[%add3A_44, %dma_start3A_51] : memref<8192x768xf32, #tpu.memory_space<hbm>> -> memref<32x768xf32, #tpu.memory_space<hbm>>
    tpu.enqueue_dma source(%arg10 : memref<32x768xf32, #tpu.memory_space<vmem>>) target(%dma_start3A_52 : memref<32x768xf32, #tpu.memory_space<hbm>>) target_semaphore(%arg15 : memref<!tpu.dma_semaphore, #tpu.memory_space<semaphore_mem>>)
    %dma_wait3A_53 = arith.constant 0 : i32
    %dma_wait3A_54 = tpu.memref_slice %arg5[%add3A_44, %dma_wait3A_53] : memref<8192x768xf32, #tpu.memory_space<hbm>> -> memref<32x768xf32, #tpu.memory_space<hbm>>
    %dma_wait3A_55 = arith.constant 0 : i32
    %dma_wait3A_56 = tpu.memref_slice %arg5[%add3A_44, %dma_wait3A_55] : memref<8192x768xf32, #tpu.memory_space<hbm>> -> memref<32x768xf32, #tpu.memory_space<hbm>>
    tpu.wait_dma2 semaphore(%arg15 : memref<!tpu.dma_semaphore, #tpu.memory_space<semaphore_mem>>) src(%arg9 : memref<32x768xf32, #tpu.memory_space<vmem>>) dst(%dma_wait3A_56 : memref<32x768xf32, #tpu.memory_space<hbm>>)
    %dma_wait3A_57 = arith.constant 0 : i32
    %dma_wait3A_58 = tpu.memref_slice %arg6[%add3A_44, %dma_wait3A_57] : memref<8192x768xf32, #tpu.memory_space<hbm>> -> memref<32x768xf32, #tpu.memory_space<hbm>>
    %dma_wait3A_59 = arith.constant 0 : i32
    %dma_wait3A_60 = tpu.memref_slice %arg6[%add3A_44, %dma_wait3A_59] : memref<8192x768xf32, #tpu.memory_space<hbm>> -> memref<32x768xf32, #tpu.memory_space<hbm>>
    tpu.wait_dma2 semaphore(%arg15 : memref<!tpu.dma_semaphore, #tpu.memory_space<semaphore_mem>>) src(%arg10 : memref<32x768xf32, #tpu.memory_space<vmem>>) dst(%dma_wait3A_60 : memref<32x768xf32, #tpu.memory_space<hbm>>)
    %dma_start3A_61 = arith.constant 2 : i32
    %dma_start3A_62 = arith.constant 0 : i32
    %dma_start3A_63 = tpu.memref_slice %arg7[%dma_start3A_61, %dma_start3A_62] : memref<8x32xi32, #tpu.memory_space<vmem>> -> memref<1x32xi32, #tpu.memory_space<vmem>>
    %dma_start3A_64 = tpu.memref_squeeze %dma_start3A_63 : memref<1x32xi32, #tpu.memory_space<vmem>> -> memref<32xi32, #tpu.memory_space<vmem>>
    %dma_start3A_65 = arith.constant 0 : i32
    %dma_start3A_66 = arith.constant 0 : i32
    %dma_start3A_67 = tpu.memref_slice %arg2[%dma_start3A_65, %dma_start3A_66] : memref<20480x768xf32, #tpu.memory_space<hbm>> -> memref<20480x768xf32, #tpu.memory_space<hbm>>
    tpu.enqueue_indirect_dma source(%dma_start3A_67 : memref<20480x768xf32, #tpu.memory_space<hbm>>) target(%arg9 : memref<32x768xf32, #tpu.memory_space<vmem>>) offsets(%dma_start3A_64 : memref<32xi32, #tpu.memory_space<vmem>>) semaphore(%arg13 : memref<!tpu.dma_semaphore, #tpu.memory_space<semaphore_mem>>)
    %dma_start3A_68 = arith.constant 2 : i32
    %dma_start3A_69 = arith.constant 0 : i32
    %dma_start3A_70 = tpu.memref_slice %arg8[%dma_start3A_68, %dma_start3A_69] : memref<8x32xi32, #tpu.memory_space<vmem>> -> memref<1x32xi32, #tpu.memory_space<vmem>>
    %dma_start3A_71 = tpu.memref_squeeze %dma_start3A_70 : memref<1x32xi32, #tpu.memory_space<vmem>> -> memref<32xi32, #tpu.memory_space<vmem>>
    %dma_start3A_72 = arith.constant 0 : i32
    %dma_start3A_73 = arith.constant 0 : i32
    %dma_start3A_74 = tpu.memref_slice %arg2[%dma_start3A_72, %dma_start3A_73] : memref<20480x768xf32, #tpu.memory_space<hbm>> -> memref<20480x768xf32, #tpu.memory_space<hbm>>
    tpu.enqueue_indirect_dma source(%dma_start3A_74 : memref<20480x768xf32, #tpu.memory_space<hbm>>) target(%arg10 : memref<32x768xf32, #tpu.memory_space<vmem>>) offsets(%dma_start3A_71 : memref<32xi32, #tpu.memory_space<vmem>>) semaphore(%arg13 : memref<!tpu.dma_semaphore, #tpu.memory_space<semaphore_mem>>)
    %dma_wait3A_75 = arith.constant 1 : i32
    %dma_wait3A_76 = arith.constant 0 : i32
    %dma_wait3A_77 = tpu.memref_slice %arg7[%dma_wait3A_75, %dma_wait3A_76] : memref<8x32xi32, #tpu.memory_space<vmem>> -> memref<1x32xi32, #tpu.memory_space<vmem>>
    %dma_wait3A_78 = tpu.memref_squeeze %dma_wait3A_77 : memref<1x32xi32, #tpu.memory_space<vmem>> -> memref<32xi32, #tpu.memory_space<vmem>>
    %dma_wait3A_79 = arith.constant 0 : i32
    %dma_wait3A_80 = arith.constant 0 : i32
    %dma_wait3A_81 = tpu.memref_slice %arg2[%dma_wait3A_79, %dma_wait3A_80] : memref<20480x768xf32, #tpu.memory_space<hbm>> -> memref<20480x768xf32, #tpu.memory_space<hbm>>
    tpu.wait_indirect_dma semaphore(%arg14 : memref<!tpu.dma_semaphore, #tpu.memory_space<semaphore_mem>>) src(%dma_wait3A_81 : memref<20480x768xf32, #tpu.memory_space<hbm>>) dst(%arg11 : memref<32x768xf32, #tpu.memory_space<vmem>>)
    %dma_wait3A_82 = arith.constant 1 : i32
    %dma_wait3A_83 = arith.constant 0 : i32
    %dma_wait3A_84 = tpu.memref_slice %arg8[%dma_wait3A_82, %dma_wait3A_83] : memref<8x32xi32, #tpu.memory_space<vmem>> -> memref<1x32xi32, #tpu.memory_space<vmem>>
    %dma_wait3A_85 = tpu.memref_squeeze %dma_wait3A_84 : memref<1x32xi32, #tpu.memory_space<vmem>> -> memref<32xi32, #tpu.memory_space<vmem>>
    %dma_wait3A_86 = arith.constant 0 : i32
    %dma_wait3A_87 = arith.constant 0 : i32
    %dma_wait3A_88 = tpu.memref_slice %arg2[%dma_wait3A_86, %dma_wait3A_87] : memref<20480x768xf32, #tpu.memory_space<hbm>> -> memref<20480x768xf32, #tpu.memory_space<hbm>>
    tpu.wait_indirect_dma semaphore(%arg14 : memref<!tpu.dma_semaphore, #tpu.memory_space<semaphore_mem>>) src(%dma_wait3A_88 : memref<20480x768xf32, #tpu.memory_space<hbm>>) dst(%arg12 : memref<32x768xf32, #tpu.memory_space<vmem>>)
    %mul3A_89 = arith.constant 256 : i32
    %mul3A_90 = arith.muli %add3A, %mul3A_89 : i32
    %add3A_91 = arith.constant 32 : i32
    %add3A_92 = arith.addi %mul3A_90, %add3A_91 : i32
    %dma_start3A_93 = arith.constant 0 : i32
    %dma_start3A_94 = tpu.memref_slice %arg5[%add3A_92, %dma_start3A_93] : memref<8192x768xf32, #tpu.memory_space<hbm>> -> memref<32x768xf32, #tpu.memory_space<hbm>>
    %dma_start3A_95 = arith.constant 0 : i32
    %dma_start3A_96 = tpu.memref_slice %arg5[%add3A_92, %dma_start3A_95] : memref<8192x768xf32, #tpu.memory_space<hbm>> -> memref<32x768xf32, #tpu.memory_space<hbm>>
    tpu.enqueue_dma source(%arg11 : memref<32x768xf32, #tpu.memory_space<vmem>>) target(%dma_start3A_96 : memref<32x768xf32, #tpu.memory_space<hbm>>) target_semaphore(%arg15 : memref<!tpu.dma_semaphore, #tpu.memory_space<semaphore_mem>>)
    %dma_start3A_97 = arith.constant 0 : i32
    %dma_start3A_98 = tpu.memref_slice %arg6[%add3A_92, %dma_start3A_97] : memref<8192x768xf32, #tpu.memory_space<hbm>> -> memref<32x768xf32, #tpu.memory_space<hbm>>
    %dma_start3A_99 = arith.constant 0 : i32
    %dma_start3A_100 = tpu.memref_slice %arg6[%add3A_92, %dma_start3A_99] : memref<8192x768xf32, #tpu.memory_space<hbm>> -> memref<32x768xf32, #tpu.memory_space<hbm>>
    tpu.enqueue_dma source(%arg12 : memref<32x768xf32, #tpu.memory_space<vmem>>) target(%dma_start3A_100 : memref<32x768xf32, #tpu.memory_space<hbm>>) target_semaphore(%arg15 : memref<!tpu.dma_semaphore, #tpu.memory_space<semaphore_mem>>)
    %dma_wait3A_101 = arith.constant 0 : i32
    %dma_wait3A_102 = tpu.memref_slice %arg5[%add3A_92, %dma_wait3A_101] : memref<8192x768xf32, #tpu.memory_space<hbm>> -> memref<32x768xf32, #tpu.memory_space<hbm>>
    %dma_wait3A_103 = arith.constant 0 : i32
    %dma_wait3A_104 = tpu.memref_slice %arg5[%add3A_92, %dma_wait3A_103] : memref<8192x768xf32, #tpu.memory_space<hbm>> -> memref<32x768xf32, #tpu.memory_space<hbm>>
    tpu.wait_dma2 semaphore(%arg15 : memref<!tpu.dma_semaphore, #tpu.memory_space<semaphore_mem>>) src(%arg11 : memref<32x768xf32, #tpu.memory_space<vmem>>) dst(%dma_wait3A_104 : memref<32x768xf32, #tpu.memory_space<hbm>>)
    %dma_wait3A_105 = arith.constant 0 : i32
    %dma_wait3A_106 = tpu.memref_slice %arg6[%add3A_92, %dma_wait3A_105] : memref<8192x768xf32, #tpu.memory_space<hbm>> -> memref<32x768xf32, #tpu.memory_space<hbm>>
    %dma_wait3A_107 = arith.constant 0 : i32
    %dma_wait3A_108 = tpu.memref_slice %arg6[%add3A_92, %dma_wait3A_107] : memref<8192x768xf32, #tpu.memory_space<hbm>> -> memref<32x768xf32, #tpu.memory_space<hbm>>
    tpu.wait_dma2 semaphore(%arg15 : memref<!tpu.dma_semaphore, #tpu.memory_space<semaphore_mem>>) src(%arg12 : memref<32x768xf32, #tpu.memory_space<vmem>>) dst(%dma_wait3A_108 : memref<32x768xf32, #tpu.memory_space<hbm>>)
    %dma_start3A_109 = arith.constant 3 : i32
    %dma_start3A_110 = arith.constant 0 : i32
    %dma_start3A_111 = tpu.memref_slice %arg7[%dma_start3A_109, %dma_start3A_110] : memref<8x32xi32, #tpu.memory_space<vmem>> -> memref<1x32xi32, #tpu.memory_space<vmem>>
    %dma_start3A_112 = tpu.memref_squeeze %dma_start3A_111 : memref<1x32xi32, #tpu.memory_space<vmem>> -> memref<32xi32, #tpu.memory_space<vmem>>
    %dma_start3A_113 = arith.constant 0 : i32
    %dma_start3A_114 = arith.constant 0 : i32
    %dma_start3A_115 = tpu.memref_slice %arg2[%dma_start3A_113, %dma_start3A_114] : memref<20480x768xf32, #tpu.memory_space<hbm>> -> memref<20480x768xf32, #tpu.memory_space<hbm>>
    tpu.enqueue_indirect_dma source(%dma_start3A_115 : memref<20480x768xf32, #tpu.memory_space<hbm>>) target(%arg11 : memref<32x768xf32, #tpu.memory_space<vmem>>) offsets(%dma_start3A_112 : memref<32xi32, #tpu.memory_space<vmem>>) semaphore(%arg14 : memref<!tpu.dma_semaphore, #tpu.memory_space<semaphore_mem>>)
    %dma_start3A_116 = arith.constant 3 : i32
    %dma_start3A_117 = arith.constant 0 : i32
    %dma_start3A_118 = tpu.memref_slice %arg8[%dma_start3A_116, %dma_start3A_117] : memref<8x32xi32, #tpu.memory_space<vmem>> -> memref<1x32xi32, #tpu.memory_space<vmem>>
    %dma_start3A_119 = tpu.memref_squeeze %dma_start3A_118 : memref<1x32xi32, #tpu.memory_space<vmem>> -> memref<32xi32, #tpu.memory_space<vmem>>
    %dma_start3A_120 = arith.constant 0 : i32
    %dma_start3A_121 = arith.constant 0 : i32
    %dma_start3A_122 = tpu.memref_slice %arg2[%dma_start3A_120, %dma_start3A_121] : memref<20480x768xf32, #tpu.memory_space<hbm>> -> memref<20480x768xf32, #tpu.memory_space<hbm>>
    tpu.enqueue_indirect_dma source(%dma_start3A_122 : memref<20480x768xf32, #tpu.memory_space<hbm>>) target(%arg12 : memref<32x768xf32, #tpu.memory_space<vmem>>) offsets(%dma_start3A_119 : memref<32xi32, #tpu.memory_space<vmem>>) semaphore(%arg14 : memref<!tpu.dma_semaphore, #tpu.memory_space<semaphore_mem>>)
    %dma_wait3A_123 = arith.constant 2 : i32
    %dma_wait3A_124 = arith.constant 0 : i32
    %dma_wait3A_125 = tpu.memref_slice %arg7[%dma_wait3A_123, %dma_wait3A_124] : memref<8x32xi32, #tpu.memory_space<vmem>> -> memref<1x32xi32, #tpu.memory_space<vmem>>
    %dma_wait3A_126 = tpu.memref_squeeze %dma_wait3A_125 : memref<1x32xi32, #tpu.memory_space<vmem>> -> memref<32xi32, #tpu.memory_space<vmem>>
    %dma_wait3A_127 = arith.constant 0 : i32
    %dma_wait3A_128 = arith.constant 0 : i32
    %dma_wait3A_129 = tpu.memref_slice %arg2[%dma_wait3A_127, %dma_wait3A_128] : memref<20480x768xf32, #tpu.memory_space<hbm>> -> memref<20480x768xf32, #tpu.memory_space<hbm>>
    tpu.wait_indirect_dma semaphore(%arg13 : memref<!tpu.dma_semaphore, #tpu.memory_space<semaphore_mem>>) src(%dma_wait3A_129 : memref<20480x768xf32, #tpu.memory_space<hbm>>) dst(%arg9 : memref<32x768xf32, #tpu.memory_space<vmem>>)
    %dma_wait3A_130 = arith.constant 2 : i32
    %dma_wait3A_131 = arith.constant 0 : i32
    %dma_wait3A_132 = tpu.memref_slice %arg8[%dma_wait3A_130, %dma_wait3A_131] : memref<8x32xi32, #tpu.memory_space<vmem>> -> memref<1x32xi32, #tpu.memory_space<vmem>>
    %dma_wait3A_133 = tpu.memref_squeeze %dma_wait3A_132 : memref<1x32xi32, #tpu.memory_space<vmem>> -> memref<32xi32, #tpu.memory_space<vmem>>
    %dma_wait3A_134 = arith.constant 0 : i32
    %dma_wait3A_135 = arith.constant 0 : i32
    %dma_wait3A_136 = tpu.memref_slice %arg2[%dma_wait3A_134, %dma_wait3A_135] : memref<20480x768xf32, #tpu.memory_space<hbm>> -> memref<20480x768xf32, #tpu.memory_space<hbm>>
    tpu.wait_indirect_dma semaphore(%arg13 : memref<!tpu.dma_semaphore, #tpu.memory_space<semaphore_mem>>) src(%dma_wait3A_136 : memref<20480x768xf32, #tpu.memory_space<hbm>>) dst(%arg10 : memref<32x768xf32, #tpu.memory_space<vmem>>)
    %mul3A_137 = arith.constant 256 : i32
    %mul3A_138 = arith.muli %add3A, %mul3A_137 : i32
    %add3A_139 = arith.constant 64 : i32
    %add3A_140 = arith.addi %mul3A_138, %add3A_139 : i32
    %dma_start3A_141 = arith.constant 0 : i32
    %dma_start3A_142 = tpu.memref_slice %arg5[%add3A_140, %dma_start3A_141] : memref<8192x768xf32, #tpu.memory_space<hbm>> -> memref<32x768xf32, #tpu.memory_space<hbm>>
    %dma_start3A_143 = arith.constant 0 : i32
    %dma_start3A_144 = tpu.memref_slice %arg5[%add3A_140, %dma_start3A_143] : memref<8192x768xf32, #tpu.memory_space<hbm>> -> memref<32x768xf32, #tpu.memory_space<hbm>>
    tpu.enqueue_dma source(%arg9 : memref<32x768xf32, #tpu.memory_space<vmem>>) target(%dma_start3A_144 : memref<32x768xf32, #tpu.memory_space<hbm>>) target_semaphore(%arg15 : memref<!tpu.dma_semaphore, #tpu.memory_space<semaphore_mem>>)
    %dma_start3A_145 = arith.constant 0 : i32
    %dma_start3A_146 = tpu.memref_slice %arg6[%add3A_140, %dma_start3A_145] : memref<8192x768xf32, #tpu.memory_space<hbm>> -> memref<32x768xf32, #tpu.memory_space<hbm>>
    %dma_start3A_147 = arith.constant 0 : i32
    %dma_start3A_148 = tpu.memref_slice %arg6[%add3A_140, %dma_start3A_147] : memref<8192x768xf32, #tpu.memory_space<hbm>> -> memref<32x768xf32, #tpu.memory_space<hbm>>
    tpu.enqueue_dma source(%arg10 : memref<32x768xf32, #tpu.memory_space<vmem>>) target(%dma_start3A_148 : memref<32x768xf32, #tpu.memory_space<hbm>>) target_semaphore(%arg15 : memref<!tpu.dma_semaphore, #tpu.memory_space<semaphore_mem>>)
    %dma_wait3A_149 = arith.constant 0 : i32
    %dma_wait3A_150 = tpu.memref_slice %arg5[%add3A_140, %dma_wait3A_149] : memref<8192x768xf32, #tpu.memory_space<hbm>> -> memref<32x768xf32, #tpu.memory_space<hbm>>
    %dma_wait3A_151 = arith.constant 0 : i32
    %dma_wait3A_152 = tpu.memref_slice %arg5[%add3A_140, %dma_wait3A_151] : memref<8192x768xf32, #tpu.memory_space<hbm>> -> memref<32x768xf32, #tpu.memory_space<hbm>>
    tpu.wait_dma2 semaphore(%arg15 : memref<!tpu.dma_semaphore, #tpu.memory_space<semaphore_mem>>) src(%arg9 : memref<32x768xf32, #tpu.memory_space<vmem>>) dst(%dma_wait3A_152 : memref<32x768xf32, #tpu.memory_space<hbm>>)
    %dma_wait3A_153 = arith.constant 0 : i32
    %dma_wait3A_154 = tpu.memref_slice %arg6[%add3A_140, %dma_wait3A_153] : memref<8192x768xf32, #tpu.memory_space<hbm>> -> memref<32x768xf32, #tpu.memory_space<hbm>>
    %dma_wait3A_155 = arith.constant 0 : i32
    %dma_wait3A_156 = tpu.memref_slice %arg6[%add3A_140, %dma_wait3A_155] : memref<8192x768xf32, #tpu.memory_space<hbm>> -> memref<32x768xf32, #tpu.memory_space<hbm>>
    tpu.wait_dma2 semaphore(%arg15 : memref<!tpu.dma_semaphore, #tpu.memory_space<semaphore_mem>>) src(%arg10 : memref<32x768xf32, #tpu.memory_space<vmem>>) dst(%dma_wait3A_156 : memref<32x768xf32, #tpu.memory_space<hbm>>)
    %dma_start3A_157 = arith.constant 4 : i32
    %dma_start3A_158 = arith.constant 0 : i32
    %dma_start3A_159 = tpu.memref_slice %arg7[%dma_start3A_157, %dma_start3A_158] : memref<8x32xi32, #tpu.memory_space<vmem>> -> memref<1x32xi32, #tpu.memory_space<vmem>>
    %dma_start3A_160 = tpu.memref_squeeze %dma_start3A_159 : memref<1x32xi32, #tpu.memory_space<vmem>> -> memref<32xi32, #tpu.memory_space<vmem>>
    %dma_start3A_161 = arith.constant 0 : i32
    %dma_start3A_162 = arith.constant 0 : i32
    %dma_start3A_163 = tpu.memref_slice %arg2[%dma_start3A_161, %dma_start3A_162] : memref<20480x768xf32, #tpu.memory_space<hbm>> -> memref<20480x768xf32, #tpu.memory_space<hbm>>
    tpu.enqueue_indirect_dma source(%dma_start3A_163 : memref<20480x768xf32, #tpu.memory_space<hbm>>) target(%arg9 : memref<32x768xf32, #tpu.memory_space<vmem>>) offsets(%dma_start3A_160 : memref<32xi32, #tpu.memory_space<vmem>>) semaphore(%arg13 : memref<!tpu.dma_semaphore, #tpu.memory_space<semaphore_mem>>)
    %dma_start3A_164 = arith.constant 4 : i32
    %dma_start3A_165 = arith.constant 0 : i32
    %dma_start3A_166 = tpu.memref_slice %arg8[%dma_start3A_164, %dma_start3A_165] : memref<8x32xi32, #tpu.memory_space<vmem>> -> memref<1x32xi32, #tpu.memory_space<vmem>>
    %dma_start3A_167 = tpu.memref_squeeze %dma_start3A_166 : memref<1x32xi32, #tpu.memory_space<vmem>> -> memref<32xi32, #tpu.memory_space<vmem>>
    %dma_start3A_168 = arith.constant 0 : i32
    %dma_start3A_169 = arith.constant 0 : i32
    %dma_start3A_170 = tpu.memref_slice %arg2[%dma_start3A_168, %dma_start3A_169] : memref<20480x768xf32, #tpu.memory_space<hbm>> -> memref<20480x768xf32, #tpu.memory_space<hbm>>
    tpu.enqueue_indirect_dma source(%dma_start3A_170 : memref<20480x768xf32, #tpu.memory_space<hbm>>) target(%arg10 : memref<32x768xf32, #tpu.memory_space<vmem>>) offsets(%dma_start3A_167 : memref<32xi32, #tpu.memory_space<vmem>>) semaphore(%arg13 : memref<!tpu.dma_semaphore, #tpu.memory_space<semaphore_mem>>)
    %dma_wait3A_171 = arith.constant 3 : i32
    %dma_wait3A_172 = arith.constant 0 : i32
    %dma_wait3A_173 = tpu.memref_slice %arg7[%dma_wait3A_171, %dma_wait3A_172] : memref<8x32xi32, #tpu.memory_space<vmem>> -> memref<1x32xi32, #tpu.memory_space<vmem>>
    %dma_wait3A_174 = tpu.memref_squeeze %dma_wait3A_173 : memref<1x32xi32, #tpu.memory_space<vmem>> -> memref<32xi32, #tpu.memory_space<vmem>>
    %dma_wait3A_175 = arith.constant 0 : i32
    %dma_wait3A_176 = arith.constant 0 : i32
    %dma_wait3A_177 = tpu.memref_slice %arg2[%dma_wait3A_175, %dma_wait3A_176] : memref<20480x768xf32, #tpu.memory_space<hbm>> -> memref<20480x768xf32, #tpu.memory_space<hbm>>
    tpu.wait_indirect_dma semaphore(%arg14 : memref<!tpu.dma_semaphore, #tpu.memory_space<semaphore_mem>>) src(%dma_wait3A_177 : memref<20480x768xf32, #tpu.memory_space<hbm>>) dst(%arg11 : memref<32x768xf32, #tpu.memory_space<vmem>>)
    %dma_wait3A_178 = arith.constant 3 : i32
    %dma_wait3A_179 = arith.constant 0 : i32
    %dma_wait3A_180 = tpu.memref_slice %arg8[%dma_wait3A_178, %dma_wait3A_179] : memref<8x32xi32, #tpu.memory_space<vmem>> -> memref<1x32xi32, #tpu.memory_space<vmem>>
    %dma_wait3A_181 = tpu.memref_squeeze %dma_wait3A_180 : memref<1x32xi32, #tpu.memory_space<vmem>> -> memref<32xi32, #tpu.memory_space<vmem>>
    %dma_wait3A_182 = arith.constant 0 : i32
    %dma_wait3A_183 = arith.constant 0 : i32
    %dma_wait3A_184 = tpu.memref_slice %arg2[%dma_wait3A_182, %dma_wait3A_183] : memref<20480x768xf32, #tpu.memory_space<hbm>> -> memref<20480x768xf32, #tpu.memory_space<hbm>>
    tpu.wait_indirect_dma semaphore(%arg14 : memref<!tpu.dma_semaphore, #tpu.memory_space<semaphore_mem>>) src(%dma_wait3A_184 : memref<20480x768xf32, #tpu.memory_space<hbm>>) dst(%arg12 : memref<32x768xf32, #tpu.memory_space<vmem>>)
    %mul3A_185 = arith.constant 256 : i32
    %mul3A_186 = arith.muli %add3A, %mul3A_185 : i32
    %add3A_187 = arith.constant 96 : i32
    %add3A_188 = arith.addi %mul3A_186, %add3A_187 : i32
    %dma_start3A_189 = arith.constant 0 : i32
    %dma_start3A_190 = tpu.memref_slice %arg5[%add3A_188, %dma_start3A_189] : memref<8192x768xf32, #tpu.memory_space<hbm>> -> memref<32x768xf32, #tpu.memory_space<hbm>>
    %dma_start3A_191 = arith.constant 0 : i32
    %dma_start3A_192 = tpu.memref_slice %arg5[%add3A_188, %dma_start3A_191] : memref<8192x768xf32, #tpu.memory_space<hbm>> -> memref<32x768xf32, #tpu.memory_space<hbm>>
    tpu.enqueue_dma source(%arg11 : memref<32x768xf32, #tpu.memory_space<vmem>>) target(%dma_start3A_192 : memref<32x768xf32, #tpu.memory_space<hbm>>) target_semaphore(%arg15 : memref<!tpu.dma_semaphore, #tpu.memory_space<semaphore_mem>>)
    %dma_start3A_193 = arith.constant 0 : i32
    %dma_start3A_194 = tpu.memref_slice %arg6[%add3A_188, %dma_start3A_193] : memref<8192x768xf32, #tpu.memory_space<hbm>> -> memref<32x768xf32, #tpu.memory_space<hbm>>
    %dma_start3A_195 = arith.constant 0 : i32
    %dma_start3A_196 = tpu.memref_slice %arg6[%add3A_188, %dma_start3A_195] : memref<8192x768xf32, #tpu.memory_space<hbm>> -> memref<32x768xf32, #tpu.memory_space<hbm>>
    tpu.enqueue_dma source(%arg12 : memref<32x768xf32, #tpu.memory_space<vmem>>) target(%dma_start3A_196 : memref<32x768xf32, #tpu.memory_space<hbm>>) target_semaphore(%arg15 : memref<!tpu.dma_semaphore, #tpu.memory_space<semaphore_mem>>)
    %dma_wait3A_197 = arith.constant 0 : i32
    %dma_wait3A_198 = tpu.memref_slice %arg5[%add3A_188, %dma_wait3A_197] : memref<8192x768xf32, #tpu.memory_space<hbm>> -> memref<32x768xf32, #tpu.memory_space<hbm>>
    %dma_wait3A_199 = arith.constant 0 : i32
    %dma_wait3A_200 = tpu.memref_slice %arg5[%add3A_188, %dma_wait3A_199] : memref<8192x768xf32, #tpu.memory_space<hbm>> -> memref<32x768xf32, #tpu.memory_space<hbm>>
    tpu.wait_dma2 semaphore(%arg15 : memref<!tpu.dma_semaphore, #tpu.memory_space<semaphore_mem>>) src(%arg11 : memref<32x768xf32, #tpu.memory_space<vmem>>) dst(%dma_wait3A_200 : memref<32x768xf32, #tpu.memory_space<hbm>>)
    %dma_wait3A_201 = arith.constant 0 : i32
    %dma_wait3A_202 = tpu.memref_slice %arg6[%add3A_188, %dma_wait3A_201] : memref<8192x768xf32, #tpu.memory_space<hbm>> -> memref<32x768xf32, #tpu.memory_space<hbm>>
    %dma_wait3A_203 = arith.constant 0 : i32
    %dma_wait3A_204 = tpu.memref_slice %arg6[%add3A_188, %dma_wait3A_203] : memref<8192x768xf32, #tpu.memory_space<hbm>> -> memref<32x768xf32, #tpu.memory_space<hbm>>
    tpu.wait_dma2 semaphore(%arg15 : memref<!tpu.dma_semaphore, #tpu.memory_space<semaphore_mem>>) src(%arg12 : memref<32x768xf32, #tpu.memory_space<vmem>>) dst(%dma_wait3A_204 : memref<32x768xf32, #tpu.memory_space<hbm>>)
    %dma_start3A_205 = arith.constant 5 : i32
    %dma_start3A_206 = arith.constant 0 : i32
    %dma_start3A_207 = tpu.memref_slice %arg7[%dma_start3A_205, %dma_start3A_206] : memref<8x32xi32, #tpu.memory_space<vmem>> -> memref<1x32xi32, #tpu.memory_space<vmem>>
    %dma_start3A_208 = tpu.memref_squeeze %dma_start3A_207 : memref<1x32xi32, #tpu.memory_space<vmem>> -> memref<32xi32, #tpu.memory_space<vmem>>
    %dma_start3A_209 = arith.constant 0 : i32
    %dma_start3A_210 = arith.constant 0 : i32
    %dma_start3A_211 = tpu.memref_slice %arg2[%dma_start3A_209, %dma_start3A_210] : memref<20480x768xf32, #tpu.memory_space<hbm>> -> memref<20480x768xf32, #tpu.memory_space<hbm>>
    tpu.enqueue_indirect_dma source(%dma_start3A_211 : memref<20480x768xf32, #tpu.memory_space<hbm>>) target(%arg11 : memref<32x768xf32, #tpu.memory_space<vmem>>) offsets(%dma_start3A_208 : memref<32xi32, #tpu.memory_space<vmem>>) semaphore(%arg14 : memref<!tpu.dma_semaphore, #tpu.memory_space<semaphore_mem>>)
    %dma_start3A_212 = arith.constant 5 : i32
    %dma_start3A_213 = arith.constant 0 : i32
    %dma_start3A_214 = tpu.memref_slice %arg8[%dma_start3A_212, %dma_start3A_213] : memref<8x32xi32, #tpu.memory_space<vmem>> -> memref<1x32xi32, #tpu.memory_space<vmem>>
    %dma_start3A_215 = tpu.memref_squeeze %dma_start3A_214 : memref<1x32xi32, #tpu.memory_space<vmem>> -> memref<32xi32, #tpu.memory_space<vmem>>
    %dma_start3A_216 = arith.constant 0 : i32
    %dma_start3A_217 = arith.constant 0 : i32
    %dma_start3A_218 = tpu.memref_slice %arg2[%dma_start3A_216, %dma_start3A_217] : memref<20480x768xf32, #tpu.memory_space<hbm>> -> memref<20480x768xf32, #tpu.memory_space<hbm>>
    tpu.enqueue_indirect_dma source(%dma_start3A_218 : memref<20480x768xf32, #tpu.memory_space<hbm>>) target(%arg12 : memref<32x768xf32, #tpu.memory_space<vmem>>) offsets(%dma_start3A_215 : memref<32xi32, #tpu.memory_space<vmem>>) semaphore(%arg14 : memref<!tpu.dma_semaphore, #tpu.memory_space<semaphore_mem>>)
    %dma_wait3A_219 = arith.constant 4 : i32
    %dma_wait3A_220 = arith.constant 0 : i32
    %dma_wait3A_221 = tpu.memref_slice %arg7[%dma_wait3A_219, %dma_wait3A_220] : memref<8x32xi32, #tpu.memory_space<vmem>> -> memref<1x32xi32, #tpu.memory_space<vmem>>
    %dma_wait3A_222 = tpu.memref_squeeze %dma_wait3A_221 : memref<1x32xi32, #tpu.memory_space<vmem>> -> memref<32xi32, #tpu.memory_space<vmem>>
    %dma_wait3A_223 = arith.constant 0 : i32
    %dma_wait3A_224 = arith.constant 0 : i32
    %dma_wait3A_225 = tpu.memref_slice %arg2[%dma_wait3A_223, %dma_wait3A_224] : memref<20480x768xf32, #tpu.memory_space<hbm>> -> memref<20480x768xf32, #tpu.memory_space<hbm>>
    tpu.wait_indirect_dma semaphore(%arg13 : memref<!tpu.dma_semaphore, #tpu.memory_space<semaphore_mem>>) src(%dma_wait3A_225 : memref<20480x768xf32, #tpu.memory_space<hbm>>) dst(%arg9 : memref<32x768xf32, #tpu.memory_space<vmem>>)
    %dma_wait3A_226 = arith.constant 4 : i32
    %dma_wait3A_227 = arith.constant 0 : i32
    %dma_wait3A_228 = tpu.memref_slice %arg8[%dma_wait3A_226, %dma_wait3A_227] : memref<8x32xi32, #tpu.memory_space<vmem>> -> memref<1x32xi32, #tpu.memory_space<vmem>>
    %dma_wait3A_229 = tpu.memref_squeeze %dma_wait3A_228 : memref<1x32xi32, #tpu.memory_space<vmem>> -> memref<32xi32, #tpu.memory_space<vmem>>
    %dma_wait3A_230 = arith.constant 0 : i32
    %dma_wait3A_231 = arith.constant 0 : i32
    %dma_wait3A_232 = tpu.memref_slice %arg2[%dma_wait3A_230, %dma_wait3A_231] : memref<20480x768xf32, #tpu.memory_space<hbm>> -> memref<20480x768xf32, #tpu.memory_space<hbm>>
    tpu.wait_indirect_dma semaphore(%arg13 : memref<!tpu.dma_semaphore, #tpu.memory_space<semaphore_mem>>) src(%dma_wait3A_232 : memref<20480x768xf32, #tpu.memory_space<hbm>>) dst(%arg10 : memref<32x768xf32, #tpu.memory_space<vmem>>)
    %mul3A_233 = arith.constant 256 : i32
    %mul3A_234 = arith.muli %add3A, %mul3A_233 : i32
    %add3A_235 = arith.constant 128 : i32
    %add3A_236 = arith.addi %mul3A_234, %add3A_235 : i32
    %dma_start3A_237 = arith.constant 0 : i32
    %dma_start3A_238 = tpu.memref_slice %arg5[%add3A_236, %dma_start3A_237] : memref<8192x768xf32, #tpu.memory_space<hbm>> -> memref<32x768xf32, #tpu.memory_space<hbm>>
    %dma_start3A_239 = arith.constant 0 : i32
    %dma_start3A_240 = tpu.memref_slice %arg5[%add3A_236, %dma_start3A_239] : memref<8192x768xf32, #tpu.memory_space<hbm>> -> memref<32x768xf32, #tpu.memory_space<hbm>>
    tpu.enqueue_dma source(%arg9 : memref<32x768xf32, #tpu.memory_space<vmem>>) target(%dma_start3A_240 : memref<32x768xf32, #tpu.memory_space<hbm>>) target_semaphore(%arg15 : memref<!tpu.dma_semaphore, #tpu.memory_space<semaphore_mem>>)
    %dma_start3A_241 = arith.constant 0 : i32
    %dma_start3A_242 = tpu.memref_slice %arg6[%add3A_236, %dma_start3A_241] : memref<8192x768xf32, #tpu.memory_space<hbm>> -> memref<32x768xf32, #tpu.memory_space<hbm>>
    %dma_start3A_243 = arith.constant 0 : i32
    %dma_start3A_244 = tpu.memref_slice %arg6[%add3A_236, %dma_start3A_243] : memref<8192x768xf32, #tpu.memory_space<hbm>> -> memref<32x768xf32, #tpu.memory_space<hbm>>
    tpu.enqueue_dma source(%arg10 : memref<32x768xf32, #tpu.memory_space<vmem>>) target(%dma_start3A_244 : memref<32x768xf32, #tpu.memory_space<hbm>>) target_semaphore(%arg15 : memref<!tpu.dma_semaphore, #tpu.memory_space<semaphore_mem>>)
    %dma_wait3A_245 = arith.constant 0 : i32
    %dma_wait3A_246 = tpu.memref_slice %arg5[%add3A_236, %dma_wait3A_245] : memref<8192x768xf32, #tpu.memory_space<hbm>> -> memref<32x768xf32, #tpu.memory_space<hbm>>
    %dma_wait3A_247 = arith.constant 0 : i32
    %dma_wait3A_248 = tpu.memref_slice %arg5[%add3A_236, %dma_wait3A_247] : memref<8192x768xf32, #tpu.memory_space<hbm>> -> memref<32x768xf32, #tpu.memory_space<hbm>>
    tpu.wait_dma2 semaphore(%arg15 : memref<!tpu.dma_semaphore, #tpu.memory_space<semaphore_mem>>) src(%arg9 : memref<32x768xf32, #tpu.memory_space<vmem>>) dst(%dma_wait3A_248 : memref<32x768xf32, #tpu.memory_space<hbm>>)
    %dma_wait3A_249 = arith.constant 0 : i32
    %dma_wait3A_250 = tpu.memref_slice %arg6[%add3A_236, %dma_wait3A_249] : memref<8192x768xf32, #tpu.memory_space<hbm>> -> memref<32x768xf32, #tpu.memory_space<hbm>>
    %dma_wait3A_251 = arith.constant 0 : i32
    %dma_wait3A_252 = tpu.memref_slice %arg6[%add3A_236, %dma_wait3A_251] : memref<8192x768xf32, #tpu.memory_space<hbm>> -> memref<32x768xf32, #tpu.memory_space<hbm>>
    tpu.wait_dma2 semaphore(%arg15 : memref<!tpu.dma_semaphore, #tpu.memory_space<semaphore_mem>>) src(%arg10 : memref<32x768xf32, #tpu.memory_space<vmem>>) dst(%dma_wait3A_252 : memref<32x768xf32, #tpu.memory_space<hbm>>)
    %dma_start3A_253 = arith.constant 6 : i32
    %dma_start3A_254 = arith.constant 0 : i32
    %dma_start3A_255 = tpu.memref_slice %arg7[%dma_start3A_253, %dma_start3A_254] : memref<8x32xi32, #tpu.memory_space<vmem>> -> memref<1x32xi32, #tpu.memory_space<vmem>>
    %dma_start3A_256 = tpu.memref_squeeze %dma_start3A_255 : memref<1x32xi32, #tpu.memory_space<vmem>> -> memref<32xi32, #tpu.memory_space<vmem>>
    %dma_start3A_257 = arith.constant 0 : i32
    %dma_start3A_258 = arith.constant 0 : i32
    %dma_start3A_259 = tpu.memref_slice %arg2[%dma_start3A_257, %dma_start3A_258] : memref<20480x768xf32, #tpu.memory_space<hbm>> -> memref<20480x768xf32, #tpu.memory_space<hbm>>
    tpu.enqueue_indirect_dma source(%dma_start3A_259 : memref<20480x768xf32, #tpu.memory_space<hbm>>) target(%arg9 : memref<32x768xf32, #tpu.memory_space<vmem>>) offsets(%dma_start3A_256 : memref<32xi32, #tpu.memory_space<vmem>>) semaphore(%arg13 : memref<!tpu.dma_semaphore, #tpu.memory_space<semaphore_mem>>)
    %dma_start3A_260 = arith.constant 6 : i32
    %dma_start3A_261 = arith.constant 0 : i32
    %dma_start3A_262 = tpu.memref_slice %arg8[%dma_start3A_260, %dma_start3A_261] : memref<8x32xi32, #tpu.memory_space<vmem>> -> memref<1x32xi32, #tpu.memory_space<vmem>>
    %dma_start3A_263 = tpu.memref_squeeze %dma_start3A_262 : memref<1x32xi32, #tpu.memory_space<vmem>> -> memref<32xi32, #tpu.memory_space<vmem>>
    %dma_start3A_264 = arith.constant 0 : i32
    %dma_start3A_265 = arith.constant 0 : i32
    %dma_start3A_266 = tpu.memref_slice %arg2[%dma_start3A_264, %dma_start3A_265] : memref<20480x768xf32, #tpu.memory_space<hbm>> -> memref<20480x768xf32, #tpu.memory_space<hbm>>
    tpu.enqueue_indirect_dma source(%dma_start3A_266 : memref<20480x768xf32, #tpu.memory_space<hbm>>) target(%arg10 : memref<32x768xf32, #tpu.memory_space<vmem>>) offsets(%dma_start3A_263 : memref<32xi32, #tpu.memory_space<vmem>>) semaphore(%arg13 : memref<!tpu.dma_semaphore, #tpu.memory_space<semaphore_mem>>)
    %dma_wait3A_267 = arith.constant 5 : i32
    %dma_wait3A_268 = arith.constant 0 : i32
    %dma_wait3A_269 = tpu.memref_slice %arg7[%dma_wait3A_267, %dma_wait3A_268] : memref<8x32xi32, #tpu.memory_space<vmem>> -> memref<1x32xi32, #tpu.memory_space<vmem>>
    %dma_wait3A_270 = tpu.memref_squeeze %dma_wait3A_269 : memref<1x32xi32, #tpu.memory_space<vmem>> -> memref<32xi32, #tpu.memory_space<vmem>>
    %dma_wait3A_271 = arith.constant 0 : i32
    %dma_wait3A_272 = arith.constant 0 : i32
    %dma_wait3A_273 = tpu.memref_slice %arg2[%dma_wait3A_271, %dma_wait3A_272] : memref<20480x768xf32, #tpu.memory_space<hbm>> -> memref<20480x768xf32, #tpu.memory_space<hbm>>
    tpu.wait_indirect_dma semaphore(%arg14 : memref<!tpu.dma_semaphore, #tpu.memory_space<semaphore_mem>>) src(%dma_wait3A_273 : memref<20480x768xf32, #tpu.memory_space<hbm>>) dst(%arg11 : memref<32x768xf32, #tpu.memory_space<vmem>>)
    %dma_wait3A_274 = arith.constant 5 : i32
    %dma_wait3A_275 = arith.constant 0 : i32
    %dma_wait3A_276 = tpu.memref_slice %arg8[%dma_wait3A_274, %dma_wait3A_275] : memref<8x32xi32, #tpu.memory_space<vmem>> -> memref<1x32xi32, #tpu.memory_space<vmem>>
    %dma_wait3A_277 = tpu.memref_squeeze %dma_wait3A_276 : memref<1x32xi32, #tpu.memory_space<vmem>> -> memref<32xi32, #tpu.memory_space<vmem>>
    %dma_wait3A_278 = arith.constant 0 : i32
    %dma_wait3A_279 = arith.constant 0 : i32
    %dma_wait3A_280 = tpu.memref_slice %arg2[%dma_wait3A_278, %dma_wait3A_279] : memref<20480x768xf32, #tpu.memory_space<hbm>> -> memref<20480x768xf32, #tpu.memory_space<hbm>>
    tpu.wait_indirect_dma semaphore(%arg14 : memref<!tpu.dma_semaphore, #tpu.memory_space<semaphore_mem>>) src(%dma_wait3A_280 : memref<20480x768xf32, #tpu.memory_space<hbm>>) dst(%arg12 : memref<32x768xf32, #tpu.memory_space<vmem>>)
    %mul3A_281 = arith.constant 256 : i32
    %mul3A_282 = arith.muli %add3A, %mul3A_281 : i32
    %add3A_283 = arith.constant 160 : i32
    %add3A_284 = arith.addi %mul3A_282, %add3A_283 : i32
    %dma_start3A_285 = arith.constant 0 : i32
    %dma_start3A_286 = tpu.memref_slice %arg5[%add3A_284, %dma_start3A_285] : memref<8192x768xf32, #tpu.memory_space<hbm>> -> memref<32x768xf32, #tpu.memory_space<hbm>>
    %dma_start3A_287 = arith.constant 0 : i32
    %dma_start3A_288 = tpu.memref_slice %arg5[%add3A_284, %dma_start3A_287] : memref<8192x768xf32, #tpu.memory_space<hbm>> -> memref<32x768xf32, #tpu.memory_space<hbm>>
    tpu.enqueue_dma source(%arg11 : memref<32x768xf32, #tpu.memory_space<vmem>>) target(%dma_start3A_288 : memref<32x768xf32, #tpu.memory_space<hbm>>) target_semaphore(%arg15 : memref<!tpu.dma_semaphore, #tpu.memory_space<semaphore_mem>>)
    %dma_start3A_289 = arith.constant 0 : i32
    %dma_start3A_290 = tpu.memref_slice %arg6[%add3A_284, %dma_start3A_289] : memref<8192x768xf32, #tpu.memory_space<hbm>> -> memref<32x768xf32, #tpu.memory_space<hbm>>
    %dma_start3A_291 = arith.constant 0 : i32
    %dma_start3A_292 = tpu.memref_slice %arg6[%add3A_284, %dma_start3A_291] : memref<8192x768xf32, #tpu.memory_space<hbm>> -> memref<32x768xf32, #tpu.memory_space<hbm>>
    tpu.enqueue_dma source(%arg12 : memref<32x768xf32, #tpu.memory_space<vmem>>) target(%dma_start3A_292 : memref<32x768xf32, #tpu.memory_space<hbm>>) target_semaphore(%arg15 : memref<!tpu.dma_semaphore, #tpu.memory_space<semaphore_mem>>)
    %dma_wait3A_293 = arith.constant 0 : i32
    %dma_wait3A_294 = tpu.memref_slice %arg5[%add3A_284, %dma_wait3A_293] : memref<8192x768xf32, #tpu.memory_space<hbm>> -> memref<32x768xf32, #tpu.memory_space<hbm>>
    %dma_wait3A_295 = arith.constant 0 : i32
    %dma_wait3A_296 = tpu.memref_slice %arg5[%add3A_284, %dma_wait3A_295] : memref<8192x768xf32, #tpu.memory_space<hbm>> -> memref<32x768xf32, #tpu.memory_space<hbm>>
    tpu.wait_dma2 semaphore(%arg15 : memref<!tpu.dma_semaphore, #tpu.memory_space<semaphore_mem>>) src(%arg11 : memref<32x768xf32, #tpu.memory_space<vmem>>) dst(%dma_wait3A_296 : memref<32x768xf32, #tpu.memory_space<hbm>>)
    %dma_wait3A_297 = arith.constant 0 : i32
    %dma_wait3A_298 = tpu.memref_slice %arg6[%add3A_284, %dma_wait3A_297] : memref<8192x768xf32, #tpu.memory_space<hbm>> -> memref<32x768xf32, #tpu.memory_space<hbm>>
    %dma_wait3A_299 = arith.constant 0 : i32
    %dma_wait3A_300 = tpu.memref_slice %arg6[%add3A_284, %dma_wait3A_299] : memref<8192x768xf32, #tpu.memory_space<hbm>> -> memref<32x768xf32, #tpu.memory_space<hbm>>
    tpu.wait_dma2 semaphore(%arg15 : memref<!tpu.dma_semaphore, #tpu.memory_space<semaphore_mem>>) src(%arg12 : memref<32x768xf32, #tpu.memory_space<vmem>>) dst(%dma_wait3A_300 : memref<32x768xf32, #tpu.memory_space<hbm>>)
    %dma_start3A_301 = arith.constant 7 : i32
    %dma_start3A_302 = arith.constant 0 : i32
    %dma_start3A_303 = tpu.memref_slice %arg7[%dma_start3A_301, %dma_start3A_302] : memref<8x32xi32, #tpu.memory_space<vmem>> -> memref<1x32xi32, #tpu.memory_space<vmem>>
    %dma_start3A_304 = tpu.memref_squeeze %dma_start3A_303 : memref<1x32xi32, #tpu.memory_space<vmem>> -> memref<32xi32, #tpu.memory_space<vmem>>
    %dma_start3A_305 = arith.constant 0 : i32
    %dma_start3A_306 = arith.constant 0 : i32
    %dma_start3A_307 = tpu.memref_slice %arg2[%dma_start3A_305, %dma_start3A_306] : memref<20480x768xf32, #tpu.memory_space<hbm>> -> memref<20480x768xf32, #tpu.memory_space<hbm>>
    tpu.enqueue_indirect_dma source(%dma_start3A_307 : memref<20480x768xf32, #tpu.memory_space<hbm>>) target(%arg11 : memref<32x768xf32, #tpu.memory_space<vmem>>) offsets(%dma_start3A_304 : memref<32xi32, #tpu.memory_space<vmem>>) semaphore(%arg14 : memref<!tpu.dma_semaphore, #tpu.memory_space<semaphore_mem>>)
    %dma_start3A_308 = arith.constant 7 : i32
    %dma_start3A_309 = arith.constant 0 : i32
    %dma_start3A_310 = tpu.memref_slice %arg8[%dma_start3A_308, %dma_start3A_309] : memref<8x32xi32, #tpu.memory_space<vmem>> -> memref<1x32xi32, #tpu.memory_space<vmem>>
    %dma_start3A_311 = tpu.memref_squeeze %dma_start3A_310 : memref<1x32xi32, #tpu.memory_space<vmem>> -> memref<32xi32, #tpu.memory_space<vmem>>
    %dma_start3A_312 = arith.constant 0 : i32
    %dma_start3A_313 = arith.constant 0 : i32
    %dma_start3A_314 = tpu.memref_slice %arg2[%dma_start3A_312, %dma_start3A_313] : memref<20480x768xf32, #tpu.memory_space<hbm>> -> memref<20480x768xf32, #tpu.memory_space<hbm>>
    tpu.enqueue_indirect_dma source(%dma_start3A_314 : memref<20480x768xf32, #tpu.memory_space<hbm>>) target(%arg12 : memref<32x768xf32, #tpu.memory_space<vmem>>) offsets(%dma_start3A_311 : memref<32xi32, #tpu.memory_space<vmem>>) semaphore(%arg14 : memref<!tpu.dma_semaphore, #tpu.memory_space<semaphore_mem>>)
    %dma_wait3A_315 = arith.constant 6 : i32
    %dma_wait3A_316 = arith.constant 0 : i32
    %dma_wait3A_317 = tpu.memref_slice %arg7[%dma_wait3A_315, %dma_wait3A_316] : memref<8x32xi32, #tpu.memory_space<vmem>> -> memref<1x32xi32, #tpu.memory_space<vmem>>
    %dma_wait3A_318 = tpu.memref_squeeze %dma_wait3A_317 : memref<1x32xi32, #tpu.memory_space<vmem>> -> memref<32xi32, #tpu.memory_space<vmem>>
    %dma_wait3A_319 = arith.constant 0 : i32
    %dma_wait3A_320 = arith.constant 0 : i32
    %dma_wait3A_321 = tpu.memref_slice %arg2[%dma_wait3A_319, %dma_wait3A_320] : memref<20480x768xf32, #tpu.memory_space<hbm>> -> memref<20480x768xf32, #tpu.memory_space<hbm>>
    tpu.wait_indirect_dma semaphore(%arg13 : memref<!tpu.dma_semaphore, #tpu.memory_space<semaphore_mem>>) src(%dma_wait3A_321 : memref<20480x768xf32, #tpu.memory_space<hbm>>) dst(%arg9 : memref<32x768xf32, #tpu.memory_space<vmem>>)
    %dma_wait3A_322 = arith.constant 6 : i32
    %dma_wait3A_323 = arith.constant 0 : i32
    %dma_wait3A_324 = tpu.memref_slice %arg8[%dma_wait3A_322, %dma_wait3A_323] : memref<8x32xi32, #tpu.memory_space<vmem>> -> memref<1x32xi32, #tpu.memory_space<vmem>>
    %dma_wait3A_325 = tpu.memref_squeeze %dma_wait3A_324 : memref<1x32xi32, #tpu.memory_space<vmem>> -> memref<32xi32, #tpu.memory_space<vmem>>
    %dma_wait3A_326 = arith.constant 0 : i32
    %dma_wait3A_327 = arith.constant 0 : i32
    %dma_wait3A_328 = tpu.memref_slice %arg2[%dma_wait3A_326, %dma_wait3A_327] : memref<20480x768xf32, #tpu.memory_space<hbm>> -> memref<20480x768xf32, #tpu.memory_space<hbm>>
    tpu.wait_indirect_dma semaphore(%arg13 : memref<!tpu.dma_semaphore, #tpu.memory_space<semaphore_mem>>) src(%dma_wait3A_328 : memref<20480x768xf32, #tpu.memory_space<hbm>>) dst(%arg10 : memref<32x768xf32, #tpu.memory_space<vmem>>)
    %mul3A_329 = arith.constant 256 : i32
    %mul3A_330 = arith.muli %add3A, %mul3A_329 : i32
    %add3A_331 = arith.constant 192 : i32
    %add3A_332 = arith.addi %mul3A_330, %add3A_331 : i32
    %dma_start3A_333 = arith.constant 0 : i32
    %dma_start3A_334 = tpu.memref_slice %arg5[%add3A_332, %dma_start3A_333] : memref<8192x768xf32, #tpu.memory_space<hbm>> -> memref<32x768xf32, #tpu.memory_space<hbm>>
    %dma_start3A_335 = arith.constant 0 : i32
    %dma_start3A_336 = tpu.memref_slice %arg5[%add3A_332, %dma_start3A_335] : memref<8192x768xf32, #tpu.memory_space<hbm>> -> memref<32x768xf32, #tpu.memory_space<hbm>>
    tpu.enqueue_dma source(%arg9 : memref<32x768xf32, #tpu.memory_space<vmem>>) target(%dma_start3A_336 : memref<32x768xf32, #tpu.memory_space<hbm>>) target_semaphore(%arg15 : memref<!tpu.dma_semaphore, #tpu.memory_space<semaphore_mem>>)
    %dma_start3A_337 = arith.constant 0 : i32
    %dma_start3A_338 = tpu.memref_slice %arg6[%add3A_332, %dma_start3A_337] : memref<8192x768xf32, #tpu.memory_space<hbm>> -> memref<32x768xf32, #tpu.memory_space<hbm>>
    %dma_start3A_339 = arith.constant 0 : i32
    %dma_start3A_340 = tpu.memref_slice %arg6[%add3A_332, %dma_start3A_339] : memref<8192x768xf32, #tpu.memory_space<hbm>> -> memref<32x768xf32, #tpu.memory_space<hbm>>
    tpu.enqueue_dma source(%arg10 : memref<32x768xf32, #tpu.memory_space<vmem>>) target(%dma_start3A_340 : memref<32x768xf32, #tpu.memory_space<hbm>>) target_semaphore(%arg15 : memref<!tpu.dma_semaphore, #tpu.memory_space<semaphore_mem>>)
    %dma_wait3A_341 = arith.constant 7 : i32
    %dma_wait3A_342 = arith.constant 0 : i32
    %dma_wait3A_343 = tpu.memref_slice %arg7[%dma_wait3A_341, %dma_wait3A_342] : memref<8x32xi32, #tpu.memory_space<vmem>> -> memref<1x32xi32, #tpu.memory_space<vmem>>
    %dma_wait3A_344 = tpu.memref_squeeze %dma_wait3A_343 : memref<1x32xi32, #tpu.memory_space<vmem>> -> memref<32xi32, #tpu.memory_space<vmem>>
    %dma_wait3A_345 = arith.constant 0 : i32
    %dma_wait3A_346 = arith.constant 0 : i32
    %dma_wait3A_347 = tpu.memref_slice %arg2[%dma_wait3A_345, %dma_wait3A_346] : memref<20480x768xf32, #tpu.memory_space<hbm>> -> memref<20480x768xf32, #tpu.memory_space<hbm>>
    tpu.wait_indirect_dma semaphore(%arg14 : memref<!tpu.dma_semaphore, #tpu.memory_space<semaphore_mem>>) src(%dma_wait3A_347 : memref<20480x768xf32, #tpu.memory_space<hbm>>) dst(%arg11 : memref<32x768xf32, #tpu.memory_space<vmem>>)
    %dma_wait3A_348 = arith.constant 7 : i32
    %dma_wait3A_349 = arith.constant 0 : i32
    %dma_wait3A_350 = tpu.memref_slice %arg8[%dma_wait3A_348, %dma_wait3A_349] : memref<8x32xi32, #tpu.memory_space<vmem>> -> memref<1x32xi32, #tpu.memory_space<vmem>>
    %dma_wait3A_351 = tpu.memref_squeeze %dma_wait3A_350 : memref<1x32xi32, #tpu.memory_space<vmem>> -> memref<32xi32, #tpu.memory_space<vmem>>
    %dma_wait3A_352 = arith.constant 0 : i32
    %dma_wait3A_353 = arith.constant 0 : i32
    %dma_wait3A_354 = tpu.memref_slice %arg2[%dma_wait3A_352, %dma_wait3A_353] : memref<20480x768xf32, #tpu.memory_space<hbm>> -> memref<20480x768xf32, #tpu.memory_space<hbm>>
    tpu.wait_indirect_dma semaphore(%arg14 : memref<!tpu.dma_semaphore, #tpu.memory_space<semaphore_mem>>) src(%dma_wait3A_354 : memref<20480x768xf32, #tpu.memory_space<hbm>>) dst(%arg12 : memref<32x768xf32, #tpu.memory_space<vmem>>)
    %mul3A_355 = arith.constant 256 : i32
    %mul3A_356 = arith.muli %add3A, %mul3A_355 : i32
    %add3A_357 = arith.constant 224 : i32
    %add3A_358 = arith.addi %mul3A_356, %add3A_357 : i32
    %dma_start3A_359 = arith.constant 0 : i32
    %dma_start3A_360 = tpu.memref_slice %arg5[%add3A_358, %dma_start3A_359] : memref<8192x768xf32, #tpu.memory_space<hbm>> -> memref<32x768xf32, #tpu.memory_space<hbm>>
    %dma_start3A_361 = arith.constant 0 : i32
    %dma_start3A_362 = tpu.memref_slice %arg5[%add3A_358, %dma_start3A_361] : memref<8192x768xf32, #tpu.memory_space<hbm>> -> memref<32x768xf32, #tpu.memory_space<hbm>>
    tpu.enqueue_dma source(%arg11 : memref<32x768xf32, #tpu.memory_space<vmem>>) target(%dma_start3A_362 : memref<32x768xf32, #tpu.memory_space<hbm>>) target_semaphore(%arg15 : memref<!tpu.dma_semaphore, #tpu.memory_space<semaphore_mem>>)
    %dma_start3A_363 = arith.constant 0 : i32
    %dma_start3A_364 = tpu.memref_slice %arg6[%add3A_358, %dma_start3A_363] : memref<8192x768xf32, #tpu.memory_space<hbm>> -> memref<32x768xf32, #tpu.memory_space<hbm>>
    %dma_start3A_365 = arith.constant 0 : i32
    %dma_start3A_366 = tpu.memref_slice %arg6[%add3A_358, %dma_start3A_365] : memref<8192x768xf32, #tpu.memory_space<hbm>> -> memref<32x768xf32, #tpu.memory_space<hbm>>
    tpu.enqueue_dma source(%arg12 : memref<32x768xf32, #tpu.memory_space<vmem>>) target(%dma_start3A_366 : memref<32x768xf32, #tpu.memory_space<hbm>>) target_semaphore(%arg15 : memref<!tpu.dma_semaphore, #tpu.memory_space<semaphore_mem>>)
    %dma_wait3A_367 = arith.constant 0 : i32
    %dma_wait3A_368 = tpu.memref_slice %arg5[%add3A_332, %dma_wait3A_367] : memref<8192x768xf32, #tpu.memory_space<hbm>> -> memref<32x768xf32, #tpu.memory_space<hbm>>
    %dma_wait3A_369 = arith.constant 0 : i32
    %dma_wait3A_370 = tpu.memref_slice %arg5[%add3A_332, %dma_wait3A_369] : memref<8192x768xf32, #tpu.memory_space<hbm>> -> memref<32x768xf32, #tpu.memory_space<hbm>>
    tpu.wait_dma2 semaphore(%arg15 : memref<!tpu.dma_semaphore, #tpu.memory_space<semaphore_mem>>) src(%arg9 : memref<32x768xf32, #tpu.memory_space<vmem>>) dst(%dma_wait3A_370 : memref<32x768xf32, #tpu.memory_space<hbm>>)
    %dma_wait3A_371 = arith.constant 0 : i32
    %dma_wait3A_372 = tpu.memref_slice %arg6[%add3A_332, %dma_wait3A_371] : memref<8192x768xf32, #tpu.memory_space<hbm>> -> memref<32x768xf32, #tpu.memory_space<hbm>>
    %dma_wait3A_373 = arith.constant 0 : i32
    %dma_wait3A_374 = tpu.memref_slice %arg6[%add3A_332, %dma_wait3A_373] : memref<8192x768xf32, #tpu.memory_space<hbm>> -> memref<32x768xf32, #tpu.memory_space<hbm>>
    tpu.wait_dma2 semaphore(%arg15 : memref<!tpu.dma_semaphore, #tpu.memory_space<semaphore_mem>>) src(%arg10 : memref<32x768xf32, #tpu.memory_space<vmem>>) dst(%dma_wait3A_374 : memref<32x768xf32, #tpu.memory_space<hbm>>)
    %dma_wait3A_375 = arith.constant 0 : i32
    %dma_wait3A_376 = tpu.memref_slice %arg5[%add3A_358, %dma_wait3A_375] : memref<8192x768xf32, #tpu.memory_space<hbm>> -> memref<32x768xf32, #tpu.memory_space<hbm>>
    %dma_wait3A_377 = arith.constant 0 : i32
    %dma_wait3A_378 = tpu.memref_slice %arg5[%add3A_358, %dma_wait3A_377] : memref<8192x768xf32, #tpu.memory_space<hbm>> -> memref<32x768xf32, #tpu.memory_space<hbm>>
    tpu.wait_dma2 semaphore(%arg15 : memref<!tpu.dma_semaphore, #tpu.memory_space<semaphore_mem>>) src(%arg11 : memref<32x768xf32, #tpu.memory_space<vmem>>) dst(%dma_wait3A_378 : memref<32x768xf32, #tpu.memory_space<hbm>>)
    %dma_wait3A_379 = arith.constant 0 : i32
    %dma_wait3A_380 = tpu.memref_slice %arg6[%add3A_358, %dma_wait3A_379] : memref<8192x768xf32, #tpu.memory_space<hbm>> -> memref<32x768xf32, #tpu.memory_space<hbm>>
    %dma_wait3A_381 = arith.constant 0 : i32
    %dma_wait3A_382 = tpu.memref_slice %arg6[%add3A_358, %dma_wait3A_381] : memref<8192x768xf32, #tpu.memory_space<hbm>> -> memref<32x768xf32, #tpu.memory_space<hbm>>
    tpu.wait_dma2 semaphore(%arg15 : memref<!tpu.dma_semaphore, #tpu.memory_space<semaphore_mem>>) src(%arg12 : memref<32x768xf32, #tpu.memory_space<vmem>>) dst(%dma_wait3A_382 : memref<32x768xf32, #tpu.memory_space<hbm>>)
    return
  }
}

#map = affine_map<(d0, d1) -> (0, 0)>
#map1 = affine_map<(d0, d1) -> (0, 0, 0)>
module attributes {stable_mosaic.version = 14 : i64} {
  func.func @_k4_sc(%arg0: i32, %arg1: i32, %arg2: memref<8192x768xf32, #tpu.memory_space<hbm>>, %arg3: memref<32x4x64xi32, #tpu.memory_space<hbm>>, %arg4: memref<32x4x64xi32, #tpu.memory_space<hbm>>, %arg5: memref<20480x768xf32, #tpu.memory_space<hbm>>, %arg6: memref<4x64xi32, #tpu.memory_space<vmem>>, %arg7: memref<4x64xi32, #tpu.memory_space<vmem>>, %arg8: memref<64x768xf32, #tpu.memory_space<vmem>>, %arg9: memref<64x768xf32, #tpu.memory_space<vmem>>, %arg10: memref<!tpu.dma_semaphore, #tpu.memory_space<semaphore_mem>>, %arg11: memref<!tpu.dma_semaphore, #tpu.memory_space<semaphore_mem>>, %arg12: memref<!tpu.dma_semaphore, #tpu.memory_space<semaphore_mem>>) attributes {dimension_semantics = [#tpu.dimension_semantics<core_parallel>, #tpu.dimension_semantics<subcore_parallel>], iteration_bounds = array<i64: 2, 16>, scalar_prefetch = 0 : i64, scratch_operands = 7 : i64, tpu.core_type = #tpu.core_type<sc_vector_subcore>, window_params = [{transform_indices = #map}, {transform_indices = #map1}, {transform_indices = #map1}, {transform_indices = #map}]} {
    %mul3A = arith.constant 2 : i32
    %mul3A_0 = arith.muli %arg1, %mul3A : i32
    %add3A = arith.addi %mul3A_0, %arg0 : i32
    "tpu.region"() ({
      %run_scoped3A = tpu.sem_alloc : memref<!tpu.dma_semaphore, #tpu.memory_space<semaphore_mem>>
      %dma_start3A_157 = arith.constant 0 : i32
      %dma_start3A_158 = arith.constant 0 : i32
      %dma_start3A_159 = tpu.memref_slice %arg3[%add3A, %dma_start3A_157, %dma_start3A_158] : memref<32x4x64xi32, #tpu.memory_space<hbm>> -> memref<1x4x64xi32, #tpu.memory_space<hbm>>
      %dma_start3A_160 = tpu.memref_squeeze %dma_start3A_159 : memref<1x4x64xi32, #tpu.memory_space<hbm>> -> memref<4x64xi32, #tpu.memory_space<hbm>>
      %dma_start3A_161 = arith.constant 0 : i32
      %dma_start3A_162 = arith.constant 0 : i32
      %dma_start3A_163 = tpu.memref_slice %arg3[%add3A, %dma_start3A_161, %dma_start3A_162] : memref<32x4x64xi32, #tpu.memory_space<hbm>> -> memref<1x4x64xi32, #tpu.memory_space<hbm>>
      %dma_start3A_164 = tpu.memref_squeeze %dma_start3A_163 : memref<1x4x64xi32, #tpu.memory_space<hbm>> -> memref<4x64xi32, #tpu.memory_space<hbm>>
      tpu.enqueue_dma source(%dma_start3A_164 : memref<4x64xi32, #tpu.memory_space<hbm>>) target(%arg6 : memref<4x64xi32, #tpu.memory_space<vmem>>) target_semaphore(%run_scoped3A : memref<!tpu.dma_semaphore, #tpu.memory_space<semaphore_mem>>)
      %dma_wait3A_165 = arith.constant 0 : i32
      %dma_wait3A_166 = arith.constant 0 : i32
      %dma_wait3A_167 = tpu.memref_slice %arg3[%add3A, %dma_wait3A_165, %dma_wait3A_166] : memref<32x4x64xi32, #tpu.memory_space<hbm>> -> memref<1x4x64xi32, #tpu.memory_space<hbm>>
      %dma_wait3A_168 = tpu.memref_squeeze %dma_wait3A_167 : memref<1x4x64xi32, #tpu.memory_space<hbm>> -> memref<4x64xi32, #tpu.memory_space<hbm>>
      %dma_wait3A_169 = arith.constant 0 : i32
      %dma_wait3A_170 = arith.constant 0 : i32
      %dma_wait3A_171 = tpu.memref_slice %arg3[%add3A, %dma_wait3A_169, %dma_wait3A_170] : memref<32x4x64xi32, #tpu.memory_space<hbm>> -> memref<1x4x64xi32, #tpu.memory_space<hbm>>
      %dma_wait3A_172 = tpu.memref_squeeze %dma_wait3A_171 : memref<1x4x64xi32, #tpu.memory_space<hbm>> -> memref<4x64xi32, #tpu.memory_space<hbm>>
      tpu.wait_dma2 semaphore(%run_scoped3A : memref<!tpu.dma_semaphore, #tpu.memory_space<semaphore_mem>>) src(%dma_wait3A_172 : memref<4x64xi32, #tpu.memory_space<hbm>>) dst(%arg6 : memref<4x64xi32, #tpu.memory_space<vmem>>)
      tpu.yield
    }) : () -> ()
    "tpu.region"() ({
      %run_scoped3A = tpu.sem_alloc : memref<!tpu.dma_semaphore, #tpu.memory_space<semaphore_mem>>
      %dma_start3A_157 = arith.constant 0 : i32
      %dma_start3A_158 = arith.constant 0 : i32
      %dma_start3A_159 = tpu.memref_slice %arg4[%add3A, %dma_start3A_157, %dma_start3A_158] : memref<32x4x64xi32, #tpu.memory_space<hbm>> -> memref<1x4x64xi32, #tpu.memory_space<hbm>>
      %dma_start3A_160 = tpu.memref_squeeze %dma_start3A_159 : memref<1x4x64xi32, #tpu.memory_space<hbm>> -> memref<4x64xi32, #tpu.memory_space<hbm>>
      %dma_start3A_161 = arith.constant 0 : i32
      %dma_start3A_162 = arith.constant 0 : i32
      %dma_start3A_163 = tpu.memref_slice %arg4[%add3A, %dma_start3A_161, %dma_start3A_162] : memref<32x4x64xi32, #tpu.memory_space<hbm>> -> memref<1x4x64xi32, #tpu.memory_space<hbm>>
      %dma_start3A_164 = tpu.memref_squeeze %dma_start3A_163 : memref<1x4x64xi32, #tpu.memory_space<hbm>> -> memref<4x64xi32, #tpu.memory_space<hbm>>
      tpu.enqueue_dma source(%dma_start3A_164 : memref<4x64xi32, #tpu.memory_space<hbm>>) target(%arg7 : memref<4x64xi32, #tpu.memory_space<vmem>>) target_semaphore(%run_scoped3A : memref<!tpu.dma_semaphore, #tpu.memory_space<semaphore_mem>>)
      %dma_wait3A_165 = arith.constant 0 : i32
      %dma_wait3A_166 = arith.constant 0 : i32
      %dma_wait3A_167 = tpu.memref_slice %arg4[%add3A, %dma_wait3A_165, %dma_wait3A_166] : memref<32x4x64xi32, #tpu.memory_space<hbm>> -> memref<1x4x64xi32, #tpu.memory_space<hbm>>
      %dma_wait3A_168 = tpu.memref_squeeze %dma_wait3A_167 : memref<1x4x64xi32, #tpu.memory_space<hbm>> -> memref<4x64xi32, #tpu.memory_space<hbm>>
      %dma_wait3A_169 = arith.constant 0 : i32
      %dma_wait3A_170 = arith.constant 0 : i32
      %dma_wait3A_171 = tpu.memref_slice %arg4[%add3A, %dma_wait3A_169, %dma_wait3A_170] : memref<32x4x64xi32, #tpu.memory_space<hbm>> -> memref<1x4x64xi32, #tpu.memory_space<hbm>>
      %dma_wait3A_172 = tpu.memref_squeeze %dma_wait3A_171 : memref<1x4x64xi32, #tpu.memory_space<hbm>> -> memref<4x64xi32, #tpu.memory_space<hbm>>
      tpu.wait_dma2 semaphore(%run_scoped3A : memref<!tpu.dma_semaphore, #tpu.memory_space<semaphore_mem>>) src(%dma_wait3A_172 : memref<4x64xi32, #tpu.memory_space<hbm>>) dst(%arg7 : memref<4x64xi32, #tpu.memory_space<vmem>>)
      tpu.yield
    }) : () -> ()
    %mul3A_1 = arith.constant 256 : i32
    %mul3A_2 = arith.muli %add3A, %mul3A_1 : i32
    %dma_start3A = arith.constant 0 : i32
    %dma_start3A_3 = tpu.memref_slice %arg2[%mul3A_2, %dma_start3A] : memref<8192x768xf32, #tpu.memory_space<hbm>> -> memref<64x768xf32, #tpu.memory_space<hbm>>
    %dma_start3A_4 = arith.constant 0 : i32
    %dma_start3A_5 = tpu.memref_slice %arg2[%mul3A_2, %dma_start3A_4] : memref<8192x768xf32, #tpu.memory_space<hbm>> -> memref<64x768xf32, #tpu.memory_space<hbm>>
    tpu.enqueue_dma source(%dma_start3A_5 : memref<64x768xf32, #tpu.memory_space<hbm>>) target(%arg8 : memref<64x768xf32, #tpu.memory_space<vmem>>) target_semaphore(%arg10 : memref<!tpu.dma_semaphore, #tpu.memory_space<semaphore_mem>>)
    %mul3A_6 = arith.constant 256 : i32
    %mul3A_7 = arith.muli %add3A, %mul3A_6 : i32
    %add3A_8 = arith.constant 64 : i32
    %add3A_9 = arith.addi %mul3A_7, %add3A_8 : i32
    %dma_start3A_10 = arith.constant 0 : i32
    %dma_start3A_11 = tpu.memref_slice %arg2[%add3A_9, %dma_start3A_10] : memref<8192x768xf32, #tpu.memory_space<hbm>> -> memref<64x768xf32, #tpu.memory_space<hbm>>
    %dma_start3A_12 = arith.constant 0 : i32
    %dma_start3A_13 = tpu.memref_slice %arg2[%add3A_9, %dma_start3A_12] : memref<8192x768xf32, #tpu.memory_space<hbm>> -> memref<64x768xf32, #tpu.memory_space<hbm>>
    tpu.enqueue_dma source(%dma_start3A_13 : memref<64x768xf32, #tpu.memory_space<hbm>>) target(%arg9 : memref<64x768xf32, #tpu.memory_space<vmem>>) target_semaphore(%arg11 : memref<!tpu.dma_semaphore, #tpu.memory_space<semaphore_mem>>)
    %dma_wait3A = arith.constant 0 : i32
    %dma_wait3A_14 = tpu.memref_slice %arg2[%mul3A_2, %dma_wait3A] : memref<8192x768xf32, #tpu.memory_space<hbm>> -> memref<64x768xf32, #tpu.memory_space<hbm>>
    %dma_wait3A_15 = arith.constant 0 : i32
    %dma_wait3A_16 = tpu.memref_slice %arg2[%mul3A_2, %dma_wait3A_15] : memref<8192x768xf32, #tpu.memory_space<hbm>> -> memref<64x768xf32, #tpu.memory_space<hbm>>
    tpu.wait_dma2 semaphore(%arg10 : memref<!tpu.dma_semaphore, #tpu.memory_space<semaphore_mem>>) src(%dma_wait3A_16 : memref<64x768xf32, #tpu.memory_space<hbm>>) dst(%arg8 : memref<64x768xf32, #tpu.memory_space<vmem>>)
    %dma_start3A_17 = arith.constant 0 : i32
    %dma_start3A_18 = arith.constant 0 : i32
    %dma_start3A_19 = tpu.memref_slice %arg6[%dma_start3A_17, %dma_start3A_18] : memref<4x64xi32, #tpu.memory_space<vmem>> -> memref<1x64xi32, #tpu.memory_space<vmem>>
    %dma_start3A_20 = tpu.memref_squeeze %dma_start3A_19 : memref<1x64xi32, #tpu.memory_space<vmem>> -> memref<64xi32, #tpu.memory_space<vmem>>
    %dma_start3A_21 = arith.constant 0 : i32
    %dma_start3A_22 = arith.constant 0 : i32
    %dma_start3A_23 = tpu.memref_slice %arg5[%dma_start3A_21, %dma_start3A_22] : memref<20480x768xf32, #tpu.memory_space<hbm>> -> memref<20480x768xf32, #tpu.memory_space<hbm>>
    tpu.enqueue_indirect_dma source(%arg8 : memref<64x768xf32, #tpu.memory_space<vmem>>) target(%dma_start3A_23 : memref<20480x768xf32, #tpu.memory_space<hbm>>) offsets(%dma_start3A_20 : memref<64xi32, #tpu.memory_space<vmem>>) semaphore(%arg12 : memref<!tpu.dma_semaphore, #tpu.memory_space<semaphore_mem>>)
    %dma_start3A_24 = arith.constant 0 : i32
    %dma_start3A_25 = arith.constant 0 : i32
    %dma_start3A_26 = tpu.memref_slice %arg7[%dma_start3A_24, %dma_start3A_25] : memref<4x64xi32, #tpu.memory_space<vmem>> -> memref<1x64xi32, #tpu.memory_space<vmem>>
    %dma_start3A_27 = tpu.memref_squeeze %dma_start3A_26 : memref<1x64xi32, #tpu.memory_space<vmem>> -> memref<64xi32, #tpu.memory_space<vmem>>
    %dma_start3A_28 = arith.constant 0 : i32
    %dma_start3A_29 = arith.constant 0 : i32
    %dma_start3A_30 = tpu.memref_slice %arg5[%dma_start3A_28, %dma_start3A_29] : memref<20480x768xf32, #tpu.memory_space<hbm>> -> memref<20480x768xf32, #tpu.memory_space<hbm>>
    tpu.enqueue_indirect_dma source(%arg8 : memref<64x768xf32, #tpu.memory_space<vmem>>) target(%dma_start3A_30 : memref<20480x768xf32, #tpu.memory_space<hbm>>) offsets(%dma_start3A_27 : memref<64xi32, #tpu.memory_space<vmem>>) semaphore(%arg12 : memref<!tpu.dma_semaphore, #tpu.memory_space<semaphore_mem>>)
    %dma_wait3A_31 = arith.constant 0 : i32
    %dma_wait3A_32 = arith.constant 0 : i32
    %dma_wait3A_33 = tpu.memref_slice %arg6[%dma_wait3A_31, %dma_wait3A_32] : memref<4x64xi32, #tpu.memory_space<vmem>> -> memref<1x64xi32, #tpu.memory_space<vmem>>
    %dma_wait3A_34 = tpu.memref_squeeze %dma_wait3A_33 : memref<1x64xi32, #tpu.memory_space<vmem>> -> memref<64xi32, #tpu.memory_space<vmem>>
    %dma_wait3A_35 = arith.constant 0 : i32
    %dma_wait3A_36 = arith.constant 0 : i32
    %dma_wait3A_37 = tpu.memref_slice %arg5[%dma_wait3A_35, %dma_wait3A_36] : memref<20480x768xf32, #tpu.memory_space<hbm>> -> memref<20480x768xf32, #tpu.memory_space<hbm>>
    tpu.wait_indirect_dma semaphore(%arg12 : memref<!tpu.dma_semaphore, #tpu.memory_space<semaphore_mem>>) src(%arg8 : memref<64x768xf32, #tpu.memory_space<vmem>>) dst(%dma_wait3A_37 : memref<20480x768xf32, #tpu.memory_space<hbm>>)
    %dma_wait3A_38 = arith.constant 0 : i32
    %dma_wait3A_39 = arith.constant 0 : i32
    %dma_wait3A_40 = tpu.memref_slice %arg7[%dma_wait3A_38, %dma_wait3A_39] : memref<4x64xi32, #tpu.memory_space<vmem>> -> memref<1x64xi32, #tpu.memory_space<vmem>>
    %dma_wait3A_41 = tpu.memref_squeeze %dma_wait3A_40 : memref<1x64xi32, #tpu.memory_space<vmem>> -> memref<64xi32, #tpu.memory_space<vmem>>
    %dma_wait3A_42 = arith.constant 0 : i32
    %dma_wait3A_43 = arith.constant 0 : i32
    %dma_wait3A_44 = tpu.memref_slice %arg5[%dma_wait3A_42, %dma_wait3A_43] : memref<20480x768xf32, #tpu.memory_space<hbm>> -> memref<20480x768xf32, #tpu.memory_space<hbm>>
    tpu.wait_indirect_dma semaphore(%arg12 : memref<!tpu.dma_semaphore, #tpu.memory_space<semaphore_mem>>) src(%arg8 : memref<64x768xf32, #tpu.memory_space<vmem>>) dst(%dma_wait3A_44 : memref<20480x768xf32, #tpu.memory_space<hbm>>)
    %mul3A_45 = arith.constant 256 : i32
    %mul3A_46 = arith.muli %add3A, %mul3A_45 : i32
    %add3A_47 = arith.constant 128 : i32
    %add3A_48 = arith.addi %mul3A_46, %add3A_47 : i32
    %dma_start3A_49 = arith.constant 0 : i32
    %dma_start3A_50 = tpu.memref_slice %arg2[%add3A_48, %dma_start3A_49] : memref<8192x768xf32, #tpu.memory_space<hbm>> -> memref<64x768xf32, #tpu.memory_space<hbm>>
    %dma_start3A_51 = arith.constant 0 : i32
    %dma_start3A_52 = tpu.memref_slice %arg2[%add3A_48, %dma_start3A_51] : memref<8192x768xf32, #tpu.memory_space<hbm>> -> memref<64x768xf32, #tpu.memory_space<hbm>>
    tpu.enqueue_dma source(%dma_start3A_52 : memref<64x768xf32, #tpu.memory_space<hbm>>) target(%arg8 : memref<64x768xf32, #tpu.memory_space<vmem>>) target_semaphore(%arg10 : memref<!tpu.dma_semaphore, #tpu.memory_space<semaphore_mem>>)
    %dma_wait3A_53 = arith.constant 0 : i32
    %dma_wait3A_54 = tpu.memref_slice %arg2[%add3A_9, %dma_wait3A_53] : memref<8192x768xf32, #tpu.memory_space<hbm>> -> memref<64x768xf32, #tpu.memory_space<hbm>>
    %dma_wait3A_55 = arith.constant 0 : i32
    %dma_wait3A_56 = tpu.memref_slice %arg2[%add3A_9, %dma_wait3A_55] : memref<8192x768xf32, #tpu.memory_space<hbm>> -> memref<64x768xf32, #tpu.memory_space<hbm>>
    tpu.wait_dma2 semaphore(%arg11 : memref<!tpu.dma_semaphore, #tpu.memory_space<semaphore_mem>>) src(%dma_wait3A_56 : memref<64x768xf32, #tpu.memory_space<hbm>>) dst(%arg9 : memref<64x768xf32, #tpu.memory_space<vmem>>)
    %dma_start3A_57 = arith.constant 1 : i32
    %dma_start3A_58 = arith.constant 0 : i32
    %dma_start3A_59 = tpu.memref_slice %arg6[%dma_start3A_57, %dma_start3A_58] : memref<4x64xi32, #tpu.memory_space<vmem>> -> memref<1x64xi32, #tpu.memory_space<vmem>>
    %dma_start3A_60 = tpu.memref_squeeze %dma_start3A_59 : memref<1x64xi32, #tpu.memory_space<vmem>> -> memref<64xi32, #tpu.memory_space<vmem>>
    %dma_start3A_61 = arith.constant 0 : i32
    %dma_start3A_62 = arith.constant 0 : i32
    %dma_start3A_63 = tpu.memref_slice %arg5[%dma_start3A_61, %dma_start3A_62] : memref<20480x768xf32, #tpu.memory_space<hbm>> -> memref<20480x768xf32, #tpu.memory_space<hbm>>
    tpu.enqueue_indirect_dma source(%arg9 : memref<64x768xf32, #tpu.memory_space<vmem>>) target(%dma_start3A_63 : memref<20480x768xf32, #tpu.memory_space<hbm>>) offsets(%dma_start3A_60 : memref<64xi32, #tpu.memory_space<vmem>>) semaphore(%arg12 : memref<!tpu.dma_semaphore, #tpu.memory_space<semaphore_mem>>)
    %dma_start3A_64 = arith.constant 1 : i32
    %dma_start3A_65 = arith.constant 0 : i32
    %dma_start3A_66 = tpu.memref_slice %arg7[%dma_start3A_64, %dma_start3A_65] : memref<4x64xi32, #tpu.memory_space<vmem>> -> memref<1x64xi32, #tpu.memory_space<vmem>>
    %dma_start3A_67 = tpu.memref_squeeze %dma_start3A_66 : memref<1x64xi32, #tpu.memory_space<vmem>> -> memref<64xi32, #tpu.memory_space<vmem>>
    %dma_start3A_68 = arith.constant 0 : i32
    %dma_start3A_69 = arith.constant 0 : i32
    %dma_start3A_70 = tpu.memref_slice %arg5[%dma_start3A_68, %dma_start3A_69] : memref<20480x768xf32, #tpu.memory_space<hbm>> -> memref<20480x768xf32, #tpu.memory_space<hbm>>
    tpu.enqueue_indirect_dma source(%arg9 : memref<64x768xf32, #tpu.memory_space<vmem>>) target(%dma_start3A_70 : memref<20480x768xf32, #tpu.memory_space<hbm>>) offsets(%dma_start3A_67 : memref<64xi32, #tpu.memory_space<vmem>>) semaphore(%arg12 : memref<!tpu.dma_semaphore, #tpu.memory_space<semaphore_mem>>)
    %dma_wait3A_71 = arith.constant 1 : i32
    %dma_wait3A_72 = arith.constant 0 : i32
    %dma_wait3A_73 = tpu.memref_slice %arg6[%dma_wait3A_71, %dma_wait3A_72] : memref<4x64xi32, #tpu.memory_space<vmem>> -> memref<1x64xi32, #tpu.memory_space<vmem>>
    %dma_wait3A_74 = tpu.memref_squeeze %dma_wait3A_73 : memref<1x64xi32, #tpu.memory_space<vmem>> -> memref<64xi32, #tpu.memory_space<vmem>>
    %dma_wait3A_75 = arith.constant 0 : i32
    %dma_wait3A_76 = arith.constant 0 : i32
    %dma_wait3A_77 = tpu.memref_slice %arg5[%dma_wait3A_75, %dma_wait3A_76] : memref<20480x768xf32, #tpu.memory_space<hbm>> -> memref<20480x768xf32, #tpu.memory_space<hbm>>
    tpu.wait_indirect_dma semaphore(%arg12 : memref<!tpu.dma_semaphore, #tpu.memory_space<semaphore_mem>>) src(%arg9 : memref<64x768xf32, #tpu.memory_space<vmem>>) dst(%dma_wait3A_77 : memref<20480x768xf32, #tpu.memory_space<hbm>>)
    %dma_wait3A_78 = arith.constant 1 : i32
    %dma_wait3A_79 = arith.constant 0 : i32
    %dma_wait3A_80 = tpu.memref_slice %arg7[%dma_wait3A_78, %dma_wait3A_79] : memref<4x64xi32, #tpu.memory_space<vmem>> -> memref<1x64xi32, #tpu.memory_space<vmem>>
    %dma_wait3A_81 = tpu.memref_squeeze %dma_wait3A_80 : memref<1x64xi32, #tpu.memory_space<vmem>> -> memref<64xi32, #tpu.memory_space<vmem>>
    %dma_wait3A_82 = arith.constant 0 : i32
    %dma_wait3A_83 = arith.constant 0 : i32
    %dma_wait3A_84 = tpu.memref_slice %arg5[%dma_wait3A_82, %dma_wait3A_83] : memref<20480x768xf32, #tpu.memory_space<hbm>> -> memref<20480x768xf32, #tpu.memory_space<hbm>>
    tpu.wait_indirect_dma semaphore(%arg12 : memref<!tpu.dma_semaphore, #tpu.memory_space<semaphore_mem>>) src(%arg9 : memref<64x768xf32, #tpu.memory_space<vmem>>) dst(%dma_wait3A_84 : memref<20480x768xf32, #tpu.memory_space<hbm>>)
    %mul3A_85 = arith.constant 256 : i32
    %mul3A_86 = arith.muli %add3A, %mul3A_85 : i32
    %add3A_87 = arith.constant 192 : i32
    %add3A_88 = arith.addi %mul3A_86, %add3A_87 : i32
    %dma_start3A_89 = arith.constant 0 : i32
    %dma_start3A_90 = tpu.memref_slice %arg2[%add3A_88, %dma_start3A_89] : memref<8192x768xf32, #tpu.memory_space<hbm>> -> memref<64x768xf32, #tpu.memory_space<hbm>>
    %dma_start3A_91 = arith.constant 0 : i32
    %dma_start3A_92 = tpu.memref_slice %arg2[%add3A_88, %dma_start3A_91] : memref<8192x768xf32, #tpu.memory_space<hbm>> -> memref<64x768xf32, #tpu.memory_space<hbm>>
    tpu.enqueue_dma source(%dma_start3A_92 : memref<64x768xf32, #tpu.memory_space<hbm>>) target(%arg9 : memref<64x768xf32, #tpu.memory_space<vmem>>) target_semaphore(%arg11 : memref<!tpu.dma_semaphore, #tpu.memory_space<semaphore_mem>>)
    %dma_wait3A_93 = arith.constant 0 : i32
    %dma_wait3A_94 = tpu.memref_slice %arg2[%add3A_48, %dma_wait3A_93] : memref<8192x768xf32, #tpu.memory_space<hbm>> -> memref<64x768xf32, #tpu.memory_space<hbm>>
    %dma_wait3A_95 = arith.constant 0 : i32
    %dma_wait3A_96 = tpu.memref_slice %arg2[%add3A_48, %dma_wait3A_95] : memref<8192x768xf32, #tpu.memory_space<hbm>> -> memref<64x768xf32, #tpu.memory_space<hbm>>
    tpu.wait_dma2 semaphore(%arg10 : memref<!tpu.dma_semaphore, #tpu.memory_space<semaphore_mem>>) src(%dma_wait3A_96 : memref<64x768xf32, #tpu.memory_space<hbm>>) dst(%arg8 : memref<64x768xf32, #tpu.memory_space<vmem>>)
    %dma_start3A_97 = arith.constant 2 : i32
    %dma_start3A_98 = arith.constant 0 : i32
    %dma_start3A_99 = tpu.memref_slice %arg6[%dma_start3A_97, %dma_start3A_98] : memref<4x64xi32, #tpu.memory_space<vmem>> -> memref<1x64xi32, #tpu.memory_space<vmem>>
    %dma_start3A_100 = tpu.memref_squeeze %dma_start3A_99 : memref<1x64xi32, #tpu.memory_space<vmem>> -> memref<64xi32, #tpu.memory_space<vmem>>
    %dma_start3A_101 = arith.constant 0 : i32
    %dma_start3A_102 = arith.constant 0 : i32
    %dma_start3A_103 = tpu.memref_slice %arg5[%dma_start3A_101, %dma_start3A_102] : memref<20480x768xf32, #tpu.memory_space<hbm>> -> memref<20480x768xf32, #tpu.memory_space<hbm>>
    tpu.enqueue_indirect_dma source(%arg8 : memref<64x768xf32, #tpu.memory_space<vmem>>) target(%dma_start3A_103 : memref<20480x768xf32, #tpu.memory_space<hbm>>) offsets(%dma_start3A_100 : memref<64xi32, #tpu.memory_space<vmem>>) semaphore(%arg12 : memref<!tpu.dma_semaphore, #tpu.memory_space<semaphore_mem>>)
    %dma_start3A_104 = arith.constant 2 : i32
    %dma_start3A_105 = arith.constant 0 : i32
    %dma_start3A_106 = tpu.memref_slice %arg7[%dma_start3A_104, %dma_start3A_105] : memref<4x64xi32, #tpu.memory_space<vmem>> -> memref<1x64xi32, #tpu.memory_space<vmem>>
    %dma_start3A_107 = tpu.memref_squeeze %dma_start3A_106 : memref<1x64xi32, #tpu.memory_space<vmem>> -> memref<64xi32, #tpu.memory_space<vmem>>
    %dma_start3A_108 = arith.constant 0 : i32
    %dma_start3A_109 = arith.constant 0 : i32
    %dma_start3A_110 = tpu.memref_slice %arg5[%dma_start3A_108, %dma_start3A_109] : memref<20480x768xf32, #tpu.memory_space<hbm>> -> memref<20480x768xf32, #tpu.memory_space<hbm>>
    tpu.enqueue_indirect_dma source(%arg8 : memref<64x768xf32, #tpu.memory_space<vmem>>) target(%dma_start3A_110 : memref<20480x768xf32, #tpu.memory_space<hbm>>) offsets(%dma_start3A_107 : memref<64xi32, #tpu.memory_space<vmem>>) semaphore(%arg12 : memref<!tpu.dma_semaphore, #tpu.memory_space<semaphore_mem>>)
    %dma_wait3A_111 = arith.constant 0 : i32
    %dma_wait3A_112 = tpu.memref_slice %arg2[%add3A_88, %dma_wait3A_111] : memref<8192x768xf32, #tpu.memory_space<hbm>> -> memref<64x768xf32, #tpu.memory_space<hbm>>
    %dma_wait3A_113 = arith.constant 0 : i32
    %dma_wait3A_114 = tpu.memref_slice %arg2[%add3A_88, %dma_wait3A_113] : memref<8192x768xf32, #tpu.memory_space<hbm>> -> memref<64x768xf32, #tpu.memory_space<hbm>>
    tpu.wait_dma2 semaphore(%arg11 : memref<!tpu.dma_semaphore, #tpu.memory_space<semaphore_mem>>) src(%dma_wait3A_114 : memref<64x768xf32, #tpu.memory_space<hbm>>) dst(%arg9 : memref<64x768xf32, #tpu.memory_space<vmem>>)
    %dma_start3A_115 = arith.constant 3 : i32
    %dma_start3A_116 = arith.constant 0 : i32
    %dma_start3A_117 = tpu.memref_slice %arg6[%dma_start3A_115, %dma_start3A_116] : memref<4x64xi32, #tpu.memory_space<vmem>> -> memref<1x64xi32, #tpu.memory_space<vmem>>
    %dma_start3A_118 = tpu.memref_squeeze %dma_start3A_117 : memref<1x64xi32, #tpu.memory_space<vmem>> -> memref<64xi32, #tpu.memory_space<vmem>>
    %dma_start3A_119 = arith.constant 0 : i32
    %dma_start3A_120 = arith.constant 0 : i32
    %dma_start3A_121 = tpu.memref_slice %arg5[%dma_start3A_119, %dma_start3A_120] : memref<20480x768xf32, #tpu.memory_space<hbm>> -> memref<20480x768xf32, #tpu.memory_space<hbm>>
    tpu.enqueue_indirect_dma source(%arg9 : memref<64x768xf32, #tpu.memory_space<vmem>>) target(%dma_start3A_121 : memref<20480x768xf32, #tpu.memory_space<hbm>>) offsets(%dma_start3A_118 : memref<64xi32, #tpu.memory_space<vmem>>) semaphore(%arg12 : memref<!tpu.dma_semaphore, #tpu.memory_space<semaphore_mem>>)
    %dma_start3A_122 = arith.constant 3 : i32
    %dma_start3A_123 = arith.constant 0 : i32
    %dma_start3A_124 = tpu.memref_slice %arg7[%dma_start3A_122, %dma_start3A_123] : memref<4x64xi32, #tpu.memory_space<vmem>> -> memref<1x64xi32, #tpu.memory_space<vmem>>
    %dma_start3A_125 = tpu.memref_squeeze %dma_start3A_124 : memref<1x64xi32, #tpu.memory_space<vmem>> -> memref<64xi32, #tpu.memory_space<vmem>>
    %dma_start3A_126 = arith.constant 0 : i32
    %dma_start3A_127 = arith.constant 0 : i32
    %dma_start3A_128 = tpu.memref_slice %arg5[%dma_start3A_126, %dma_start3A_127] : memref<20480x768xf32, #tpu.memory_space<hbm>> -> memref<20480x768xf32, #tpu.memory_space<hbm>>
    tpu.enqueue_indirect_dma source(%arg9 : memref<64x768xf32, #tpu.memory_space<vmem>>) target(%dma_start3A_128 : memref<20480x768xf32, #tpu.memory_space<hbm>>) offsets(%dma_start3A_125 : memref<64xi32, #tpu.memory_space<vmem>>) semaphore(%arg12 : memref<!tpu.dma_semaphore, #tpu.memory_space<semaphore_mem>>)
    %dma_wait3A_129 = arith.constant 2 : i32
    %dma_wait3A_130 = arith.constant 0 : i32
    %dma_wait3A_131 = tpu.memref_slice %arg6[%dma_wait3A_129, %dma_wait3A_130] : memref<4x64xi32, #tpu.memory_space<vmem>> -> memref<1x64xi32, #tpu.memory_space<vmem>>
    %dma_wait3A_132 = tpu.memref_squeeze %dma_wait3A_131 : memref<1x64xi32, #tpu.memory_space<vmem>> -> memref<64xi32, #tpu.memory_space<vmem>>
    %dma_wait3A_133 = arith.constant 0 : i32
    %dma_wait3A_134 = arith.constant 0 : i32
    %dma_wait3A_135 = tpu.memref_slice %arg5[%dma_wait3A_133, %dma_wait3A_134] : memref<20480x768xf32, #tpu.memory_space<hbm>> -> memref<20480x768xf32, #tpu.memory_space<hbm>>
    tpu.wait_indirect_dma semaphore(%arg12 : memref<!tpu.dma_semaphore, #tpu.memory_space<semaphore_mem>>) src(%arg8 : memref<64x768xf32, #tpu.memory_space<vmem>>) dst(%dma_wait3A_135 : memref<20480x768xf32, #tpu.memory_space<hbm>>)
    %dma_wait3A_136 = arith.constant 2 : i32
    %dma_wait3A_137 = arith.constant 0 : i32
    %dma_wait3A_138 = tpu.memref_slice %arg7[%dma_wait3A_136, %dma_wait3A_137] : memref<4x64xi32, #tpu.memory_space<vmem>> -> memref<1x64xi32, #tpu.memory_space<vmem>>
    %dma_wait3A_139 = tpu.memref_squeeze %dma_wait3A_138 : memref<1x64xi32, #tpu.memory_space<vmem>> -> memref<64xi32, #tpu.memory_space<vmem>>
    %dma_wait3A_140 = arith.constant 0 : i32
    %dma_wait3A_141 = arith.constant 0 : i32
    %dma_wait3A_142 = tpu.memref_slice %arg5[%dma_wait3A_140, %dma_wait3A_141] : memref<20480x768xf32, #tpu.memory_space<hbm>> -> memref<20480x768xf32, #tpu.memory_space<hbm>>
    tpu.wait_indirect_dma semaphore(%arg12 : memref<!tpu.dma_semaphore, #tpu.memory_space<semaphore_mem>>) src(%arg8 : memref<64x768xf32, #tpu.memory_space<vmem>>) dst(%dma_wait3A_142 : memref<20480x768xf32, #tpu.memory_space<hbm>>)
    %dma_wait3A_143 = arith.constant 3 : i32
    %dma_wait3A_144 = arith.constant 0 : i32
    %dma_wait3A_145 = tpu.memref_slice %arg6[%dma_wait3A_143, %dma_wait3A_144] : memref<4x64xi32, #tpu.memory_space<vmem>> -> memref<1x64xi32, #tpu.memory_space<vmem>>
    %dma_wait3A_146 = tpu.memref_squeeze %dma_wait3A_145 : memref<1x64xi32, #tpu.memory_space<vmem>> -> memref<64xi32, #tpu.memory_space<vmem>>
    %dma_wait3A_147 = arith.constant 0 : i32
    %dma_wait3A_148 = arith.constant 0 : i32
    %dma_wait3A_149 = tpu.memref_slice %arg5[%dma_wait3A_147, %dma_wait3A_148] : memref<20480x768xf32, #tpu.memory_space<hbm>> -> memref<20480x768xf32, #tpu.memory_space<hbm>>
    tpu.wait_indirect_dma semaphore(%arg12 : memref<!tpu.dma_semaphore, #tpu.memory_space<semaphore_mem>>) src(%arg9 : memref<64x768xf32, #tpu.memory_space<vmem>>) dst(%dma_wait3A_149 : memref<20480x768xf32, #tpu.memory_space<hbm>>)
    %dma_wait3A_150 = arith.constant 3 : i32
    %dma_wait3A_151 = arith.constant 0 : i32
    %dma_wait3A_152 = tpu.memref_slice %arg7[%dma_wait3A_150, %dma_wait3A_151] : memref<4x64xi32, #tpu.memory_space<vmem>> -> memref<1x64xi32, #tpu.memory_space<vmem>>
    %dma_wait3A_153 = tpu.memref_squeeze %dma_wait3A_152 : memref<1x64xi32, #tpu.memory_space<vmem>> -> memref<64xi32, #tpu.memory_space<vmem>>
    %dma_wait3A_154 = arith.constant 0 : i32
    %dma_wait3A_155 = arith.constant 0 : i32
    %dma_wait3A_156 = tpu.memref_slice %arg5[%dma_wait3A_154, %dma_wait3A_155] : memref<20480x768xf32, #tpu.memory_space<hbm>> -> memref<20480x768xf32, #tpu.memory_space<hbm>>
    tpu.wait_indirect_dma semaphore(%arg12 : memref<!tpu.dma_semaphore, #tpu.memory_space<semaphore_mem>>) src(%arg9 : memref<64x768xf32, #tpu.memory_space<vmem>>) dst(%dma_wait3A_156 : memref<20480x768xf32, #tpu.memory_space<hbm>>)
    return
  }
}

module attributes {stable_mosaic.version = 14 : i64} {
  func.func @_k5_body(%arg0: i32, %arg1: memref<40xi32, #tpu.memory_space<smem>>, %arg2: memref<512x768xf32, #tpu.memory_space<vmem>>, %arg3: memref<1x768x768xf32, #tpu.memory_space<vmem>>, %arg4: memref<1x1x768xf32, #tpu.memory_space<vmem>>, %arg5: memref<512x768xf32, #tpu.memory_space<vmem>>) attributes {dimension_semantics = [#tpu.dimension_semantics<arbitrary>], iteration_bounds = array<i64: 40>, scalar_prefetch = 1 : i64, scratch_operands = 0 : i64, tpu.core_type = #tpu.core_type<tc>, window_params = [{transform_indices = @transform_0, window_bounds = array<i64: 512, 768>}, {transform_indices = @transform_1, window_bounds = array<i64: 1, 768, 768>}, {transform_indices = @transform_2, window_bounds = array<i64: 1, 1, 768>}, {transform_indices = @transform_3, window_bounds = array<i64: 512, 768>}]} {
    %get3A = arith.constant 0 : index
    %get3A_0 = arith.constant 0 : index
    %get3A_1 = arith.constant 0 : index
    %get3A_2 = vector.load %arg3[%get3A, %get3A_0, %get3A_1] : memref<1x768x768xf32, #tpu.memory_space<vmem>>, vector<1x768x768xf32>
    %get3A_3 = vector.shape_cast %get3A_2 : vector<1x768x768xf32> to vector<768x768xf32>
    %convert_element_type3A = arith.truncf %get3A_3 : vector<768x768xf32> to vector<768x768xbf16>
    %get3A_4 = arith.constant 0 : index
    %get3A_5 = arith.constant 0 : index
    %get3A_6 = vector.load %arg2[%get3A_4, %get3A_5] : memref<512x768xf32, #tpu.memory_space<vmem>>, vector<512x768xf32>
    %convert_element_type3A_7 = arith.truncf %get3A_6 : vector<512x768xf32> to vector<512x768xbf16>
    %dot_general3A = arith.constant dense<0.000000e+00> : vector<512x768xf32>
    %dot_general3A_8 = tpu.matmul %convert_element_type3A_7, %convert_element_type3A, %dot_general3A {dimension_numbers = #tpu.dot_dimension_numbers<[1], [0], [0], [1], [0, 0, 1, 1], [], []>, transpose_lhs_hint = false} : vector<512x768xbf16>, vector<768x768xbf16>, vector<512x768xf32> -> vector<512x768xf32>
    %get3A_9 = arith.constant 0 : index
    %get3A_10 = arith.constant 0 : index
    %get3A_11 = arith.constant 0 : index
    %get3A_12 = vector.load %arg4[%get3A_9, %get3A_10, %get3A_11] : memref<1x1x768xf32, #tpu.memory_space<vmem>>, vector<1x1x768xf32>
    %get3A_13 = vector.shape_cast %get3A_12 : vector<1x1x768xf32> to vector<1x768xf32>
    %add3A = vector.broadcast %get3A_13 : vector<1x768xf32> to vector<512x768xf32>
    %add3A_14 = arith.addf %dot_general3A_8, %add3A : vector<512x768xf32>
    %exp3A = math.exp %add3A_14 : vector<512x768xf32>
    %swap3A = arith.constant 0 : index
    %swap3A_15 = arith.constant 0 : index
    %swap3A_16 = vector.load %arg5[%swap3A, %swap3A_15] : memref<512x768xf32, #tpu.memory_space<vmem>>, vector<512x768xf32>
    tpu.vector_store %arg5[%swap3A, %swap3A_15], %exp3A {strides = array<i32>} : memref<512x768xf32, #tpu.memory_space<vmem>>, vector<512x768xf32>,
    return
  }
  func.func @transform_0(%arg0: i32, %arg1: memref<40xi32, #tpu.memory_space<smem>>) -> (i32, i32) {
    %c0_i32 = arith.constant 0 : i32
    %c0_i32_0 = arith.constant 0 : i32
    return %arg0, %c0_i32 : i32, i32
  }
  func.func @transform_1(%arg0: i32, %arg1: memref<40xi32, #tpu.memory_space<smem>>) -> (i32, i32, i32) {
    %get3A = arith.index_cast %arg0 : i32 to index
    %get3A_0 = memref.load %arg1[%get3A] : memref<40xi32, #tpu.memory_space<smem>>
    %c0_i32 = arith.constant 0 : i32
    %c0_i32_1 = arith.constant 0 : i32
    %c0_i32_2 = arith.constant 0 : i32
    return %get3A_0, %c0_i32, %c0_i32_1 : i32, i32, i32
  }
  func.func @transform_2(%arg0: i32, %arg1: memref<40xi32, #tpu.memory_space<smem>>) -> (i32, i32, i32) {
    %get3A = arith.index_cast %arg0 : i32 to index
    %get3A_0 = memref.load %arg1[%get3A] : memref<40xi32, #tpu.memory_space<smem>>
    %c0_i32 = arith.constant 0 : i32
    %c0_i32_1 = arith.constant 0 : i32
    %c0_i32_2 = arith.constant 0 : i32
    return %get3A_0, %c0_i32, %c0_i32_1 : i32, i32, i32
  }
  func.func @transform_3(%arg0: i32, %arg1: memref<40xi32, #tpu.memory_space<smem>>) -> (i32, i32) {
    %c0_i32 = arith.constant 0 : i32
    %c0_i32_0 = arith.constant 0 : i32
    return %arg0, %c0_i32 : i32, i32
  }
}

module attributes {stable_mosaic.version = 14 : i64} {
  func.func @_k7_body(%arg0: i32, %arg1: memref<1024x768xf32, #tpu.memory_space<vmem>>, %arg2: memref<1024x768xf32, #tpu.memory_space<vmem>>, %arg3: memref<1024x1xf32, #tpu.memory_space<vmem>>, %arg4: memref<1024x1xf32, #tpu.memory_space<vmem>>, %arg5: memref<1024x768xf32, #tpu.memory_space<vmem>>) attributes {dimension_semantics = [#tpu.dimension_semantics<arbitrary>], iteration_bounds = array<i64: 8>, scalar_prefetch = 0 : i64, scratch_operands = 0 : i64, tpu.core_type = #tpu.core_type<tc>, window_params = [{transform_indices = @transform_0, window_bounds = array<i64: 1024, 768>}, {transform_indices = @transform_1, window_bounds = array<i64: 1024, 768>}, {transform_indices = @transform_2, window_bounds = array<i64: 1024, 1>}, {transform_indices = @transform_3, window_bounds = array<i64: 1024, 1>}, {transform_indices = @transform_4, window_bounds = array<i64: 1024, 768>}]} {
    %get3A = arith.constant 0 : index
    %get3A_0 = arith.constant 0 : index
    %get3A_1 = vector.load %arg3[%get3A, %get3A_0] : memref<1024x1xf32, #tpu.memory_space<vmem>>, vector<1024x1xf32>
    %get3A_2 = arith.constant 0 : index
    %get3A_3 = arith.constant 0 : index
    %get3A_4 = vector.load %arg1[%get3A_2, %get3A_3] : memref<1024x768xf32, #tpu.memory_space<vmem>>, vector<1024x768xf32>
    %mul3A = vector.broadcast %get3A_1 : vector<1024x1xf32> to vector<1024x768xf32>
    %mul3A_5 = arith.mulf %mul3A, %get3A_4 : vector<1024x768xf32>
    %get3A_6 = arith.constant 0 : index
    %get3A_7 = arith.constant 0 : index
    %get3A_8 = vector.load %arg4[%get3A_6, %get3A_7] : memref<1024x1xf32, #tpu.memory_space<vmem>>, vector<1024x1xf32>
    %get3A_9 = arith.constant 0 : index
    %get3A_10 = arith.constant 0 : index
    %get3A_11 = vector.load %arg2[%get3A_9, %get3A_10] : memref<1024x768xf32, #tpu.memory_space<vmem>>, vector<1024x768xf32>
    %mul3A_12 = vector.broadcast %get3A_8 : vector<1024x1xf32> to vector<1024x768xf32>
    %mul3A_13 = arith.mulf %mul3A_12, %get3A_11 : vector<1024x768xf32>
    %add3A = arith.addf %mul3A_5, %mul3A_13 : vector<1024x768xf32>
    %eq3A = arith.constant 0.000000e+00 : f32
    %eq3A_14 = vector.broadcast %eq3A : f32 to vector<1024x768xf32>
    %eq3A_15 = arith.cmpf oeq, %add3A, %eq3A_14 : vector<1024x768xf32>
    %jit3A = arith.constant 2.22044605E-16 : f32
    %broadcast_in_dim3A = vector.broadcast %jit3A : f32 to vector<1024x768xf32>
    %select_n3A = arith.select %eq3A_15, %broadcast_in_dim3A, %add3A : vector<1024x768xi1>, vector<1024x768xf32>
    %log3A = math.log %select_n3A : vector<1024x768xf32>
    %swap3A = arith.constant 0 : index
    %swap3A_16 = arith.constant 0 : index
    %swap3A_17 = vector.load %arg5[%swap3A, %swap3A_16] : memref<1024x768xf32, #tpu.memory_space<vmem>>, vector<1024x768xf32>
    tpu.vector_store %arg5[%swap3A, %swap3A_16], %log3A {strides = array<i32>} : memref<1024x768xf32, #tpu.memory_space<vmem>>, vector<1024x768xf32>,
    return
  }
  func.func @transform_0(%arg0: i32) -> (i32, i32) {
    %c0_i32 = arith.constant 0 : i32
    %c0_i32_0 = arith.constant 0 : i32
    return %arg0, %c0_i32 : i32, i32
  }
  func.func @transform_1(%arg0: i32) -> (i32, i32) {
    %c0_i32 = arith.constant 0 : i32
    %c0_i32_0 = arith.constant 0 : i32
    return %arg0, %c0_i32 : i32, i32
  }
  func.func @transform_2(%arg0: i32) -> (i32, i32) {
    %c0_i32 = arith.constant 0 : i32
    %c0_i32_0 = arith.constant 0 : i32
    return %arg0, %c0_i32 : i32, i32
  }
  func.func @transform_3(%arg0: i32) -> (i32, i32) {
    %c0_i32 = arith.constant 0 : i32
    %c0_i32_0 = arith.constant 0 : i32
    return %arg0, %c0_i32 : i32, i32
  }
  func.func @transform_4(%arg0: i32) -> (i32, i32) {
    %c0_i32 = arith.constant 0 : i32
    %c0_i32_0 = arith.constant 0 : i32
    return %arg0, %c0_i32 : i32, i32
  }
}

module attributes {stable_mosaic.version = 14 : i64} {
  func.func @_k1_body(%arg0: i32, %arg1: memref<1024x768xf32, #tpu.memory_space<vmem>>, %arg2: memref<768x512xf32, #tpu.memory_space<vmem>>, %arg3: memref<512xf32, #tpu.memory_space<vmem>>, %arg4: memref<512x8xf32, #tpu.memory_space<vmem>>, %arg5: memref<8xf32, #tpu.memory_space<vmem>>, %arg6: memref<1024x1xf32, #tpu.memory_space<vmem>>, %arg7: memref<1024x1xf32, #tpu.memory_space<vmem>>, %arg8: memref<40xi32, #tpu.memory_space<vmem>>, %arg9: memref<8192x1xi32, #tpu.memory_space<vmem>>, %arg10: memref<8192x1xi32, #tpu.memory_space<vmem>>, %arg11: memref<2x8xf32, #tpu.memory_space<vmem>>, %arg12: memref<1x1xf32, #tpu.memory_space<vmem>>, %arg13: memref<1x8xi32, #tpu.memory_space<vmem>>, %arg14: memref<8192x1xi32, #tpu.memory_space<vmem>>, %arg15: memref<8192x1xi32, #tpu.memory_space<vmem>>, %arg16: memref<8192x1xi32, #tpu.memory_space<vmem>>, %arg17: memref<8192x1xi32, #tpu.memory_space<vmem>>) attributes {dimension_semantics = [#tpu.dimension_semantics<arbitrary>], iteration_bounds = array<i64: 8>, scalar_prefetch = 0 : i64, scratch_operands = 5 : i64, tpu.core_type = #tpu.core_type<tc>, window_params = [{transform_indices = @transform_0, window_bounds = array<i64: 1024, 768>}, {pipeline_mode = #tpu.pipeline_mode<synchronous>, transform_indices = @transform_1, window_bounds = array<i64: 768, 512>}, {pipeline_mode = #tpu.pipeline_mode<synchronous>, transform_indices = @transform_2, window_bounds = array<i64: 512>}, {pipeline_mode = #tpu.pipeline_mode<synchronous>, transform_indices = @transform_3, window_bounds = array<i64: 512, 8>}, {pipeline_mode = #tpu.pipeline_mode<synchronous>, transform_indices = @transform_4, window_bounds = array<i64: 8>}, {transform_indices = @transform_5, window_bounds = array<i64: 1024, 1>}, {transform_indices = @transform_6, window_bounds = array<i64: 1024, 1>}, {pipeline_mode = #tpu.pipeline_mode<synchronous>, transform_indices = @transform_7, window_bounds = array<i64: 40>}, {pipeline_mode = #tpu.pipeline_mode<synchronous>, transform_indices = @transform_8, window_bounds = array<i64: 8192, 1>}, {pipeline_mode = #tpu.pipeline_mode<synchronous>, transform_indices = @transform_9, window_bounds = array<i64: 8192, 1>}, {pipeline_mode = #tpu.pipeline_mode<synchronous>, transform_indices = @transform_10, window_bounds = array<i64: 2, 8>}, {pipeline_mode = #tpu.pipeline_mode<synchronous>, transform_indices = @transform_11, window_bounds = array<i64: 1, 1>}]} {
    %get3A = arith.constant 0 : index
    %get3A_0 = arith.constant 0 : index
    %get3A_1 = vector.load %arg1[%get3A, %get3A_0] : memref<1024x768xf32, #tpu.memory_space<vmem>>, vector<1024x768xf32>
    %get3A_2 = arith.constant 0 : index
    %get3A_3 = arith.constant 0 : index
    %get3A_4 = vector.load %arg2[%get3A_2, %get3A_3] : memref<768x512xf32, #tpu.memory_space<vmem>>, vector<768x512xf32>
    %dot_general3A = arith.constant dense<0.000000e+00> : vector<1024x512xf32>
    %dot_general3A_5 = tpu.matmul %get3A_1, %get3A_4, %dot_general3A {dimension_numbers = #tpu.dot_dimension_numbers<[1], [0], [0], [1], [0, 0, 1, 1], [], []>, transpose_lhs_hint = false} : vector<1024x768xf32>, vector<768x512xf32>, vector<1024x512xf32> -> vector<1024x512xf32>
    %get3A_6 = arith.constant 0 : index
    %get3A_7 = vector.load %arg3[%get3A_6] : memref<512xf32, #tpu.memory_space<vmem>>, vector<512xf32>
    %broadcast_in_dim3A = vector.shape_cast %get3A_7 : vector<512xf32> to vector<1x512xf32>
    %add3A = vector.broadcast %broadcast_in_dim3A : vector<1x512xf32> to vector<1024x512xf32>
    %add3A_8 = arith.addf %dot_general3A_5, %add3A : vector<1024x512xf32>
    %max3A = arith.constant 0.000000e+00 : f32
    %max3A_9 = vector.broadcast %max3A : f32 to vector<1024x512xf32>
    %max3A_10 = arith.maximumf %add3A_8, %max3A_9 : vector<1024x512xf32>
    %get3A_11 = arith.constant 0 : index
    %get3A_12 = arith.constant 0 : index
    %get3A_13 = vector.load %arg4[%get3A_11, %get3A_12] : memref<512x8xf32, #tpu.memory_space<vmem>>, vector<512x8xf32>
    %dot_general3A_14 = arith.constant dense<0.000000e+00> : vector<1024x8xf32>
    %dot_general3A_15 = tpu.matmul %max3A_10, %get3A_13, %dot_general3A_14 {dimension_numbers = #tpu.dot_dimension_numbers<[1], [0], [0], [1], [0, 0, 1, 1], [], []>, transpose_lhs_hint = false} : vector<1024x512xf32>, vector<512x8xf32>, vector<1024x8xf32> -> vector<1024x8xf32>
    %get3A_16 = arith.constant 0 : index
    %get3A_17 = vector.load %arg5[%get3A_16] : memref<8xf32, #tpu.memory_space<vmem>>, vector<8xf32>
    %broadcast_in_dim3A_18 = vector.shape_cast %get3A_17 : vector<8xf32> to vector<1x8xf32>
    %add3A_19 = vector.broadcast %broadcast_in_dim3A_18 : vector<1x8xf32> to vector<1024x8xf32>
    %add3A_20 = arith.addf %dot_general3A_15, %add3A_19 : vector<1024x8xf32>
    %iota3A = tpu.iota {dimensions = array<i32: 1>} : vector<1024x8xi32>
    %reduce_max3A = arith.constant dense<0xFF800000> : vector<1024xf32>
    %reduce_max3A_21 = vector.multi_reduction <maximumf>, %add3A_20, %reduce_max3A [1] : vector<1024x8xf32> to vector<1024xf32>
    %broadcast_in_dim3A_22 = vector.shape_cast %reduce_max3A_21 : vector<1024xf32> to vector<1024x1xf32>
    %argmax3A = tpu.reduce_index %add3A_20 {axis = 1 : i32, kind = #tpu.reduction_kind<arg_max>} : vector<1024x8xf32> -> vector<1024xi32>
    %broadcast_in_dim3A_23 = vector.shape_cast %argmax3A : vector<1024xi32> to vector<1024x1xi32>
    %eq3A = vector.broadcast %broadcast_in_dim3A_23 : vector<1024x1xi32> to vector<1024x8xi32>
    %eq3A_24 = arith.cmpi eq, %iota3A, %eq3A : vector<1024x8xi32>
    %jit3A = arith.constant 0xFF800000 : f32
    %broadcast_in_dim3A_25 = vector.broadcast %jit3A : f32 to vector<1024x8xf32>
    %select_n3A = arith.select %eq3A_24, %broadcast_in_dim3A_25, %add3A_20 : vector<1024x8xi1>, vector<1024x8xf32>
    %reduce_max3A_26 = arith.constant dense<0xFF800000> : vector<1024xf32>
    %reduce_max3A_27 = vector.multi_reduction <maximumf>, %select_n3A, %reduce_max3A_26 [1] : vector<1024x8xf32> to vector<1024xf32>
    %broadcast_in_dim3A_28 = vector.shape_cast %reduce_max3A_27 : vector<1024xf32> to vector<1024x1xf32>
    %argmax3A_29 = tpu.reduce_index %select_n3A {axis = 1 : i32, kind = #tpu.reduction_kind<arg_max>} : vector<1024x8xf32> -> vector<1024xi32>
    %broadcast_in_dim3A_30 = vector.shape_cast %argmax3A_29 : vector<1024xi32> to vector<1024x1xi32>
    %sub3A = arith.subf %broadcast_in_dim3A_28, %broadcast_in_dim3A_22 : vector<1024x1xf32>
    %exp3A = math.exp %sub3A : vector<1024x1xf32>
    %add3A_31 = arith.constant 1.000000e+00 : f32
    %add3A_32 = vector.broadcast %add3A_31 : f32 to vector<1024x1xf32>
    %add3A_33 = arith.addf %add3A_32, %exp3A : vector<1024x1xf32>
    %div3A = arith.constant 1.000000e+00 : f32
    %div3A_34 = vector.broadcast %div3A : f32 to vector<1024x1xf32>
    %div3A_35 = arith.divf %div3A_34, %add3A_33 : vector<1024x1xf32>
    %swap3A = arith.constant 0 : index
    %swap3A_36 = arith.constant 0 : index
    %swap3A_37 = vector.load %arg6[%swap3A, %swap3A_36] : memref<1024x1xf32, #tpu.memory_space<vmem>>, vector<1024x1xf32>
    tpu.vector_store %arg6[%swap3A, %swap3A_36], %div3A_35 {strides = array<i32>} : memref<1024x1xf32, #tpu.memory_space<vmem>>, vector<1024x1xf32>,
    %div3A_38 = arith.divf %exp3A, %add3A_33 : vector<1024x1xf32>
    %swap3A_39 = arith.constant 0 : index
    %swap3A_40 = arith.constant 0 : index
    %swap3A_41 = vector.load %arg7[%swap3A_39, %swap3A_40] : memref<1024x1xf32, #tpu.memory_space<vmem>>, vector<1024x1xf32>
    tpu.vector_store %arg7[%swap3A_39, %swap3A_40], %div3A_38 {strides = array<i32>} : memref<1024x1xf32, #tpu.memory_space<vmem>>, vector<1024x1xf32>,
    %eq3A_42 = vector.broadcast %broadcast_in_dim3A_23 : vector<1024x1xi32> to vector<1024x8xi32>
    %eq3A_43 = arith.cmpi eq, %iota3A, %eq3A_42 : vector<1024x8xi32>
    %jit3A_44 = arith.constant 1 : i32
    %jit3A_45 = arith.constant 0 : i32
    %broadcast_in_dim3A_46 = vector.broadcast %jit3A_44 : i32 to vector<1024x8xi32>
    %broadcast_in_dim3A_47 = vector.broadcast %jit3A_45 : i32 to vector<1024x8xi32>
    %select_n3A_48 = arith.select %eq3A_43, %broadcast_in_dim3A_46, %broadcast_in_dim3A_47 : vector<1024x8xi1>, vector<1024x8xi32>
    %eq3A_49 = vector.broadcast %broadcast_in_dim3A_30 : vector<1024x1xi32> to vector<1024x8xi32>
    %eq3A_50 = arith.cmpi eq, %iota3A, %eq3A_49 : vector<1024x8xi32>
    %jit3A_51 = arith.constant 1 : i32
    %jit3A_52 = arith.constant 0 : i32
    %broadcast_in_dim3A_53 = vector.broadcast %jit3A_51 : i32 to vector<1024x8xi32>
    %broadcast_in_dim3A_54 = vector.broadcast %jit3A_52 : i32 to vector<1024x8xi32>
    %select_n3A_55 = arith.select %eq3A_50, %broadcast_in_dim3A_53, %broadcast_in_dim3A_54 : vector<1024x8xi1>, vector<1024x8xi32>
    %add3A_56 = arith.addi %select_n3A_48, %select_n3A_55 : vector<1024x8xi32>
    %broadcast_in_dim3A_57 = arith.constant 0 : i32
    %broadcast_in_dim3A_58 = vector.broadcast %broadcast_in_dim3A_57 : i32 to vector<1x8xi32>
    %slice3A = vector.extract_strided_slice %add3A_56 {offsets = [0, 0], sizes = [1023, 8], strides = [1, 1]} : vector<1024x8xi32> to vector<1023x8xi32>
    %concatenate3A = tpu.concatenate %broadcast_in_dim3A_58, %slice3A in 0 : vector<1x8xi32>, vector<1023x8xi32> -> vector<1024x8xi32>
    %add3A_59 = arith.addi %add3A_56, %concatenate3A : vector<1024x8xi32>
    %broadcast_in_dim3A_60 = arith.constant 0 : i32
    %broadcast_in_dim3A_61 = vector.broadcast %broadcast_in_dim3A_60 : i32 to vector<2x8xi32>
    %slice3A_62 = vector.extract_strided_slice %add3A_59 {offsets = [0, 0], sizes = [1022, 8], strides = [1, 1]} : vector<1024x8xi32> to vector<1022x8xi32>
    %concatenate3A_63 = tpu.concatenate %broadcast_in_dim3A_61, %slice3A_62 in 0 : vector<2x8xi32>, vector<1022x8xi32> -> vector<1024x8xi32>
    %add3A_64 = arith.addi %add3A_59, %concatenate3A_63 : vector<1024x8xi32>
    %broadcast_in_dim3A_65 = arith.constant 0 : i32
    %broadcast_in_dim3A_66 = vector.broadcast %broadcast_in_dim3A_65 : i32 to vector<4x8xi32>
    %slice3A_67 = vector.extract_strided_slice %add3A_64 {offsets = [0, 0], sizes = [1020, 8], strides = [1, 1]} : vector<1024x8xi32> to vector<1020x8xi32>
    %concatenate3A_68 = tpu.concatenate %broadcast_in_dim3A_66, %slice3A_67 in 0 : vector<4x8xi32>, vector<1020x8xi32> -> vector<1024x8xi32>
    %add3A_69 = arith.addi %add3A_64, %concatenate3A_68 : vector<1024x8xi32>
    %broadcast_in_dim3A_70 = arith.constant 0 : i32
    %broadcast_in_dim3A_71 = vector.broadcast %broadcast_in_dim3A_70 : i32 to vector<8x8xi32>
    %slice3A_72 = vector.extract_strided_slice %add3A_69 {offsets = [0, 0], sizes = [1016, 8], strides = [1, 1]} : vector<1024x8xi32> to vector<1016x8xi32>
    %concatenate3A_73 = tpu.concatenate %broadcast_in_dim3A_71, %slice3A_72 in 0 : vector<8x8xi32>, vector<1016x8xi32> -> vector<1024x8xi32>
    %add3A_74 = arith.addi %add3A_69, %concatenate3A_73 : vector<1024x8xi32>
    %broadcast_in_dim3A_75 = arith.constant 0 : i32
    %broadcast_in_dim3A_76 = vector.broadcast %broadcast_in_dim3A_75 : i32 to vector<16x8xi32>
    %slice3A_77 = vector.extract_strided_slice %add3A_74 {offsets = [0, 0], sizes = [1008, 8], strides = [1, 1]} : vector<1024x8xi32> to vector<1008x8xi32>
    %concatenate3A_78 = tpu.concatenate %broadcast_in_dim3A_76, %slice3A_77 in 0 : vector<16x8xi32>, vector<1008x8xi32> -> vector<1024x8xi32>
    %add3A_79 = arith.addi %add3A_74, %concatenate3A_78 : vector<1024x8xi32>
    %broadcast_in_dim3A_80 = arith.constant 0 : i32
    %broadcast_in_dim3A_81 = vector.broadcast %broadcast_in_dim3A_80 : i32 to vector<32x8xi32>
    %slice3A_82 = vector.extract_strided_slice %add3A_79 {offsets = [0, 0], sizes = [992, 8], strides = [1, 1]} : vector<1024x8xi32> to vector<992x8xi32>
    %concatenate3A_83 = tpu.concatenate %broadcast_in_dim3A_81, %slice3A_82 in 0 : vector<32x8xi32>, vector<992x8xi32> -> vector<1024x8xi32>
    %add3A_84 = arith.addi %add3A_79, %concatenate3A_83 : vector<1024x8xi32>
    %broadcast_in_dim3A_85 = arith.constant 0 : i32
    %broadcast_in_dim3A_86 = vector.broadcast %broadcast_in_dim3A_85 : i32 to vector<64x8xi32>
    %slice3A_87 = vector.extract_strided_slice %add3A_84 {offsets = [0, 0], sizes = [960, 8], strides = [1, 1]} : vector<1024x8xi32> to vector<960x8xi32>
    %concatenate3A_88 = tpu.concatenate %broadcast_in_dim3A_86, %slice3A_87 in 0 : vector<64x8xi32>, vector<960x8xi32> -> vector<1024x8xi32>
    %add3A_89 = arith.addi %add3A_84, %concatenate3A_88 : vector<1024x8xi32>
    %broadcast_in_dim3A_90 = arith.constant 0 : i32
    %broadcast_in_dim3A_91 = vector.broadcast %broadcast_in_dim3A_90 : i32 to vector<128x8xi32>
    %slice3A_92 = vector.extract_strided_slice %add3A_89 {offsets = [0, 0], sizes = [896, 8], strides = [1, 1]} : vector<1024x8xi32> to vector<896x8xi32>
    %concatenate3A_93 = tpu.concatenate %broadcast_in_dim3A_91, %slice3A_92 in 0 : vector<128x8xi32>, vector<896x8xi32> -> vector<1024x8xi32>
    %add3A_94 = arith.addi %add3A_89, %concatenate3A_93 : vector<1024x8xi32>
    %broadcast_in_dim3A_95 = arith.constant 0 : i32
    %broadcast_in_dim3A_96 = vector.broadcast %broadcast_in_dim3A_95 : i32 to vector<256x8xi32>
    %slice3A_97 = vector.extract_strided_slice %add3A_94 {offsets = [0, 0], sizes = [768, 8], strides = [1, 1]} : vector<1024x8xi32> to vector<768x8xi32>
    %concatenate3A_98 = tpu.concatenate %broadcast_in_dim3A_96, %slice3A_97 in 0 : vector<256x8xi32>, vector<768x8xi32> -> vector<1024x8xi32>
    %add3A_99 = arith.addi %add3A_94, %concatenate3A_98 : vector<1024x8xi32>
    %broadcast_in_dim3A_100 = arith.constant 0 : i32
    %broadcast_in_dim3A_101 = vector.broadcast %broadcast_in_dim3A_100 : i32 to vector<512x8xi32>
    %slice3A_102 = vector.extract_strided_slice %add3A_99 {offsets = [0, 0], sizes = [512, 8], strides = [1, 1]} : vector<1024x8xi32> to vector<512x8xi32>
    %concatenate3A_103 = tpu.concatenate %broadcast_in_dim3A_101, %slice3A_102 in 0 : vector<512x8xi32>, vector<512x8xi32> -> vector<1024x8xi32>
    %add3A_104 = arith.addi %add3A_99, %concatenate3A_103 : vector<1024x8xi32>
    %sub3A_105 = arith.subi %add3A_104, %add3A_56 : vector<1024x8xi32>
    %eq3A_106 = vector.broadcast %broadcast_in_dim3A_23 : vector<1024x1xi32> to vector<1024x8xi32>
    %eq3A_107 = arith.cmpi eq, %iota3A, %eq3A_106 : vector<1024x8xi32>
    %jit3A_108 = arith.constant 0 : i32
    %broadcast_in_dim3A_109 = vector.broadcast %jit3A_108 : i32 to vector<1024x8xi32>
    %select_n3A_110 = arith.select %eq3A_107, %sub3A_105, %broadcast_in_dim3A_109 : vector<1024x8xi1>, vector<1024x8xi32>
    %reduce_sum3A = arith.constant dense<0> : vector<1024xi32>
    %reduce_sum3A_111 = vector.multi_reduction <add>, %select_n3A_110, %reduce_sum3A [1] : vector<1024x8xi32> to vector<1024xi32>
    %broadcast_in_dim3A_112 = vector.shape_cast %reduce_sum3A_111 : vector<1024xi32> to vector<1024x1xi32>
    %eq3A_113 = vector.broadcast %broadcast_in_dim3A_30 : vector<1024x1xi32> to vector<1024x8xi32>
    %eq3A_114 = arith.cmpi eq, %iota3A, %eq3A_113 : vector<1024x8xi32>
    %jit3A_115 = arith.constant 0 : i32
    %broadcast_in_dim3A_116 = vector.broadcast %jit3A_115 : i32 to vector<1024x8xi32>
    %select_n3A_117 = arith.select %eq3A_114, %sub3A_105, %broadcast_in_dim3A_116 : vector<1024x8xi1>, vector<1024x8xi32>
    %reduce_sum3A_118 = arith.constant dense<0> : vector<1024xi32>
    %reduce_sum3A_119 = vector.multi_reduction <add>, %select_n3A_117, %reduce_sum3A_118 [1] : vector<1024x8xi32> to vector<1024xi32>
    %broadcast_in_dim3A_120 = vector.shape_cast %reduce_sum3A_119 : vector<1024xi32> to vector<1024x1xi32>
    %reduce_sum3A_121 = arith.constant dense<0> : vector<8xi32>
    %reduce_sum3A_122 = vector.multi_reduction <add>, %add3A_56, %reduce_sum3A_121 [0] : vector<1024x8xi32> to vector<8xi32>
    %broadcast_in_dim3A_123 = vector.shape_cast %reduce_sum3A_122 : vector<8xi32> to vector<1x8xi32>
    %eq3A_124 = arith.constant 0 : i32
    %eq3A_125 = arith.cmpi eq, %arg0, %eq3A_124 : i32
    %convert_element_type3A = arith.extui %eq3A_125 : i1 to i32
    %cond3A = arith.constant 0 : i32
    %cond3A_126 = arith.cmpi ne, %convert_element_type3A, %cond3A : i32
    scf.if %cond3A_126 {
      %broadcast_in_dim3A_223 = arith.constant 0 : i32
      %broadcast_in_dim3A_224 = vector.broadcast %broadcast_in_dim3A_223 : i32 to vector<1x8xi32>
      %swap3A_225 = arith.constant 0 : index
      %swap3A_226 = arith.constant 0 : index
      %swap3A_227 = vector.load %arg13[%swap3A_225, %swap3A_226] : memref<1x8xi32, #tpu.memory_space<vmem>>, vector<1x8xi32>
      tpu.vector_store %arg13[%swap3A_225, %swap3A_226], %broadcast_in_dim3A_224 {strides = array<i32>} : memref<1x8xi32, #tpu.memory_space<vmem>>, vector<1x8xi32>,
    } else {
    }
    %get3A_127 = arith.constant 0 : index
    %get3A_128 = arith.constant 0 : index
    %get3A_129 = vector.load %arg13[%get3A_127, %get3A_128] : memref<1x8xi32, #tpu.memory_space<vmem>>, vector<1x8xi32>
    %broadcast_in_dim3A_130 = vector.shape_cast %get3A_129 : vector<1x8xi32> to vector<1x8xi32>
    %broadcast_in_dim3A_131 = vector.broadcast %broadcast_in_dim3A_130 : vector<1x8xi32> to vector<1024x8xi32>
    %eq3A_132 = vector.broadcast %broadcast_in_dim3A_23 : vector<1024x1xi32> to vector<1024x8xi32>
    %eq3A_133 = arith.cmpi eq, %iota3A, %eq3A_132 : vector<1024x8xi32>
    %jit3A_134 = arith.constant 0 : i32
    %broadcast_in_dim3A_135 = vector.broadcast %jit3A_134 : i32 to vector<1024x8xi32>
    %select_n3A_136 = arith.select %eq3A_133, %broadcast_in_dim3A_131, %broadcast_in_dim3A_135 : vector<1024x8xi1>, vector<1024x8xi32>
    %reduce_sum3A_137 = arith.constant dense<0> : vector<1024xi32>
    %reduce_sum3A_138 = vector.multi_reduction <add>, %select_n3A_136, %reduce_sum3A_137 [1] : vector<1024x8xi32> to vector<1024xi32>
    %broadcast_in_dim3A_139 = vector.shape_cast %reduce_sum3A_138 : vector<1024xi32> to vector<1024x1xi32>
    %eq3A_140 = vector.broadcast %broadcast_in_dim3A_30 : vector<1024x1xi32> to vector<1024x8xi32>
    %eq3A_141 = arith.cmpi eq, %iota3A, %eq3A_140 : vector<1024x8xi32>
    %jit3A_142 = arith.constant 0 : i32
    %broadcast_in_dim3A_143 = vector.broadcast %jit3A_142 : i32 to vector<1024x8xi32>
    %select_n3A_144 = arith.select %eq3A_141, %broadcast_in_dim3A_131, %broadcast_in_dim3A_143 : vector<1024x8xi1>, vector<1024x8xi32>
    %reduce_sum3A_145 = arith.constant dense<0> : vector<1024xi32>
    %reduce_sum3A_146 = vector.multi_reduction <add>, %select_n3A_144, %reduce_sum3A_145 [1] : vector<1024x8xi32> to vector<1024xi32>
    %broadcast_in_dim3A_147 = vector.shape_cast %reduce_sum3A_146 : vector<1024xi32> to vector<1024x1xi32>
    %mul3A = arith.constant 1024 : i32
    %mul3A_148 = arith.muli %arg0, %mul3A : i32
    %swap3A_149 = arith.index_cast %mul3A_148 : i32 to index
    %swap3A_150 = arith.constant 0 : index
    %swap3A_151 = vector.load %arg14[%swap3A_149, %swap3A_150] : memref<8192x1xi32, #tpu.memory_space<vmem>>, vector<1024x1xi32>
    tpu.vector_store %arg14[%swap3A_149, %swap3A_150], %broadcast_in_dim3A_23 {strides = array<i32>} : memref<8192x1xi32, #tpu.memory_space<vmem>>, vector<1024x1xi32>,
    %mul3A_152 = arith.constant 1024 : i32
    %mul3A_153 = arith.muli %arg0, %mul3A_152 : i32
    %swap3A_154 = arith.index_cast %mul3A_153 : i32 to index
    %swap3A_155 = arith.constant 0 : index
    %swap3A_156 = vector.load %arg15[%swap3A_154, %swap3A_155] : memref<8192x1xi32, #tpu.memory_space<vmem>>, vector<1024x1xi32>
    tpu.vector_store %arg15[%swap3A_154, %swap3A_155], %broadcast_in_dim3A_30 {strides = array<i32>} : memref<8192x1xi32, #tpu.memory_space<vmem>>, vector<1024x1xi32>,
    %add3A_157 = arith.addi %broadcast_in_dim3A_139, %broadcast_in_dim3A_112 : vector<1024x1xi32>
    %mul3A_158 = arith.constant 1024 : i32
    %mul3A_159 = arith.muli %arg0, %mul3A_158 : i32
    %swap3A_160 = arith.index_cast %mul3A_159 : i32 to index
    %swap3A_161 = arith.constant 0 : index
    %swap3A_162 = vector.load %arg16[%swap3A_160, %swap3A_161] : memref<8192x1xi32, #tpu.memory_space<vmem>>, vector<1024x1xi32>
    tpu.vector_store %arg16[%swap3A_160, %swap3A_161], %add3A_157 {strides = array<i32>} : memref<8192x1xi32, #tpu.memory_space<vmem>>, vector<1024x1xi32>,
    %add3A_163 = arith.addi %broadcast_in_dim3A_147, %broadcast_in_dim3A_120 : vector<1024x1xi32>
    %mul3A_164 = arith.constant 1024 : i32
    %mul3A_165 = arith.muli %arg0, %mul3A_164 : i32
    %swap3A_166 = arith.index_cast %mul3A_165 : i32 to index
    %swap3A_167 = arith.constant 0 : index
    %swap3A_168 = vector.load %arg17[%swap3A_166, %swap3A_167] : memref<8192x1xi32, #tpu.memory_space<vmem>>, vector<1024x1xi32>
    tpu.vector_store %arg17[%swap3A_166, %swap3A_167], %add3A_163 {strides = array<i32>} : memref<8192x1xi32, #tpu.memory_space<vmem>>, vector<1024x1xi32>,
    %get3A_169 = arith.constant 0 : index
    %get3A_170 = arith.constant 0 : index
    %get3A_171 = vector.load %arg13[%get3A_169, %get3A_170] : memref<1x8xi32, #tpu.memory_space<vmem>>, vector<1x8xi32>
    %add3A_172 = arith.addi %get3A_171, %broadcast_in_dim3A_123 : vector<1x8xi32>
    %swap3A_173 = arith.constant 0 : index
    %swap3A_174 = arith.constant 0 : index
    %swap3A_175 = vector.load %arg13[%swap3A_173, %swap3A_174] : memref<1x8xi32, #tpu.memory_space<vmem>>, vector<1x8xi32>
    tpu.vector_store %arg13[%swap3A_173, %swap3A_174], %add3A_172 {strides = array<i32>} : memref<1x8xi32, #tpu.memory_space<vmem>>, vector<1x8xi32>,
    %eq3A_176 = vector.broadcast %broadcast_in_dim3A_23 : vector<1024x1xi32> to vector<1024x8xi32>
    %eq3A_177 = arith.cmpi eq, %iota3A, %eq3A_176 : vector<1024x8xi32>
    %get3A_178 = arith.constant 0 : index
    %get3A_179 = arith.constant 0 : index
    %get3A_180 = vector.load %arg6[%get3A_178, %get3A_179] : memref<1024x1xf32, #tpu.memory_space<vmem>>, vector<1024x1xf32>
    %jit3A_181 = arith.constant 0.000000e+00 : f32
    %broadcast_in_dim3A_182 = vector.shape_cast %get3A_180 : vector<1024x1xf32> to vector<1024x1xf32>
    %broadcast_in_dim3A_183 = vector.broadcast %broadcast_in_dim3A_182 : vector<1024x1xf32> to vector<1024x8xf32>
    %broadcast_in_dim3A_184 = vector.broadcast %jit3A_181 : f32 to vector<1024x8xf32>
    %select_n3A_185 = arith.select %eq3A_177, %broadcast_in_dim3A_183, %broadcast_in_dim3A_184 : vector<1024x8xi1>, vector<1024x8xf32>
    %eq3A_186 = vector.broadcast %broadcast_in_dim3A_30 : vector<1024x1xi32> to vector<1024x8xi32>
    %eq3A_187 = arith.cmpi eq, %iota3A, %eq3A_186 : vector<1024x8xi32>
    %get3A_188 = arith.constant 0 : index
    %get3A_189 = arith.constant 0 : index
    %get3A_190 = vector.load %arg7[%get3A_188, %get3A_189] : memref<1024x1xf32, #tpu.memory_space<vmem>>, vector<1024x1xf32>
    %jit3A_191 = arith.constant 0.000000e+00 : f32
    %broadcast_in_dim3A_192 = vector.shape_cast %get3A_190 : vector<1024x1xf32> to vector<1024x1xf32>
    %broadcast_in_dim3A_193 = vector.broadcast %broadcast_in_dim3A_192 : vector<1024x1xf32> to vector<1024x8xf32>
    %broadcast_in_dim3A_194 = vector.broadcast %jit3A_191 : f32 to vector<1024x8xf32>
    %select_n3A_195 = arith.select %eq3A_187, %broadcast_in_dim3A_193, %broadcast_in_dim3A_194 : vector<1024x8xi1>, vector<1024x8xf32>
    %add3A_196 = arith.addf %select_n3A_185, %select_n3A_195 : vector<1024x8xf32>
    %reduce_sum3A_197 = arith.constant dense<0.000000e+00> : vector<8xf32>
    %reduce_sum3A_198 = vector.multi_reduction <add>, %add3A_196, %reduce_sum3A_197 [0] : vector<1024x8xf32> to vector<8xf32>
    %broadcast_in_dim3A_199 = vector.shape_cast %reduce_sum3A_198 : vector<8xf32> to vector<1x8xf32>
    %gt3A = arith.constant 0.000000e+00 : f32
    %gt3A_200 = vector.broadcast %gt3A : f32 to vector<1024x8xf32>
    %gt3A_201 = arith.cmpf ogt, %add3A_196, %gt3A_200 : vector<1024x8xf32>
    %convert_element_type3A_202 = arith.extui %gt3A_201 : vector<1024x8xi1> to vector<1024x8xi32>
    %convert_element_type3A_203 = arith.sitofp %convert_element_type3A_202 : vector<1024x8xi32> to vector<1024x8xf32>
    %reduce_sum3A_204 = arith.constant dense<0.000000e+00> : vector<8xf32>
    %reduce_sum3A_205 = vector.multi_reduction <add>, %convert_element_type3A_203, %reduce_sum3A_204 [0] : vector<1024x8xf32> to vector<8xf32>
    %broadcast_in_dim3A_206 = vector.shape_cast %reduce_sum3A_205 : vector<8xf32> to vector<1x8xf32>
    %concatenate3A_207 = tpu.concatenate %broadcast_in_dim3A_199, %broadcast_in_dim3A_206 in 0 : vector<1x8xf32>, vector<1x8xf32> -> vector<2x8xf32>
    %eq3A_208 = arith.constant 0 : i32
    %eq3A_209 = arith.cmpi eq, %arg0, %eq3A_208 : i32
    %convert_element_type3A_210 = arith.extui %eq3A_209 : i1 to i32
    %cond3A_211 = arith.constant 0 : i32
    %cond3A_212 = arith.cmpi ne, %convert_element_type3A_210, %cond3A_211 : i32
    scf.if %cond3A_212 {
      %swap3A_223 = arith.constant 0 : index
      %swap3A_224 = arith.constant 0 : index
      %swap3A_225 = vector.load %arg11[%swap3A_223, %swap3A_224] : memref<2x8xf32, #tpu.memory_space<vmem>>, vector<2x8xf32>
      tpu.vector_store %arg11[%swap3A_223, %swap3A_224], %concatenate3A_207 {strides = array<i32>} : memref<2x8xf32, #tpu.memory_space<vmem>>, vector<2x8xf32>,
    } else {
    }
    %gt3A_213 = arith.constant 0 : i32
    %gt3A_214 = arith.cmpi sgt, %arg0, %gt3A_213 : i32
    %convert_element_type3A_215 = arith.extui %gt3A_214 : i1 to i32
    %cond3A_216 = arith.constant 0 : i32
    %cond3A_217 = arith.cmpi ne, %convert_element_type3A_215, %cond3A_216 : i32
    scf.if %cond3A_217 {
      %get3A_223 = arith.constant 0 : index
      %get3A_224 = arith.constant 0 : index
      %get3A_225 = vector.load %arg11[%get3A_223, %get3A_224] : memref<2x8xf32, #tpu.memory_space<vmem>>, vector<2x8xf32>
      %add3A_226 = arith.addf %get3A_225, %concatenate3A_207 : vector<2x8xf32>
      %swap3A_227 = arith.constant 0 : index
      %swap3A_228 = arith.constant 0 : index
      %swap3A_229 = vector.load %arg11[%swap3A_227, %swap3A_228] : memref<2x8xf32, #tpu.memory_space<vmem>>, vector<2x8xf32>
      tpu.vector_store %arg11[%swap3A_227, %swap3A_228], %add3A_226 {strides = array<i32>} : memref<2x8xf32, #tpu.memory_space<vmem>>, vector<2x8xf32>,
    } else {
    }
    %eq3A_218 = arith.constant 7 : i32
    %eq3A_219 = arith.cmpi eq, %arg0, %eq3A_218 : i32
    %convert_element_type3A_220 = arith.extui %eq3A_219 : i1 to i32
    %cond3A_221 = arith.constant 0 : i32
    %cond3A_222 = arith.cmpi ne, %convert_element_type3A_220, %cond3A_221 : i32
    scf.if %cond3A_222 {
      %get3A_223 = arith.constant 0 : index
      %get3A_224 = arith.constant 0 : index
      %get3A_225 = vector.load %arg13[%get3A_223, %get3A_224] : memref<1x8xi32, #tpu.memory_space<vmem>>, vector<1x8xi32>
      %add3A_226 = arith.constant 512 : i32
      %add3A_227 = vector.broadcast %add3A_226 : i32 to vector<1x8xi32>
      %add3A_228 = arith.addi %get3A_225, %add3A_227 : vector<1x8xi32>
      %sub3A_229 = arith.constant 1 : i32
      %sub3A_230 = vector.broadcast %sub3A_229 : i32 to vector<1x8xi32>
      %sub3A_231 = arith.subi %add3A_228, %sub3A_230 : vector<1x8xi32>
      %jit3A_232 = arith.constant 512 : i32
      %div3A_233 = vector.broadcast %jit3A_232 : i32 to vector<1x8xi32>
      %div3A_234 = arith.divsi %sub3A_231, %div3A_233 : vector<1x8xi32>
      %sign3A = arith.constant 0 : i32
      %sign3A_235 = vector.broadcast %sign3A : i32 to vector<1x8xi32>
      %sign3A_236 = arith.cmpi sgt, %sub3A_231, %sign3A_235 : vector<1x8xi32>
      %sign3A_237 = arith.extui %sign3A_236 : vector<1x8xi1> to vector<1x8xi32>
      %sign3A_238 = arith.constant 0 : i32
      %sign3A_239 = vector.broadcast %sign3A_238 : i32 to vector<1x8xi32>
      %sign3A_240 = arith.cmpi slt, %sub3A_231, %sign3A_239 : vector<1x8xi32>
      %sign3A_241 = arith.extui %sign3A_240 : vector<1x8xi1> to vector<1x8xi32>
      %sign3A_242 = arith.subi %sign3A_237, %sign3A_241 : vector<1x8xi32>
      %sign3A_243 = arith.constant 0 : i32
      %sign3A_244 = arith.cmpi sgt, %jit3A_232, %sign3A_243 : i32
      %sign3A_245 = arith.extui %sign3A_244 : i1 to i32
      %sign3A_246 = arith.constant 0 : i32
      %sign3A_247 = arith.cmpi slt, %jit3A_232, %sign3A_246 : i32
      %sign3A_248 = arith.extui %sign3A_247 : i1 to i32
      %sign3A_249 = arith.subi %sign3A_245, %sign3A_248 : i32
      %ne3A = vector.broadcast %sign3A_249 : i32 to vector<1x8xi32>
      %ne3A_250 = arith.cmpi ne, %sign3A_242, %ne3A : vector<1x8xi32>
      %rem3A = vector.broadcast %jit3A_232 : i32 to vector<1x8xi32>
      %rem3A_251 = arith.remsi %sub3A_231, %rem3A : vector<1x8xi32>
      %ne3A_252 = arith.constant 0 : i32
      %ne3A_253 = vector.broadcast %ne3A_252 : i32 to vector<1x8xi32>
      %ne3A_254 = arith.cmpi ne, %rem3A_251, %ne3A_253 : vector<1x8xi32>
      %and3A = arith.andi %ne3A_250, %ne3A_254 : vector<1x8xi1>
      %sub3A_255 = arith.constant 1 : i32
      %sub3A_256 = vector.broadcast %sub3A_255 : i32 to vector<1x8xi32>
      %sub3A_257 = arith.subi %div3A_234, %sub3A_256 : vector<1x8xi32>
      %select_n3A_258 = arith.select %and3A, %sub3A_257, %div3A_234 : vector<1x8xi1>, vector<1x8xi32>
      %mul3A_259 = arith.constant 512 : i32
      %mul3A_260 = vector.broadcast %mul3A_259 : i32 to vector<1x8xi32>
      %mul3A_261 = arith.muli %select_n3A_258, %mul3A_260 : vector<1x8xi32>
      %broadcast_in_dim3A_262 = arith.constant 0 : i32
      %broadcast_in_dim3A_263 = vector.broadcast %broadcast_in_dim3A_262 : i32 to vector<1x1xi32>
      %slice3A_264 = vector.extract_strided_slice %mul3A_261 {offsets = [0, 0], sizes = [1, 7], strides = [1, 1]} : vector<1x8xi32> to vector<1x7xi32>
      %concatenate3A_265 = tpu.concatenate %broadcast_in_dim3A_263, %slice3A_264 in 1 : vector<1x1xi32>, vector<1x7xi32> -> vector<1x8xi32>
      %add3A_266 = arith.addi %mul3A_261, %concatenate3A_265 : vector<1x8xi32>
      %broadcast_in_dim3A_267 = arith.constant 0 : i32
      %broadcast_in_dim3A_268 = vector.broadcast %broadcast_in_dim3A_267 : i32 to vector<1x2xi32>
      %slice3A_269 = vector.extract_strided_slice %add3A_266 {offsets = [0, 0], sizes = [1, 6], strides = [1, 1]} : vector<1x8xi32> to vector<1x6xi32>
      %concatenate3A_270 = tpu.concatenate %broadcast_in_dim3A_268, %slice3A_269 in 1 : vector<1x2xi32>, vector<1x6xi32> -> vector<1x8xi32>
      %add3A_271 = arith.addi %add3A_266, %concatenate3A_270 : vector<1x8xi32>
      %broadcast_in_dim3A_272 = arith.constant 0 : i32
      %broadcast_in_dim3A_273 = vector.broadcast %broadcast_in_dim3A_272 : i32 to vector<1x4xi32>
      %slice3A_274 = vector.extract_strided_slice %add3A_271 {offsets = [0, 0], sizes = [1, 4], strides = [1, 1]} : vector<1x8xi32> to vector<1x4xi32>
      %concatenate3A_275 = tpu.concatenate %broadcast_in_dim3A_273, %slice3A_274 in 1 : vector<1x4xi32>, vector<1x4xi32> -> vector<1x8xi32>
      %add3A_276 = arith.addi %add3A_271, %concatenate3A_275 : vector<1x8xi32>
      %sub3A_277 = arith.subi %add3A_276, %mul3A_261 : vector<1x8xi32>
      %iota3A_278 = tpu.iota {dimensions = array<i32: 0>} : vector<40x8xi32>
      %mul3A_279 = arith.constant 512 : i32
      %mul3A_280 = vector.broadcast %mul3A_279 : i32 to vector<40x8xi32>
      %mul3A_281 = arith.muli %iota3A_278, %mul3A_280 : vector<40x8xi32>
      %ge3A = vector.broadcast %sub3A_277 : vector<1x8xi32> to vector<40x8xi32>
      %ge3A_282 = arith.cmpi sge, %mul3A_281, %ge3A : vector<40x8xi32>
      %convert_element_type3A_283 = arith.extui %ge3A_282 : vector<40x8xi1> to vector<40x8xi32>
      %reduce_sum3A_284 = arith.constant dense<0> : vector<40xi32>
      %reduce_sum3A_285 = vector.multi_reduction <add>, %convert_element_type3A_283, %reduce_sum3A_284 [1] : vector<40x8xi32> to vector<40xi32>
      %sub3A_286 = arith.constant 1 : i32
      %sub3A_287 = vector.broadcast %sub3A_286 : i32 to vector<40xi32>
      %sub3A_288 = arith.subi %reduce_sum3A_285, %sub3A_287 : vector<40xi32>
      %swap3A_289 = arith.constant 0 : index
      %swap3A_290 = vector.load %arg8[%swap3A_289] : memref<40xi32, #tpu.memory_space<vmem>>, vector<40xi32>
      tpu.vector_store %arg8[%swap3A_289], %sub3A_288 {strides = array<i32>} : memref<40xi32, #tpu.memory_space<vmem>>, vector<40xi32>,
      %iota3A_291 = tpu.iota {dimensions = array<i32: 1>} : vector<8192x8xi32>
      %broadcast_in_dim3A_292 = vector.shape_cast %sub3A_277 : vector<1x8xi32> to vector<1x8xi32>
      %broadcast_in_dim3A_293 = vector.broadcast %broadcast_in_dim3A_292 : vector<1x8xi32> to vector<8192x8xi32>
      %get3A_294 = arith.constant 0 : index
      %get3A_295 = arith.constant 0 : index
      %get3A_296 = vector.load %arg14[%get3A_294, %get3A_295] : memref<8192x1xi32, #tpu.memory_space<vmem>>, vector<8192x1xi32>
      %eq3A_297 = vector.broadcast %get3A_296 : vector<8192x1xi32> to vector<8192x8xi32>
      %eq3A_298 = arith.cmpi eq, %iota3A_291, %eq3A_297 : vector<8192x8xi32>
      %jit3A_299 = arith.constant 0 : i32
      %broadcast_in_dim3A_300 = vector.broadcast %jit3A_299 : i32 to vector<8192x8xi32>
      %select_n3A_301 = arith.select %eq3A_298, %broadcast_in_dim3A_293, %broadcast_in_dim3A_300 : vector<8192x8xi1>, vector<8192x8xi32>
      %reduce_sum3A_302 = arith.constant dense<0> : vector<8192xi32>
      %reduce_sum3A_303 = vector.multi_reduction <add>, %select_n3A_301, %reduce_sum3A_302 [1] : vector<8192x8xi32> to vector<8192xi32>
      %broadcast_in_dim3A_304 = vector.shape_cast %reduce_sum3A_303 : vector<8192xi32> to vector<8192x1xi32>
      %get3A_305 = arith.constant 0 : index
      %get3A_306 = arith.constant 0 : index
      %get3A_307 = vector.load %arg15[%get3A_305, %get3A_306] : memref<8192x1xi32, #tpu.memory_space<vmem>>, vector<8192x1xi32>
      %eq3A_308 = vector.broadcast %get3A_307 : vector<8192x1xi32> to vector<8192x8xi32>
      %eq3A_309 = arith.cmpi eq, %iota3A_291, %eq3A_308 : vector<8192x8xi32>
      %jit3A_310 = arith.constant 0 : i32
      %broadcast_in_dim3A_311 = vector.broadcast %jit3A_310 : i32 to vector<8192x8xi32>
      %select_n3A_312 = arith.select %eq3A_309, %broadcast_in_dim3A_293, %broadcast_in_dim3A_311 : vector<8192x8xi1>, vector<8192x8xi32>
      %reduce_sum3A_313 = arith.constant dense<0> : vector<8192xi32>
      %reduce_sum3A_314 = vector.multi_reduction <add>, %select_n3A_312, %reduce_sum3A_313 [1] : vector<8192x8xi32> to vector<8192xi32>
      %broadcast_in_dim3A_315 = vector.shape_cast %reduce_sum3A_314 : vector<8192xi32> to vector<8192x1xi32>
      %get3A_316 = arith.constant 0 : index
      %get3A_317 = arith.constant 0 : index
      %get3A_318 = vector.load %arg16[%get3A_316, %get3A_317] : memref<8192x1xi32, #tpu.memory_space<vmem>>, vector<8192x1xi32>
      %add3A_319 = arith.addi %get3A_318, %broadcast_in_dim3A_304 : vector<8192x1xi32>
      %swap3A_320 = arith.constant 0 : index
      %swap3A_321 = arith.constant 0 : index
      %swap3A_322 = vector.load %arg9[%swap3A_320, %swap3A_321] : memref<8192x1xi32, #tpu.memory_space<vmem>>, vector<8192x1xi32>
      tpu.vector_store %arg9[%swap3A_320, %swap3A_321], %add3A_319 {strides = array<i32>} : memref<8192x1xi32, #tpu.memory_space<vmem>>, vector<8192x1xi32>,
      %get3A_323 = arith.constant 0 : index
      %get3A_324 = arith.constant 0 : index
      %get3A_325 = vector.load %arg17[%get3A_323, %get3A_324] : memref<8192x1xi32, #tpu.memory_space<vmem>>, vector<8192x1xi32>
      %add3A_326 = arith.addi %get3A_325, %broadcast_in_dim3A_315 : vector<8192x1xi32>
      %swap3A_327 = arith.constant 0 : index
      %swap3A_328 = arith.constant 0 : index
      %swap3A_329 = vector.load %arg10[%swap3A_327, %swap3A_328] : memref<8192x1xi32, #tpu.memory_space<vmem>>, vector<8192x1xi32>
      tpu.vector_store %arg10[%swap3A_327, %swap3A_328], %add3A_326 {strides = array<i32>} : memref<8192x1xi32, #tpu.memory_space<vmem>>, vector<8192x1xi32>,
      %get3A_330 = arith.constant 0 : index
      %get3A_331 = arith.constant 0 : index
      %get3A_332 = vector.load %arg11[%get3A_330, %get3A_331] : memref<2x8xf32, #tpu.memory_space<vmem>>, vector<2x8xf32>
      %reduce_sum3A_333 = arith.constant dense<0.000000e+00> : vector<2xf32>
      %reduce_sum3A_334 = vector.multi_reduction <add>, %get3A_332, %reduce_sum3A_333 [1] : vector<2x8xf32> to vector<2xf32>
      %broadcast_in_dim3A_335 = vector.shape_cast %reduce_sum3A_334 : vector<2xf32> to vector<2x1xf32>
      %div3A_336 = arith.constant 8.000000e+00 : f32
      %div3A_337 = vector.broadcast %div3A_336 : f32 to vector<2x1xf32>
      %div3A_338 = arith.divf %broadcast_in_dim3A_335, %div3A_337 : vector<2x1xf32>
      %sub3A_339 = vector.broadcast %div3A_338 : vector<2x1xf32> to vector<2x8xf32>
      %sub3A_340 = arith.subf %get3A_332, %sub3A_339 : vector<2x8xf32>
      %integer_pow3A = arith.mulf %sub3A_340, %sub3A_340 : vector<2x8xf32>
      %reduce_sum3A_341 = arith.constant dense<0.000000e+00> : vector<2xf32>
      %reduce_sum3A_342 = vector.multi_reduction <add>, %integer_pow3A, %reduce_sum3A_341 [1] : vector<2x8xf32> to vector<2xf32>
      %broadcast_in_dim3A_343 = vector.shape_cast %reduce_sum3A_342 : vector<2xf32> to vector<2x1xf32>
      %div3A_344 = arith.constant 7.000000e+00 : f32
      %div3A_345 = vector.broadcast %div3A_344 : f32 to vector<2x1xf32>
      %div3A_346 = arith.divf %broadcast_in_dim3A_343, %div3A_345 : vector<2x1xf32>
      %mul3A_347 = arith.mulf %div3A_338, %div3A_338 : vector<2x1xf32>
      %add3A_348 = arith.constant 1.000000e-10 : f32
      %add3A_349 = vector.broadcast %add3A_348 : f32 to vector<2x1xf32>
      %add3A_350 = arith.addf %mul3A_347, %add3A_349 : vector<2x1xf32>
      %div3A_351 = arith.divf %div3A_346, %add3A_350 : vector<2x1xf32>
      %slice3A_352 = vector.extract_strided_slice %div3A_351 {offsets = [0, 0], sizes = [1, 1], strides = [1, 1]} : vector<2x1xf32> to vector<1x1xf32>
      %slice3A_353 = vector.extract_strided_slice %div3A_351 {offsets = [1, 0], sizes = [1, 1], strides = [1, 1]} : vector<2x1xf32> to vector<1x1xf32>
      %add3A_354 = arith.addf %slice3A_352, %slice3A_353 : vector<1x1xf32>
      %mul3A_355 = arith.constant 0.00999999977 : f32
      %mul3A_356 = vector.broadcast %mul3A_355 : f32 to vector<1x1xf32>
      %mul3A_357 = arith.mulf %add3A_354, %mul3A_356 : vector<1x1xf32>
      %swap3A_358 = arith.constant 0 : index
      %swap3A_359 = arith.constant 0 : index
      %swap3A_360 = vector.load %arg12[%swap3A_358, %swap3A_359] : memref<1x1xf32, #tpu.memory_space<vmem>>, vector<1x1xf32>
      tpu.vector_store %arg12[%swap3A_358, %swap3A_359], %mul3A_357 {strides = array<i32>} : memref<1x1xf32, #tpu.memory_space<vmem>>, vector<1x1xf32>,
    } else {
    }
    return
  }
  func.func @transform_0(%arg0: i32) -> (i32, i32) {
    %c0_i32 = arith.constant 0 : i32
    %c0_i32_0 = arith.constant 0 : i32
    return %arg0, %c0_i32 : i32, i32
  }
  func.func @transform_1(%arg0: i32) -> (i32, i32) {
    %c0_i32 = arith.constant 0 : i32
    %c0_i32_0 = arith.constant 0 : i32
    %c0_i32_1 = arith.constant 0 : i32
    return %c0_i32, %c0_i32_0 : i32, i32
  }
  func.func @transform_2(%arg0: i32) -> i32 {
    %c0_i32 = arith.constant 0 : i32
    %c0_i32_0 = arith.constant 0 : i32
    return %c0_i32 : i32
  }
  func.func @transform_3(%arg0: i32) -> (i32, i32) {
    %c0_i32 = arith.constant 0 : i32
    %c0_i32_0 = arith.constant 0 : i32
    %c0_i32_1 = arith.constant 0 : i32
    return %c0_i32, %c0_i32_0 : i32, i32
  }
  func.func @transform_4(%arg0: i32) -> i32 {
    %c0_i32 = arith.constant 0 : i32
    %c0_i32_0 = arith.constant 0 : i32
    return %c0_i32 : i32
  }
  func.func @transform_5(%arg0: i32) -> (i32, i32) {
    %c0_i32 = arith.constant 0 : i32
    %c0_i32_0 = arith.constant 0 : i32
    return %arg0, %c0_i32 : i32, i32
  }
  func.func @transform_6(%arg0: i32) -> (i32, i32) {
    %c0_i32 = arith.constant 0 : i32
    %c0_i32_0 = arith.constant 0 : i32
    return %arg0, %c0_i32 : i32, i32
  }
  func.func @transform_7(%arg0: i32) -> i32 {
    %c0_i32 = arith.constant 0 : i32
    %c0_i32_0 = arith.constant 0 : i32
    return %c0_i32 : i32
  }
  func.func @transform_8(%arg0: i32) -> (i32, i32) {
    %c0_i32 = arith.constant 0 : i32
    %c0_i32_0 = arith.constant 0 : i32
    %c0_i32_1 = arith.constant 0 : i32
    return %c0_i32, %c0_i32_0 : i32, i32
  }
  func.func @transform_9(%arg0: i32) -> (i32, i32) {
    %c0_i32 = arith.constant 0 : i32
    %c0_i32_0 = arith.constant 0 : i32
    %c0_i32_1 = arith.constant 0 : i32
    return %c0_i32, %c0_i32_0 : i32, i32
  }
  func.func @transform_10(%arg0: i32) -> (i32, i32) {
    %c0_i32 = arith.constant 0 : i32
    %c0_i32_0 = arith.constant 0 : i32
    %c0_i32_1 = arith.constant 0 : i32
    return %c0_i32, %c0_i32_0 : i32, i32
  }
  func.func @transform_11(%arg0: i32) -> (i32, i32) {
    %c0_i32 = arith.constant 0 : i32
    %c0_i32_0 = arith.constant 0 : i32
    %c0_i32_1 = arith.constant 0 : i32
    return %c0_i32, %c0_i32_0 : i32, i32
  }
}

</mosaic_0001>

<sc_bundles>
// kernel: kernel.10.cloned.1.call-start
scs
__scs_entry_jumppad:
0x0: {  	(pc) =	sbr.rel $0x88, $3  }
0x1: {  	(tag) =	ssettag $0x0;
	lr =	simm.s32 $0x1  }
0x2: {  	[smem:$0x3F99] =	sst lr;
	_ =	strace $0xD0000000  }
0x3: {  	_ = 	snop  }
0x4: {  	_ = 	snop  }
0x5: {  	_ = 	snop  }
0x6: {  	_ = 	snop  }
0x7: {  	_ = 	snop  }
__scs_overlays_trampoline_lowered:
0x8: {  	[smem:$0x3FA8] =	sst s0  }
0x9: {  	[smem:$0x3FA9] =	sst s1  }
0xa: {  	[smem:$0x3FAA] =	sst s2  }
0xb: {  	[smem:$0x3FAB] =	sst s3  }
0xc: {  	[smem:$0x3FAC] =	sst s4  }
0xd: {  	[smem:$0x3FAD] =	sst s5  }
0xe: {  	[smem:$0x3FAE] =	sst s6  }
0xf: {  	[smem:$0x3FAF] =	sst s7  }
0x10: {  	[smem:$0x3FB0] =	sst s8  }
0x11: {  	[smem:$0x3FB1] =	sst s9;
	s0 =	simm.s32 @!p0 $0x0  }
0x12: {  	s1 =	sld [smem:$0x3F97];
	s0 =	simm.s32 @p0 $0x1  }
0x13: {  	[smem:$0x3FB2] =	sst s0;
	s0 =	simm.s32 @!p1 $0x0  }
0x14: {  	s2 =	sld [smem:$0x3F96];
	s0 =	simm.s32 @p1 $0x1  }
0x15: {  	[smem:$0x3FB3] =	sst s0;
	s0 =	simm.s32 @!p2 $0x0  }
0x16: {  	s3 =	sld [smem:$0x3FDB];
	s0 =	simm.s32 @p2 $0x1  }
0x17: {  	s4 =	simm.s32 $0x1BF5;
	[smem:$0x3FB5] =	sst s0  }
0x18: {  	s0 =	sld [smem:$0x3F98];
	_ =	swait.ge [sflag:s4], $0x0  }
0x19: {  	s7 =	sld [smem:$0x3F99]  }
0x1a: {  	s8 =	sadd.s32 $0xFFFFE003, lr  }
0x1b: {  	s9 =	sadd.s32 $0xFFFFFEF7, lr;
	s5 =	simm.s32 $0xFFFFFFFF;
	p2 =	slt.u32 s8, $0xFFFFF086  }
0x1c: {  	p1 =	slt.u32 s9, $0xF7A;
	s5 =	simm.s32 @!p2 $0x0  }
0x1d: {  	s5 =	simm.s32 @p1 $0x1;
	p0 =	seq.s32 s7, s2  }
0x1e: {  	s7 =	smul.u32 @!p0 $0xF7A, s2;
	p2 =	seq.s32 @!p0 s5, $0x0  }
0x1f: {  	s9 =	smul.u32 $0xF7A, s1;
	s8 =	simm.s32 @!p0 $0x1BF5;
	p2 =	por !p2, p0  }
0x20: {  	[sflag:s8] =	ssyncset.s32 @!p0 $0xFFFFF086;
	s6 =	sadd.s32 @!p0 s3, s7;
	s7 =	simm.s32 @!p0 $0x108  }
0x21: {  	s3 =	sadd.s32 s3, s9;
	s6 =	sadd.s32 @!p0 $0x88, s6;
	s7 =	simm.s32 @p2 $0x1082  }
0x22: {  	[simem:s7], [sflag:s8] =	dma.local @!p0 [hbm:s6], $0xF7A  }
0x23: {  	s9 =	sor.u32 $0xD0000000, s2;
	s6 =	simm.s32 $0x108;
	_ =	swait.ge @!p0 [sflag:s8], $0x0  }
0x24: {  	s3 =	sadd.s32 $0x88, s3;
	s6 =	simm.s32 @!p1 $0x1082;
	[sflag:s4] =	ssyncset.s32 $0xFFFFF086  }
0x25: {  	[simem:s6], [sflag:s4] =	dma.local [hbm:s3], $0xF7A  }
0x26: {  	[smem:$0x3F99] =	sst s1;
	(tag) =	ssettag s2;
	_ =	strace s9  }
0x27: {  	s1 =	sld [smem:$0x3FA9]  }
0x28: {  	s2 =	sld [smem:$0x3FAA]  }
0x29: {  	s4 =	sld [smem:$0x3FAC]  }
0x2a: {  	p0 =	seq.s32 s5, $0x0;
	s5 =	sld [smem:$0x3FAD]  }
0x2b: {  	s6 =	sld [smem:$0x3FAE]  }
0x2c: {  	s7 =	sld [smem:$0x3FAF]  }
0x2d: {  	s3 =	simm.s32 $0x108;
	s8 =	sld [smem:$0x3FB0]  }
0x2e: {  	s3 =	simm.s32 @!p0 $0x1082;
	s9 =	sld [smem:$0x3FB1]  }
0x2f: {  	lr =	sadd.s32 s0, s3;
	s0 =	sld [smem:$0x3FA8]  }
0x30: {  	s3 =	sld [smem:$0x3FAB]  }
0x31: {  	[smem:$0x3FB4] =	sst s10  }
0x32: {  	s10 =	sld [smem:$0x3FB2];
	_ =	sdelay $0x3  }
0x33: {  	p0 =	seq.s32 s10, $0x1;
	s10 =	sld [smem:$0x3FB4];
	_ =	sdelay $0x3  }
0x34: {  	[smem:$0x3FB4] =	sst s10  }
0x35: {  	s10 =	sld [smem:$0x3FB3];
	_ =	sdelay $0x3  }
0x36: {  	p1 =	seq.s32 s10, $0x1;
	s10 =	sld [smem:$0x3FB4];
	_ =	sdelay $0x3  }
0x37: {  	[smem:$0x3FB4] =	sst s10  }
0x38: {  	s10 =	sld [smem:$0x3FB5]  }
0x39: {  	_ = 	snop;
	(pc) =	sbr.ind lr, $3  }
0x3a: {  	_ = 	snop  }
0x3b: {  	_ = 	snop  }
0x3c: {  	p2 =	seq.s32 s10, $0x1;
	s10 =	sld [smem:$0x3FB4]  }
0x3d: {  	_ =	shalt  }
0x3e: {  	_ =	shalt  }
0x3f: {  	_ =	shalt  }
0x40: {  	_ =	shalt  }
0x41: {  	_ =	shalt  }
0x42: {  	_ =	shalt  }
0x43: {  	_ =	shalt  }
0x44: {  	_ =	shalt  }
0x45: {  	_ =	shalt  }
0x46: {  	_ =	shalt  }
0x47: {  	_ =	shalt  }
0x48: {  	_ =	shalt  }
0x49: {  	_ =	shalt  }
0x4a: {  	_ =	shalt  }
0x4b: {  	_ =	shalt  }
0x4c: {  	_ =	shalt  }
0x4d: {  	_ =	shalt  }
0x4e: {  	_ =	shalt  }
0x4f: {  	_ =	shalt  }
0x50: {  	_ =	shalt  }
0x51: {  	_ =	shalt  }
0x52: {  	_ =	shalt  }
0x53: {  	_ =	shalt  }
0x54: {  	_ =	shalt  }
0x55: {  	_ =	shalt  }
0x56: {  	_ =	shalt  }
0x57: {  	_ =	shalt  }
0x58: {  	_ =	shalt  }
0x59: {  	_ =	shalt  }
0x5a: {  	_ =	shalt  }
0x5b: {  	_ =	shalt  }
0x5c: {  	_ =	shalt  }
0x5d: {  	_ =	shalt  }
0x5e: {  	_ =	shalt  }
0x5f: {  	_ =	shalt  }
0x60: {  	_ =	shalt  }
0x61: {  	_ =	shalt  }
0x62: {  	_ =	shalt  }
0x63: {  	_ =	shalt  }
0x64: {  	_ =	shalt  }
0x65: {  	_ =	shalt  }
0x66: {  	_ =	shalt  }
0x67: {  	_ =	shalt  }
0x68: {  	_ =	shalt  }
0x69: {  	_ =	shalt  }
0x6a: {  	_ =	shalt  }
0x6b: {  	_ =	shalt  }
0x6c: {  	_ =	shalt  }
0x6d: {  	_ =	shalt  }
0x6e: {  	_ =	shalt  }
0x6f: {  	_ =	shalt  }
0x70: {  	_ =	shalt  }
0x71: {  	_ =	shalt  }
0x72: {  	_ =	shalt  }
0x73: {  	_ =	shalt  }
0x74: {  	_ =	shalt  }
0x75: {  	_ =	shalt  }
0x76: {  	_ =	shalt  }
0x77: {  	_ =	shalt  }
0x78: {  	_ =	shalt  }
0x79: {  	_ =	shalt  }
0x7a: {  	_ =	shalt  }
0x7b: {  	_ =	shalt  }
0x7c: {  	_ =	shalt  }
0x7d: {  	_ =	shalt  }
0x7e: {  	_ =	shalt  }
0x7f: {  	_ =	shalt  }
0x80: {  	_ =	shalt  }
0x81: {  	_ =	shalt  }
0x82: {  	_ =	shalt  }
0x83: {  	_ =	shalt  }
0x84: {  	_ =	shalt  }
0x85: {  	_ =	shalt  }
0x86: {  	_ =	shalt  }
0x87: {  	_ =	shalt  }
.Lfunc_end0:
.L_simem_size_0:
called_computation.1_lowered:
.L_overlay_start_0:
0x88: {  	s2 =	sld [smem:$0x3FD9]  }
0x89: {  	s3 =	sld [smem:$0x3FFE];
	_ =	sdelay $0x1  }
0x8a: {  	s1 =	srdreg.scid  }
0x8b: {  	s0 =	sand.u32 $0x1, s1  }
0x8c: {  	s16 =	sshll.u32 s0, $0xA;
	s2 =	sadd.s32 s3, s2  }
0x8d: {  	s2 =	sadd.s32 s2, s16  }
0x8e: {  	[smem:$0x3FC0] =	sst s2  }
0x8f: {  	_ = 	snop  }
0x90: {  	(tm) =	ssettm $0x1  }
0x91: {  	s17 =	sld [smem:$0x3FFB];
	_ =	sdelay $0x3  }
0x92: {  	_ =	strace s17  }
0x93: {  	s2 =	sld [smem:$0x3FFC];
	_ =	sdelay $0x3  }
0x94: {  	_ =	strace s2  }
0x95: {  	s2 =	sld [smem:$0x3FFD];
	_ =	sdelay $0x3  }
0x96: {  	_ =	strace s2  }
0x97: {  	_ =	strace $0x8FFFFFFF  }
0x98: {  	s18 =	sld [smem:$0x3FDB];
	_ =	sdelay $0x1  }
0x99: {  	s19 =	simm.s32 $_scs_section_size  }
0x9a: {  	s4 =	simm.s32 $_size__tile_overlayer_lowered;
	s5 =	simm.s32 $_tile_overlayer_lowered  }
0x9b: {  	s22 =	simm.s32 $0x1BFF;
	s21 =	sshll.u32 s5, $0x1;
	s2 =	sadd.s32 s19, s18  }
0x9c: {  	s6 =	simm.s32 $0x0;
	s20 =	sshll.u32 s4, $0x1;
	s4 =	sadd.s32 s21, s2  }
0x9d: {  	[timem:s6], [sflag:s22] =	dma.local [hbm:s4], s20  }
0x9e: {  	_ =	swait.ge [sflag:s22], s20  }
0x9f: {  	s3 =	ssub.s32 $0x0, s20;
	[sflag:s22] =	ssyncset.done $0x0  }
0xa0: {  	[sflag:s22] =	ssyncadd.s32 s3;
	_ =	sdelay $0x1  }
0xa1: {  	s23 =	simm.s32 $0x1B8B  }
0xa2: {  	_ =	swait.ge [sflag:s23], $0x1  }
0xa3: {  	[sflag:s23] =	ssyncset.done $0x0  }
0xa4: {  	s25 =	simm.s32 $0x1B8E;
	s24 =	sld [smem:$0x3FFE];
	[sflag:s23] =	ssyncadd.s32 $0xFFFFFFFF  }
0xa5: {  	s26 =	simm.s32 $execute0_lowered;
	[smem:$0x3FD2] =	sst s25  }
0xa6: {  	s4 =	sshll.u32 s26, $0x1;
	_ =	strace $0x80000049;
	[dreg:$0x1] =	wrdreg $0xFFFFFFFF  }
0xa7: {  	s28 =	simm.s32 $_size_execute0_lowered;
	s2 =	sadd.s32 s2, s4;
	[dreg:$0x0] =	wrdreg $0x0  }
0xa8: {  	s4 =	sshll.u32 s28, $0x1;
	[dreg:$0x2] =	wrdreg s2  }
0xa9: {  	[dreg:$0x3] =	wrdreg s4  }
0xaa: {  	[dreg:$0x4] =	wrdreg $0xC0  }
0xab: {  	_ =	task [dreg:s6], $0x5FFFF  }
0xac: {  	[dreg:$0x1] =	wrdreg $0xFFFFFFFF  }
0xad: {  	[dreg:$0x0] =	wrdreg $0x60  }
0xae: {  	[dreg:$0x2] =	wrdreg s24  }
0xaf: {  	[dreg:$0x3] =	wrdreg $0x9  }
0xb0: {  	_ =	task.clear_ibuf [dreg:s6], $0x4FFFF;
	_ =	strace $0x90000049  }
0xb1: {  	s29 =	simm.s32 $0x9;
	_ =	strace $0x8000004B  }
0xb2: {  	_ =	swait.ge [sflag:s29], $0x1  }
0xb3: {  	[sflag:s29] =	ssyncadd.s32 $0xFFFFFFFF  }
0xb4: {  	_ =	strace $0x9000004B  }
0xb5: {  	_ =	sfence  }
0xb6: {  	s30 =	sld [smem:$0x0];
	_ =	sdelay $0x2  }
0xb7: {  	s31 =	sshll.u32 s1, $0xD;
	s1 =	sshrl.u32 s1, $0x2  }
0xb8: {  	s3 =	sand.u32 $0x4000, s31;
	s1 =	sadd.s32 s1, s30  }
0xb9: {  	s0 =	sor.u32 s3, s0;
	s1 =	sshll.u32 s1, $0x11  }
0xba: {  	s0 =	sor.u32 s1, s0  }
0xbb: {  	s0 =	sadd.s32 $0x8F2B, s0  }
0xbc: {  	[sflag:s0] =	ssyncadd.remote.s32 $0x1  }
0xbd: {  	_ =	sfence.sel $0xFFFF  }
0xbe: {  	[dreg:$0x0] =	wrdreg $0xFFFFFFFF;
	(pc) =	sbr.abs _section_cstart, $3  }
0xbf: {  	[dreg:$0x1] =	wrdreg $0xFFFFFFFF  }
0xc0: {  	_ =	task.clear_ibuf [dreg:s6], $0x2FFFF;
	_ =	strace $0x9FFFFFFF  }
0xc1: {  	(tm) =	ssettm $0x7FFFFFFF  }
tec
execute0_lowered:
.L_overlay_start_1:
0x0: {  	(tag) =	ssettag $0x1  }
0x1: {  	s0 =	srdreg.scid  }
0x2: {  	s2 =	stileid.u32;
	s1 =	rddreg [dreg:$0x0]  }
0x3: {  	s31 =	simm.s32 $0x400;
	s0 =	sand.u32 $0x1, s0;
	s3 =	sshll.u32 s2, $0x1  }
0x4: {  	s2 =	simm.s32 $0x0;
	s7 =	sadd.s32 $0x22800, s1;
	s3 =	sor.u32 s0, s3  }
0x5: {  	s10 =	sadd.s32 $0xE2800, s1;
	[smem:$0x7FF] =	sst s2;
	s4 =	sshll.u32 s3, $0x7  }
0x6: {  	s0 =	ssub.s32 $0x2, s0;
	_ =	strace $0x8000004A;
	s4 =	sadd.s32 s4, s1  }
0x7: {  	s6 =	smul.u32 $0x6000, s3;
	[dreg:$0x14] =	wrdreg s31;
	s5 =	sadd.s32 $0x203800, s4  }
0x8: {  	s3 =	smul.u32 $0x30000, s3;
	s4 =	sadd.s32 $0x204800, s4;
	[dreg:$0x2] =	wrdreg s5  }
0x9: {  	s9 =	sshrl.u32 s0, $0x1;
	s11 =	sadd.s32 s7, s6;
	[dreg:$0x3] =	wrdreg s4  }
0xa: {  	s12 =	sadd.s32 s10, s6;
	s8 =	sor.u32 $0xC00, s6;
	[dreg:$0x4] =	wrdreg s11  }
0xb: {  	s0 =	ssub.s32 s0, s9;
	[dreg:$0x5] =	wrdreg s12;
	s13 =	sadd.s32 s7, s8  }
0xc: {  	s6 =	sor.u32 $0x1800, s6;
	s14 =	sadd.s32 s10, s8;
	[dreg:$0x6] =	wrdreg s13  }
0xd: {  	s16 =	sshrl.u32 s3, $0x3;
	s15 =	sadd.s32 s7, s6;
	[dreg:$0x7] =	wrdreg s14  }
0xe: {  	s17 =	sadd.s32 s10, s6;
	s18 =	sadd.s32 $0x2400, s16;
	[dreg:$0x8] =	wrdreg s15  }
0xf: {  	s3 =	sadd.s32 $0x205800, s1;
	[dreg:$0x9] =	wrdreg s17;
	s19 =	sadd.s32 s7, s18  }
0x10: {  	s20 =	sadd.s32 $0x3000, s16;
	s4 =	sadd.s32 s10, s18;
	[dreg:$0xa] =	wrdreg s19  }
0x11: {  	s23 =	sadd.s32 $0x3C00, s16;
	s21 =	sadd.s32 s7, s20;
	[dreg:$0xb] =	wrdreg s4  }
0x12: {  	s26 =	sadd.s32 $0x4800, s16;
	s22 =	sadd.s32 s10, s20;
	[dreg:$0xc] =	wrdreg s21  }
0x13: {  	s30 =	sadd.s32 $0x5400, s16;
	s24 =	sadd.s32 s7, s23;
	[dreg:$0xd] =	wrdreg s22  }
0x14: {  	s5 =	sadd.s32 $0x205A00, s1;
	s25 =	sadd.s32 s10, s23;
	[dreg:$0xe] =	wrdreg s24  }
0x15: {  	s11 =	simm.s32 $0x3;
	s28 =	sadd.s32 s7, s26;
	[dreg:$0xf] =	wrdreg s25  }
0x16: {  	s12 =	simm.s32 $0x2;
	s29 =	sadd.s32 s10, s26;
	[dreg:$0x10] =	wrdreg s28  }
0x17: {  	v2 =	vlaneseq.u32;
	s7 =	sadd.s32 s7, s30;
	s6 =	sadd.s32 s10, s30;
	[dreg:$0x11] =	wrdreg s29  }
0x18: {  	vm0 =	vmmov $0xffff;
	v1 =	vshrl.u32 v2, $0x3;
	s10 =	simm.s32 $0x1;
	s4 =	sadd.s32 $0x205900, s1;
	[dreg:$0x12] =	wrdreg s7  }
0x19: {  	v0 =	vand.u32 $0x7, v2;
	v2 =	vor.u32 $0x8, v2;
	v1 =	vmul.u32 $0x8, v1;
	[dreg:$0x13] =	wrdreg s6;
	s6 =	smax.u32 s0, $0x1;
	s7 =	simm.s32 $0x12800  }
.LBB2_1:
0x1a: {  	s13 =	rddreg [dreg:$0x2];
	s1 =	simm.s32 $0x4  }
0x1b: {  	[tilespmem:s2], [sflag:$0x4] =	stream.linear.gather [hbm4b:s13+s2], $0x400, $0x38;
	[tilespmem:$0x18800] =	vst v63  }
0x1c: {  	_ =	swait.ge [sflag:s1], $0x400  }
0x1d: {  	s9 =	rddreg [dreg:$0x3];
	[sflag:s1] =	ssyncset.done $0x0  }
0x1e: {  	s14 =	rddreg [dreg:$0x14];
	[sflag:s1] =	ssyncadd.s32 $0xFFFFFC00  }
0x1f: {  	[tilespmem:s14], [sflag:$0x4] =	stream.linear.gather [hbm4b:s9+s2], $0x400, $0x38;
	[tilespmem:$0x18800] =	vst v63  }
0x20: {  	_ =	swait.ge [sflag:s1], $0x400  }
0x21: {  	[sflag:s1] =	ssyncset.done $0x0  }
0x22: {  	[sflag:s1] =	ssyncadd.s32 $0xFFFFFC00  }
0x23: {  	v3 =	vld [tilespmem:$0x0];
	_ =	sdelay $0x4  }
0x24: {  	v4 =	vshrl.u32 v3, $0x3  }
0x25: {  	v4 =	vmul.u32 $0x30, v4  }
0x26: {  	v3 =	vand.u32 $0x7, v3  }
0x27: {  	v3 =	vor.u32 v3, v4  }
0x28: {  	v4 =	vperm.xlane v3, v0;
	_ =	sdelay $0x1  }
0x29: {  	v4 =	vadd.s32 v1, v4;
	_ =	sdelay $0x3  }
0x2a: {  	s0 =	simm.s32 $0x800;
	v3 =	vperm.xlane v3, v2  }
0x2b: {  	[tilespmem:s0], [sflag:$0x1] =	stream.indirect_vreg.gather [hbm4b:s3+s2], $0x80, v4, vm0, $0xb8;
	[tilespmem:$0x18800] =	vst v63  }
0x2c: {  	s14 =	simm.s32 $0x1000;
	v3 =	vadd.s32 v1, v3  }
0x2d: {  	[tilespmem:s14], [sflag:$0x1] =	stream.indirect_vreg.gather [hbm4b:s4+s2], $0x80, v4, vm0, $0xb8;
	[tilespmem:$0x18800] =	vst v63  }
0x2e: {  	s15 =	simm.s32 $0x1800  }
0x2f: {  	[tilespmem:s15], [sflag:$0x1] =	stream.indirect_vreg.gather [hbm4b:s5+s2], $0x80, v4, vm0, $0xb8;
	[tilespmem:$0x18800] =	vst v63  }
0x30: {  	s16 =	simm.s32 $0x2000  }
0x31: {  	[tilespmem:s16], [sflag:$0x1] =	stream.indirect_vreg.gather [hbm4b:s3+s2], $0x80, v3, vm0, $0xb8;
	[tilespmem:$0x18800] =	vst v63  }
0x32: {  	s17 =	simm.s32 $0x2800  }
0x33: {  	[tilespmem:s17], [sflag:$0x1] =	stream.indirect_vreg.gather [hbm4b:s4+s2], $0x80, v3, vm0, $0xb8;
	[tilespmem:$0x18800] =	vst v63  }
0x34: {  	s18 =	simm.s32 $0x3000  }
0x35: {  	[tilespmem:s18], [sflag:$0x1] =	stream.indirect_vreg.gather [hbm4b:s5+s2], $0x80, v3, vm0, $0xb8;
	[tilespmem:$0x18800] =	vst v63  }
0x36: {  	v3 =	vld [tilespmem:$0x10];
	_ =	sdelay $0x4  }
0x37: {  	v33 =	vshrl.u32 v3, $0x3  }
0x38: {  	v4 =	vmul.u32 $0x30, v33  }
0x39: {  	v3 =	vand.u32 $0x7, v3  }
0x3a: {  	v3 =	vor.u32 v3, v4  }
0x3b: {  	v4 =	vperm.xlane v3, v0;
	_ =	sdelay $0x1  }
0x3c: {  	v4 =	vadd.s32 v1, v4;
	_ =	sdelay $0x3  }
0x3d: {  	s19 =	simm.s32 $0x3800;
	v3 =	vperm.xlane v3, v2  }
0x3e: {  	[tilespmem:s19], [sflag:$0x1] =	stream.indirect_vreg.gather [hbm4b:s3+s2], $0x80, v4, vm0, $0xb8;
	[tilespmem:$0x18800] =	vst v63  }
0x3f: {  	s20 =	simm.s32 $0x4000;
	v3 =	vadd.s32 v1, v3  }
0x40: {  	[tilespmem:s20], [sflag:$0x1] =	stream.indirect_vreg.gather [hbm4b:s4+s2], $0x80, v4, vm0, $0xb8;
	[tilespmem:$0x18800] =	vst v63  }
0x41: {  	s21 =	simm.s32 $0x4800  }
0x42: {  	[tilespmem:s21], [sflag:$0x1] =	stream.indirect_vreg.gather [hbm4b:s5+s2], $0x80, v4, vm0, $0xb8;
	[tilespmem:$0x18800] =	vst v63  }
0x43: {  	s22 =	simm.s32 $0x5000  }
0x44: {  	[tilespmem:s22], [sflag:$0x1] =	stream.indirect_vreg.gather [hbm4b:s3+s2], $0x80, v3, vm0, $0xb8;
	[tilespmem:$0x18800] =	vst v63  }
0x45: {  	s23 =	simm.s32 $0x5800  }
0x46: {  	[tilespmem:s23], [sflag:$0x1] =	stream.indirect_vreg.gather [hbm4b:s4+s2], $0x80, v3, vm0, $0xb8;
	[tilespmem:$0x18800] =	vst v63  }
0x47: {  	s24 =	simm.s32 $0x6000  }
0x48: {  	[tilespmem:s24], [sflag:$0x1] =	stream.indirect_vreg.gather [hbm4b:s5+s2], $0x80, v3, vm0, $0xb8;
	[tilespmem:$0x18800] =	vst v63  }
0x49: {  	v3 =	vld [tilespmem:$0x400];
	_ =	sdelay $0x4  }
0x4a: {  	v34 =	vshrl.u32 v3, $0x3  }
0x4b: {  	v4 =	vmul.u32 $0x30, v34  }
0x4c: {  	v3 =	vand.u32 $0x7, v3  }
0x4d: {  	v3 =	vor.u32 v3, v4  }
0x4e: {  	v4 =	vperm.xlane v3, v0;
	_ =	sdelay $0x1  }
0x4f: {  	v4 =	vadd.s32 v1, v4;
	_ =	sdelay $0x3  }
0x50: {  	s25 =	simm.s32 $0x6800;
	v3 =	vperm.xlane v3, v2  }
0x51: {  	[tilespmem:s25], [sflag:$0x1] =	stream.indirect_vreg.gather [hbm4b:s3+s2], $0x80, v4, vm0, $0xb8;
	[tilespmem:$0x18800] =	vst v63  }
0x52: {  	s26 =	simm.s32 $0x7000;
	v3 =	vadd.s32 v1, v3  }
0x53: {  	[tilespmem:s26], [sflag:$0x1] =	stream.indirect_vreg.gather [hbm4b:s4+s2], $0x80, v4, vm0, $0xb8;
	[tilespmem:$0x18800] =	vst v63  }
0x54: {  	s28 =	simm.s32 $0x7800  }
0x55: {  	[tilespmem:s28], [sflag:$0x1] =	stream.indirect_vreg.gather [hbm4b:s5+s2], $0x80, v4, vm0, $0xb8;
	[tilespmem:$0x18800] =	vst v63  }
0x56: {  	s29 =	simm.s32 $0x8000  }
0x57: {  	[tilespmem:s29], [sflag:$0x1] =	stream.indirect_vreg.gather [hbm4b:s3+s2], $0x80, v3, vm0, $0xb8;
	[tilespmem:$0x18800] =	vst v63  }
0x58: {  	s30 =	simm.s32 $0x8800  }
0x59: {  	[tilespmem:s30], [sflag:$0x1] =	stream.indirect_vreg.gather [hbm4b:s4+s2], $0x80, v3, vm0, $0xb8;
	[tilespmem:$0x18800] =	vst v63  }
0x5a: {  	s31 =	simm.s32 $0x9000  }
0x5b: {  	[tilespmem:s31], [sflag:$0x1] =	stream.indirect_vreg.gather [hbm4b:s5+s2], $0x80, v3, vm0, $0xb8;
	[tilespmem:$0x18800] =	vst v63  }
0x5c: {  	v3 =	vld [tilespmem:$0x410];
	_ =	sdelay $0x4  }
0x5d: {  	v35 =	vshrl.u32 v3, $0x3  }
0x5e: {  	v4 =	vmul.u32 $0x30, v35  }
0x5f: {  	v3 =	vand.u32 $0x7, v3  }
0x60: {  	v3 =	vor.u32 v3, v4  }
0x61: {  	v4 =	vperm.xlane v3, v0;
	_ =	sdelay $0x1  }
0x62: {  	v4 =	vadd.s32 v1, v4;
	_ =	sdelay $0x3  }
0x63: {  	s0 =	simm.s32 $0x9800;
	v3 =	vperm.xlane v3, v2  }
0x64: {  	[tilespmem:s0], [sflag:$0x1] =	stream.indirect_vreg.gather [hbm4b:s3+s2], $0x80, v4, vm0, $0xb8;
	[tilespmem:$0x18800] =	vst v63  }
0x65: {  	s8 =	simm.s32 $0xA000;
	v3 =	vadd.s32 v1, v3  }
0x66: {  	[tilespmem:s8], [sflag:$0x1] =	stream.indirect_vreg.gather [hbm4b:s4+s2], $0x80, v4, vm0, $0xb8;
	[tilespmem:$0x18800] =	vst v63  }
0x67: {  	s13 =	simm.s32 $0xA800  }
0x68: {  	[tilespmem:s13], [sflag:$0x1] =	stream.indirect_vreg.gather [hbm4b:s5+s2], $0x80, v4, vm0, $0xb8;
	[tilespmem:$0x18800] =	vst v63  }
0x69: {  	s14 =	simm.s32 $0xB000  }
0x6a: {  	[tilespmem:s14], [sflag:$0x1] =	stream.indirect_vreg.gather [hbm4b:s3+s2], $0x80, v3, vm0, $0xb8;
	[tilespmem:$0x18800] =	vst v63  }
0x6b: {  	s18 =	simm.s32 $0xB800  }
0x6c: {  	[tilespmem:s18], [sflag:$0x1] =	stream.indirect_vreg.gather [hbm4b:s4+s2], $0x80, v3, vm0, $0xb8;
	[tilespmem:$0x18800] =	vst v63  }
0x6d: {  	s19 =	simm.s32 $0xC000  }
0x6e: {  	[tilespmem:s19], [sflag:$0x1] =	stream.indirect_vreg.gather [hbm4b:s5+s2], $0x80, v3, vm0, $0xb8;
	[tilespmem:$0x18800] =	vst v63  }
0x6f: {  	v3 =	vld [tilespmem:$0x80];
	_ =	sdelay $0x4  }
0x70: {  	v36 =	vshrl.u32 v3, $0x3  }
0x71: {  	v4 =	vmul.u32 $0x30, v36  }
0x72: {  	v3 =	vand.u32 $0x7, v3  }
0x73: {  	v3 =	vor.u32 v3, v4  }
0x74: {  	v4 =	vperm.xlane v3, v0;
	_ =	sdelay $0x1  }
0x75: {  	v4 =	vadd.s32 v1, v4;
	_ =	sdelay $0x3  }
0x76: {  	s20 =	simm.s32 $0xC800;
	v3 =	vperm.xlane v3, v2  }
0x77: {  	[tilespmem:s20], [sflag:$0x2] =	stream.indirect_vreg.gather [hbm4b:s3+s2], $0x80, v4, vm0, $0xb8;
	[tilespmem:$0x18800] =	vst v63  }
0x78: {  	s21 =	simm.s32 $0xD000;
	v3 =	vadd.s32 v1, v3  }
0x79: {  	[tilespmem:s21], [sflag:$0x2] =	stream.indirect_vreg.gather [hbm4b:s4+s2], $0x80, v4, vm0, $0xb8;
	[tilespmem:$0x18800] =	vst v63  }
0x7a: {  	s22 =	simm.s32 $0xD800  }
0x7b: {  	[tilespmem:s22], [sflag:$0x2] =	stream.indirect_vreg.gather [hbm4b:s5+s2], $0x80, v4, vm0, $0xb8;
	[tilespmem:$0x18800] =	vst v63  }
0x7c: {  	s23 =	simm.s32 $0xE000  }
0x7d: {  	[tilespmem:s23], [sflag:$0x2] =	stream.indirect_vreg.gather [hbm4b:s3+s2], $0x80, v3, vm0, $0xb8;
	[tilespmem:$0x18800] =	vst v63  }
0x7e: {  	s24 =	simm.s32 $0xE800  }
0x7f: {  	[tilespmem:s24], [sflag:$0x2] =	stream.indirect_vreg.gather [hbm4b:s4+s2], $0x80, v3, vm0, $0xb8;
	[tilespmem:$0x18800] =	vst v63  }
0x80: {  	s25 =	simm.s32 $0xF000  }
0x81: {  	[tilespmem:s25], [sflag:$0x2] =	stream.indirect_vreg.gather [hbm4b:s5+s2], $0x80, v3, vm0, $0xb8;
	[tilespmem:$0x18800] =	vst v63  }
0x82: {  	v3 =	vld [tilespmem:$0x90];
	_ =	sdelay $0x4  }
0x83: {  	v37 =	vshrl.u32 v3, $0x3  }
0x84: {  	v4 =	vmul.u32 $0x30, v37  }
0x85: {  	v3 =	vand.u32 $0x7, v3  }
0x86: {  	v3 =	vor.u32 v3, v4  }
0x87: {  	v4 =	vperm.xlane v3, v0;
	_ =	sdelay $0x1  }
0x88: {  	v4 =	vadd.s32 v1, v4;
	_ =	sdelay $0x3  }
0x89: {  	s26 =	simm.s32 $0xF800;
	v3 =	vperm.xlane v3, v2  }
0x8a: {  	[tilespmem:s26], [sflag:$0x2] =	stream.indirect_vreg.gather [hbm4b:s3+s2], $0x80, v4, vm0, $0xb8;
	[tilespmem:$0x18800] =	vst v63  }
0x8b: {  	s28 =	simm.s32 $0x10000;
	v3 =	vadd.s32 v1, v3  }
0x8c: {  	[tilespmem:s28], [sflag:$0x2] =	stream.indirect_vreg.gather [hbm4b:s4+s2], $0x80, v4, vm0, $0xb8;
	[tilespmem:$0x18800] =	vst v63  }
0x8d: {  	s29 =	simm.s32 $0x10800  }
0x8e: {  	[tilespmem:s29], [sflag:$0x2] =	stream.indirect_vreg.gather [hbm4b:s5+s2], $0x80, v4, vm0, $0xb8;
	[tilespmem:$0x18800] =	vst v63  }
0x8f: {  	s30 =	simm.s32 $0x11000  }
0x90: {  	[tilespmem:s30], [sflag:$0x2] =	stream.indirect_vreg.gather [hbm4b:s3+s2], $0x80, v3, vm0, $0xb8;
	[tilespmem:$0x18800] =	vst v63  }
0x91: {  	s31 =	simm.s32 $0x11800  }
0x92: {  	[tilespmem:s31], [sflag:$0x2] =	stream.indirect_vreg.gather [hbm4b:s4+s2], $0x80, v3, vm0, $0xb8;
	[tilespmem:$0x18800] =	vst v63  }
0x93: {  	s1 =	simm.s32 $0x12000  }
0x94: {  	[tilespmem:s1], [sflag:$0x2] =	stream.indirect_vreg.gather [hbm4b:s5+s2], $0x80, v3, vm0, $0xb8;
	[tilespmem:$0x18800] =	vst v63  }
0x95: {  	v3 =	vld [tilespmem:$0x480];
	_ =	sdelay $0x4  }
0x96: {  	v38 =	vshrl.u32 v3, $0x3  }
0x97: {  	v4 =	vmul.u32 $0x30, v38  }
0x98: {  	v3 =	vand.u32 $0x7, v3  }
0x99: {  	v3 =	vor.u32 v3, v4  }
0x9a: {  	v4 =	vperm.xlane v3, v0;
	_ =	sdelay $0x1  }
0x9b: {  	v4 =	vadd.s32 v1, v4;
	_ =	sdelay $0x3  }
0x9c: {  	v3 =	vperm.xlane v3, v2  }
0x9d: {  	[tilespmem:s7], [sflag:$0x2] =	stream.indirect_vreg.gather [hbm4b:s3+s2], $0x80, v4, vm0, $0xb8;
	[tilespmem:$0x18800] =	vst v63  }
0x9e: {  	s8 =	simm.s32 $0x13000;
	v3 =	vadd.s32 v1, v3  }
0x9f: {  	[tilespmem:s8], [sflag:$0x2] =	stream.indirect_vreg.gather [hbm4b:s4+s2], $0x80, v4, vm0, $0xb8;
	[tilespmem:$0x18800] =	vst v63  }
0xa0: {  	s14 =	simm.s32 $0x13800  }
0xa1: {  	[tilespmem:s14], [sflag:$0x2] =	stream.indirect_vreg.gather [hbm4b:s5+s2], $0x80, v4, vm0, $0xb8;
	[tilespmem:$0x18800] =	vst v63  }
0xa2: {  	s18 =	simm.s32 $0x14000  }
0xa3: {  	[tilespmem:s18], [sflag:$0x2] =	stream.indirect_vreg.gather [hbm4b:s3+s2], $0x80, v3, vm0, $0xb8;
	[tilespmem:$0x18800] =	vst v63  }
0xa4: {  	s19 =	simm.s32 $0x14800  }
0xa5: {  	[tilespmem:s19], [sflag:$0x2] =	stream.indirect_vreg.gather [hbm4b:s4+s2], $0x80, v3, vm0, $0xb8;
	[tilespmem:$0x18800] =	vst v63  }
0xa6: {  	s20 =	simm.s32 $0x15000  }
0xa7: {  	[tilespmem:s20], [sflag:$0x2] =	stream.indirect_vreg.gather [hbm4b:s5+s2], $0x80, v3, vm0, $0xb8;
	[tilespmem:$0x18800] =	vst v63  }
0xa8: {  	v3 =	vld [tilespmem:$0x490];
	_ =	sdelay $0x4  }
0xa9: {  	v39 =	vshrl.u32 v3, $0x3  }
0xaa: {  	v4 =	vmul.u32 $0x30, v39  }
0xab: {  	v3 =	vand.u32 $0x7, v3  }
0xac: {  	v3 =	vor.u32 v3, v4  }
0xad: {  	v4 =	vperm.xlane v3, v0;
	_ =	sdelay $0x1  }
0xae: {  	v4 =	vadd.s32 v1, v4;
	_ =	sdelay $0x3  }
0xaf: {  	s21 =	simm.s32 $0x15800;
	v3 =	vperm.xlane v3, v2  }
0xb0: {  	[tilespmem:s21], [sflag:$0x2] =	stream.indirect_vreg.gather [hbm4b:s3+s2], $0x80, v4, vm0, $0xb8;
	[tilespmem:$0x18800] =	vst v63  }
0xb1: {  	s22 =	simm.s32 $0x16000;
	v3 =	vadd.s32 v1, v3  }
0xb2: {  	[tilespmem:s22], [sflag:$0x2] =	stream.indirect_vreg.gather [hbm4b:s4+s2], $0x80, v4, vm0, $0xb8;
	[tilespmem:$0x18800] =	vst v63  }
0xb3: {  	s23 =	simm.s32 $0x16800  }
0xb4: {  	[tilespmem:s23], [sflag:$0x2] =	stream.indirect_vreg.gather [hbm4b:s5+s2], $0x80, v4, vm0, $0xb8;
	[tilespmem:$0x18800] =	vst v63  }
0xb5: {  	s24 =	simm.s32 $0x17000  }
0xb6: {  	[tilespmem:s24], [sflag:$0x2] =	stream.indirect_vreg.gather [hbm4b:s3+s2], $0x80, v3, vm0, $0xb8;
	[tilespmem:$0x18800] =	vst v63  }
0xb7: {  	s25 =	simm.s32 $0x17800  }
0xb8: {  	[tilespmem:s25], [sflag:$0x2] =	stream.indirect_vreg.gather [hbm4b:s4+s2], $0x80, v3, vm0, $0xb8;
	[tilespmem:$0x18800] =	vst v63  }
0xb9: {  	s26 =	simm.s32 $0x18000  }
0xba: {  	[tilespmem:s26], [sflag:$0x2] =	stream.indirect_vreg.gather [hbm4b:s5+s2], $0x80, v3, vm0, $0xb8;
	[tilespmem:$0x18800] =	vst v63  }
0xbb: {  	_ =	swait.ge [sflag:s10], $0x6000  }
0xbc: {  	[sflag:s10] =	ssyncset.done $0x0  }
0xbd: {  	[sflag:s10] =	ssyncadd.s32 $0xFFFFA000  }
0xbe: {  	_ =	swait.ge [sflag:s10], $0x6000  }
0xbf: {  	[sflag:s10] =	ssyncset.done $0x0  }
0xc0: {  	s30 =	simm.s32 $0x800;
	s28 =	rddreg [dreg:$0x4];
	[sflag:s10] =	ssyncadd.s32 $0xFFFFA000  }
0xc1: {  	[hbm4b:s28+s2] =	stream.linear.scatter [tilespmem:s30], [sflag:$0x3], $0x6000, $0x38;
	[tilespmem:$0x18800] =	vst v63  }
0xc2: {  	s31 =	simm.s32 $0x6800;
	s29 =	rddreg [dreg:$0x5]  }
0xc3: {  	[hbm4b:s29+s2] =	stream.linear.scatter [tilespmem:s31], [sflag:$0x3], $0x6000, $0x38;
	[tilespmem:$0x18800] =	vst v63  }
0xc4: {  	_ =	swait.ge [sflag:s11], $0x6000  }
0xc5: {  	[sflag:s11] =	ssyncset.done $0x0  }
0xc6: {  	[sflag:s11] =	ssyncadd.s32 $0xFFFFA000  }
0xc7: {  	_ =	swait.ge [sflag:s11], $0x6000  }
0xc8: {  	[sflag:s11] =	ssyncset.done $0x0  }
0xc9: {  	[sflag:s11] =	ssyncadd.s32 $0xFFFFA000  }
0xca: {  	v3 =	vld [tilespmem:$0x100];
	_ =	sdelay $0x4  }
0xcb: {  	v40 =	vshrl.u32 v3, $0x3  }
0xcc: {  	v4 =	vmul.u32 $0x30, v40  }
0xcd: {  	v3 =	vand.u32 $0x7, v3  }
0xce: {  	v3 =	vor.u32 v3, v4  }
0xcf: {  	v4 =	vperm.xlane v3, v0;
	_ =	sdelay $0x1  }
0xd0: {  	v4 =	vadd.s32 v1, v4;
	_ =	sdelay $0x3  }
0xd1: {  	v3 =	vperm.xlane v3, v2  }
0xd2: {  	[tilespmem:s30], [sflag:$0x1] =	stream.indirect_vreg.gather [hbm4b:s3+s2], $0x80, v4, vm0, $0xb8;
	[tilespmem:$0x18800] =	vst v63  }
0xd3: {  	s8 =	simm.s32 $0x1000;
	v3 =	vadd.s32 v1, v3  }
0xd4: {  	[tilespmem:s8], [sflag:$0x1] =	stream.indirect_vreg.gather [hbm4b:s4+s2], $0x80, v4, vm0, $0xb8;
	[tilespmem:$0x18800] =	vst v63  }
0xd5: {  	s18 =	simm.s32 $0x1800  }
0xd6: {  	[tilespmem:s18], [sflag:$0x1] =	stream.indirect_vreg.gather [hbm4b:s5+s2], $0x80, v4, vm0, $0xb8;
	[tilespmem:$0x18800] =	vst v63  }
0xd7: {  	s19 =	simm.s32 $0x2000  }
0xd8: {  	[tilespmem:s19], [sflag:$0x1] =	stream.indirect_vreg.gather [hbm4b:s3+s2], $0x80, v3, vm0, $0xb8;
	[tilespmem:$0x18800] =	vst v63  }
0xd9: {  	s22 =	simm.s32 $0x2800  }
0xda: {  	[tilespmem:s22], [sflag:$0x1] =	stream.indirect_vreg.gather [hbm4b:s4+s2], $0x80, v3, vm0, $0xb8;
	[tilespmem:$0x18800] =	vst v63  }
0xdb: {  	s17 =	simm.s32 $0x3000  }
0xdc: {  	[tilespmem:s17], [sflag:$0x1] =	stream.indirect_vreg.gather [hbm4b:s5+s2], $0x80, v3, vm0, $0xb8;
	[tilespmem:$0x18800] =	vst v63  }
0xdd: {  	v3 =	vld [tilespmem:$0x110];
	_ =	sdelay $0x4  }
0xde: {  	v41 =	vshrl.u32 v3, $0x3  }
0xdf: {  	v4 =	vmul.u32 $0x30, v41  }
0xe0: {  	v3 =	vand.u32 $0x7, v3  }
0xe1: {  	v3 =	vor.u32 v3, v4  }
0xe2: {  	v4 =	vperm.xlane v3, v0;
	_ =	sdelay $0x1  }
0xe3: {  	v4 =	vadd.s32 v1, v4;
	_ =	sdelay $0x3  }
0xe4: {  	s9 =	simm.s32 $0x3800;
	v3 =	vperm.xlane v3, v2  }
0xe5: {  	[tilespmem:s9], [sflag:$0x1] =	stream.indirect_vreg.gather [hbm4b:s3+s2], $0x80, v4, vm0, $0xb8;
	[tilespmem:$0x18800] =	vst v63  }
0xe6: {  	s23 =	simm.s32 $0x4000;
	v3 =	vadd.s32 v1, v3  }
0xe7: {  	[tilespmem:s23], [sflag:$0x1] =	stream.indirect_vreg.gather [hbm4b:s4+s2], $0x80, v4, vm0, $0xb8;
	[tilespmem:$0x18800] =	vst v63  }
0xe8: {  	s24 =	simm.s32 $0x4800  }
0xe9: {  	[tilespmem:s24], [sflag:$0x1] =	stream.indirect_vreg.gather [hbm4b:s5+s2], $0x80, v4, vm0, $0xb8;
	[tilespmem:$0x18800] =	vst v63  }
0xea: {  	s25 =	simm.s32 $0x5000  }
0xeb: {  	[tilespmem:s25], [sflag:$0x1] =	stream.indirect_vreg.gather [hbm4b:s3+s2], $0x80, v3, vm0, $0xb8;
	[tilespmem:$0x18800] =	vst v63  }
0xec: {  	s26 =	simm.s32 $0x5800  }
0xed: {  	[tilespmem:s26], [sflag:$0x1] =	stream.indirect_vreg.gather [hbm4b:s4+s2], $0x80, v3, vm0, $0xb8;
	[tilespmem:$0x18800] =	vst v63  }
0xee: {  	s15 =	simm.s32 $0x6000  }
0xef: {  	[tilespmem:s15], [sflag:$0x1] =	stream.indirect_vreg.gather [hbm4b:s5+s2], $0x80, v3, vm0, $0xb8;
	[tilespmem:$0x18800] =	vst v63  }
0xf0: {  	v3 =	vld [tilespmem:$0x500];
	_ =	sdelay $0x4  }
0xf1: {  	v42 =	vshrl.u32 v3, $0x3  }
0xf2: {  	v4 =	vmul.u32 $0x30, v42  }
0xf3: {  	v3 =	vand.u32 $0x7, v3  }
0xf4: {  	v3 =	vor.u32 v3, v4  }
0xf5: {  	v4 =	vperm.xlane v3, v0;
	_ =	sdelay $0x1  }
0xf6: {  	v4 =	vadd.s32 v1, v4;
	_ =	sdelay $0x3  }
0xf7: {  	v3 =	vperm.xlane v3, v2  }
0xf8: {  	[tilespmem:s31], [sflag:$0x1] =	stream.indirect_vreg.gather [hbm4b:s3+s2], $0x80, v4, vm0, $0xb8;
	[tilespmem:$0x18800] =	vst v63  }
0xf9: {  	s28 =	simm.s32 $0x7000;
	v3 =	vadd.s32 v1, v3  }
0xfa: {  	[tilespmem:s28], [sflag:$0x1] =	stream.indirect_vreg.gather [hbm4b:s4+s2], $0x80, v4, vm0, $0xb8;
	[tilespmem:$0x18800] =	vst v63  }
0xfb: {  	s29 =	simm.s32 $0x7800  }
0xfc: {  	[tilespmem:s29], [sflag:$0x1] =	stream.indirect_vreg.gather [hbm4b:s5+s2], $0x80, v4, vm0, $0xb8;
	[tilespmem:$0x18800] =	vst v63  }
0xfd: {  	s30 =	simm.s32 $0x8000  }
0xfe: {  	[tilespmem:s30], [sflag:$0x1] =	stream.indirect_vreg.gather [hbm4b:s3+s2], $0x80, v3, vm0, $0xb8;
	[tilespmem:$0x18800] =	vst v63  }
0xff: {  	s31 =	simm.s32 $0x8800  }
0x100: {  	[tilespmem:s31], [sflag:$0x1] =	stream.indirect_vreg.gather [hbm4b:s4+s2], $0x80, v3, vm0, $0xb8;
	[tilespmem:$0x18800] =	vst v63  }
0x101: {  	s16 =	simm.s32 $0x9000  }
0x102: {  	[tilespmem:s16], [sflag:$0x1] =	stream.indirect_vreg.gather [hbm4b:s5+s2], $0x80, v3, vm0, $0xb8;
	[tilespmem:$0x18800] =	vst v63  }
0x103: {  	v3 =	vld [tilespmem:$0x510];
	_ =	sdelay $0x4  }
0x104: {  	v43 =	vshrl.u32 v3, $0x3  }
0x105: {  	v4 =	vmul.u32 $0x30, v43  }
0x106: {  	v3 =	vand.u32 $0x7, v3  }
0x107: {  	v3 =	vor.u32 v3, v4  }
0x108: {  	v4 =	vperm.xlane v3, v0;
	_ =	sdelay $0x1  }
0x109: {  	v4 =	vadd.s32 v1, v4;
	_ =	sdelay $0x3  }
0x10a: {  	s17 =	simm.s32 $0x9800;
	v3 =	vperm.xlane v3, v2  }
0x10b: {  	[tilespmem:s17], [sflag:$0x1] =	stream.indirect_vreg.gather [hbm4b:s3+s2], $0x80, v4, vm0, $0xb8;
	[tilespmem:$0x18800] =	vst v63  }
0x10c: {  	s20 =	simm.s32 $0xA000;
	v3 =	vadd.s32 v1, v3  }
0x10d: {  	[tilespmem:s20], [sflag:$0x1] =	stream.indirect_vreg.gather [hbm4b:s4+s2], $0x80, v4, vm0, $0xb8;
	[tilespmem:$0x18800] =	vst v63  }
0x10e: {  	s9 =	simm.s32 $0xA800  }
0x10f: {  	[tilespmem:s9], [sflag:$0x1] =	stream.indirect_vreg.gather [hbm4b:s5+s2], $0x80, v4, vm0, $0xb8;
	[tilespmem:$0x18800] =	vst v63  }
0x110: {  	s15 =	simm.s32 $0xB000  }
0x111: {  	[tilespmem:s15], [sflag:$0x1] =	stream.indirect_vreg.gather [hbm4b:s3+s2], $0x80, v3, vm0, $0xb8;
	[tilespmem:$0x18800] =	vst v63  }
0x112: {  	s16 =	simm.s32 $0xB800  }
0x113: {  	[tilespmem:s16], [sflag:$0x1] =	stream.indirect_vreg.gather [hbm4b:s4+s2], $0x80, v3, vm0, $0xb8;
	[tilespmem:$0x18800] =	vst v63  }
0x114: {  	s21 =	simm.s32 $0xC000  }
0x115: {  	[tilespmem:s21], [sflag:$0x1] =	stream.indirect_vreg.gather [hbm4b:s5+s2], $0x80, v3, vm0, $0xb8;
	[tilespmem:$0x18800] =	vst v63  }
0x116: {  	_ =	swait.ge [sflag:s12], $0x6000  }
0x117: {  	[sflag:s12] =	ssyncset.done $0x0  }
0x118: {  	[sflag:s12] =	ssyncadd.s32 $0xFFFFA000  }
0x119: {  	_ =	swait.ge [sflag:s12], $0x6000  }
0x11a: {  	[sflag:s12] =	ssyncset.done $0x0  }
0x11b: {  	s0 =	simm.s32 $0xC800;
	s13 =	rddreg [dreg:$0x6];
	[sflag:s12] =	ssyncadd.s32 $0xFFFFA000  }
0x11c: {  	[hbm4b:s13+s2] =	stream.linear.scatter [tilespmem:s0], [sflag:$0x3], $0x6000, $0x38;
	[tilespmem:$0x18800] =	vst v63  }
0x11d: {  	s14 =	rddreg [dreg:$0x7]  }
0x11e: {  	[hbm4b:s14+s2] =	stream.linear.scatter [tilespmem:s7], [sflag:$0x3], $0x6000, $0x38;
	[tilespmem:$0x18800] =	vst v63  }
0x11f: {  	_ =	swait.ge [sflag:s11], $0x6000  }
0x120: {  	[sflag:s11] =	ssyncset.done $0x0  }
0x121: {  	[sflag:s11] =	ssyncadd.s32 $0xFFFFA000  }
0x122: {  	_ =	swait.ge [sflag:s11], $0x6000  }
0x123: {  	[sflag:s11] =	ssyncset.done $0x0  }
0x124: {  	[sflag:s11] =	ssyncadd.s32 $0xFFFFA000  }
0x125: {  	v3 =	vld [tilespmem:$0x180];
	_ =	sdelay $0x4  }
0x126: {  	v44 =	vshrl.u32 v3, $0x3  }
0x127: {  	v4 =	vmul.u32 $0x30, v44  }
0x128: {  	v3 =	vand.u32 $0x7, v3  }
0x129: {  	v3 =	vor.u32 v3, v4  }
0x12a: {  	v4 =	vperm.xlane v3, v0;
	_ =	sdelay $0x1  }
0x12b: {  	v4 =	vadd.s32 v1, v4;
	_ =	sdelay $0x3  }
0x12c: {  	v3 =	vperm.xlane v3, v2  }
0x12d: {  	[tilespmem:s0], [sflag:$0x2] =	stream.indirect_vreg.gather [hbm4b:s3+s2], $0x80, v4, vm0, $0xb8;
	[tilespmem:$0x18800] =	vst v63  }
0x12e: {  	s14 =	simm.s32 $0xD000;
	v3 =	vadd.s32 v1, v3  }
0x12f: {  	[tilespmem:s14], [sflag:$0x2] =	stream.indirect_vreg.gather [hbm4b:s4+s2], $0x80, v4, vm0, $0xb8;
	[tilespmem:$0x18800] =	vst v63  }
0x130: {  	s13 =	simm.s32 $0xD800  }
0x131: {  	[tilespmem:s13], [sflag:$0x2] =	stream.indirect_vreg.gather [hbm4b:s5+s2], $0x80, v4, vm0, $0xb8;
	[tilespmem:$0x18800] =	vst v63  }
0x132: {  	s14 =	simm.s32 $0xE000  }
0x133: {  	[tilespmem:s14], [sflag:$0x2] =	stream.indirect_vreg.gather [hbm4b:s3+s2], $0x80, v3, vm0, $0xb8;
	[tilespmem:$0x18800] =	vst v63  }
0x134: {  	s13 =	simm.s32 $0xE800  }
0x135: {  	[tilespmem:s13], [sflag:$0x2] =	stream.indirect_vreg.gather [hbm4b:s4+s2], $0x80, v3, vm0, $0xb8;
	[tilespmem:$0x18800] =	vst v63  }
0x136: {  	s14 =	simm.s32 $0xF000  }
0x137: {  	[tilespmem:s14], [sflag:$0x2] =	stream.indirect_vreg.gather [hbm4b:s5+s2], $0x80, v3, vm0, $0xb8;
	[tilespmem:$0x18800] =	vst v63  }
0x138: {  	v3 =	vld [tilespmem:$0x190];
	_ =	sdelay $0x4  }
0x139: {  	v45 =	vshrl.u32 v3, $0x3  }
0x13a: {  	v4 =	vmul.u32 $0x30, v45  }
0x13b: {  	v3 =	vand.u32 $0x7, v3  }
0x13c: {  	v3 =	vor.u32 v3, v4  }
0x13d: {  	v4 =	vperm.xlane v3, v0;
	_ =	sdelay $0x1  }
0x13e: {  	v4 =	vadd.s32 v1, v4;
	_ =	sdelay $0x3  }
0x13f: {  	s13 =	simm.s32 $0xF800;
	v3 =	vperm.xlane v3, v2  }
0x140: {  	[tilespmem:s13], [sflag:$0x2] =	stream.indirect_vreg.gather [hbm4b:s3+s2], $0x80, v4, vm0, $0xb8;
	[tilespmem:$0x18800] =	vst v63  }
0x141: {  	s14 =	simm.s32 $0x10000;
	v3 =	vadd.s32 v1, v3  }
0x142: {  	[tilespmem:s14], [sflag:$0x2] =	stream.indirect_vreg.gather [hbm4b:s4+s2], $0x80, v4, vm0, $0xb8;
	[tilespmem:$0x18800] =	vst v63  }
0x143: {  	s13 =	simm.s32 $0x10800  }
0x144: {  	[tilespmem:s13], [sflag:$0x2] =	stream.indirect_vreg.gather [hbm4b:s5+s2], $0x80, v4, vm0, $0xb8;
	[tilespmem:$0x18800] =	vst v63  }
0x145: {  	s14 =	simm.s32 $0x11000  }
0x146: {  	[tilespmem:s14], [sflag:$0x2] =	stream.indirect_vreg.gather [hbm4b:s3+s2], $0x80, v3, vm0, $0xb8;
	[tilespmem:$0x18800] =	vst v63  }
0x147: {  	s13 =	simm.s32 $0x11800  }
0x148: {  	[tilespmem:s13], [sflag:$0x2] =	stream.indirect_vreg.gather [hbm4b:s4+s2], $0x80, v3, vm0, $0xb8;
	[tilespmem:$0x18800] =	vst v63  }
0x149: {  	s14 =	simm.s32 $0x12000  }
0x14a: {  	[tilespmem:s14], [sflag:$0x2] =	stream.indirect_vreg.gather [hbm4b:s5+s2], $0x80, v3, vm0, $0xb8;
	[tilespmem:$0x18800] =	vst v63  }
0x14b: {  	v3 =	vld [tilespmem:$0x580];
	_ =	sdelay $0x4  }
0x14c: {  	v46 =	vshrl.u32 v3, $0x3  }
0x14d: {  	v4 =	vmul.u32 $0x30, v46  }
0x14e: {  	v3 =	vand.u32 $0x7, v3  }
0x14f: {  	v3 =	vor.u32 v3, v4  }
0x150: {  	v4 =	vperm.xlane v3, v0;
	_ =	sdelay $0x1  }
0x151: {  	v4 =	vadd.s32 v1, v4;
	_ =	sdelay $0x3  }
0x152: {  	v3 =	vperm.xlane v3, v2  }
0x153: {  	[tilespmem:s7], [sflag:$0x2] =	stream.indirect_vreg.gather [hbm4b:s3+s2], $0x80, v4, vm0, $0xb8;
	[tilespmem:$0x18800] =	vst v63  }
0x154: {  	s13 =	simm.s32 $0x13000;
	v3 =	vadd.s32 v1, v3  }
0x155: {  	[tilespmem:s13], [sflag:$0x2] =	stream.indirect_vreg.gather [hbm4b:s4+s2], $0x80, v4, vm0, $0xb8;
	[tilespmem:$0x18800] =	vst v63  }
0x156: {  	s14 =	simm.s32 $0x13800  }
0x157: {  	[tilespmem:s14], [sflag:$0x2] =	stream.indirect_vreg.gather [hbm4b:s5+s2], $0x80, v4, vm0, $0xb8;
	[tilespmem:$0x18800] =	vst v63  }
0x158: {  	s13 =	simm.s32 $0x14000  }
0x159: {  	[tilespmem:s13], [sflag:$0x2] =	stream.indirect_vreg.gather [hbm4b:s3+s2], $0x80, v3, vm0, $0xb8;
	[tilespmem:$0x18800] =	vst v63  }
0x15a: {  	s14 =	simm.s32 $0x14800  }
0x15b: {  	[tilespmem:s14], [sflag:$0x2] =	stream.indirect_vreg.gather [hbm4b:s4+s2], $0x80, v3, vm0, $0xb8;
	[tilespmem:$0x18800] =	vst v63  }
0x15c: {  	s13 =	simm.s32 $0x15000  }
0x15d: {  	[tilespmem:s13], [sflag:$0x2] =	stream.indirect_vreg.gather [hbm4b:s5+s2], $0x80, v3, vm0, $0xb8;
	[tilespmem:$0x18800] =	vst v63  }
0x15e: {  	v3 =	vld [tilespmem:$0x590];
	_ =	sdelay $0x4  }
0x15f: {  	v47 =	vshrl.u32 v3, $0x3  }
0x160: {  	v4 =	vmul.u32 $0x30, v47  }
0x161: {  	v3 =	vand.u32 $0x7, v3  }
0x162: {  	v3 =	vor.u32 v3, v4  }
0x163: {  	v4 =	vperm.xlane v3, v0;
	_ =	sdelay $0x1  }
0x164: {  	v4 =	vadd.s32 v1, v4;
	_ =	sdelay $0x3  }
0x165: {  	s14 =	simm.s32 $0x15800;
	v3 =	vperm.xlane v3, v2  }
0x166: {  	[tilespmem:s14], [sflag:$0x2] =	stream.indirect_vreg.gather [hbm4b:s3+s2], $0x80, v4, vm0, $0xb8;
	[tilespmem:$0x18800] =	vst v63  }
0x167: {  	s13 =	simm.s32 $0x16000;
	v3 =	vadd.s32 v1, v3  }
0x168: {  	[tilespmem:s13], [sflag:$0x2] =	stream.indirect_vreg.gather [hbm4b:s4+s2], $0x80, v4, vm0, $0xb8;
	[tilespmem:$0x18800] =	vst v63  }
0x169: {  	s14 =	simm.s32 $0x16800  }
0x16a: {  	[tilespmem:s14], [sflag:$0x2] =	stream.indirect_vreg.gather [hbm4b:s5+s2], $0x80, v4, vm0, $0xb8;
	[tilespmem:$0x18800] =	vst v63  }
0x16b: {  	s13 =	simm.s32 $0x17000  }
0x16c: {  	[tilespmem:s13], [sflag:$0x2] =	stream.indirect_vreg.gather [hbm4b:s3+s2], $0x80, v3, vm0, $0xb8;
	[tilespmem:$0x18800] =	vst v63  }
0x16d: {  	s14 =	simm.s32 $0x17800  }
0x16e: {  	[tilespmem:s14], [sflag:$0x2] =	stream.indirect_vreg.gather [hbm4b:s4+s2], $0x80, v3, vm0, $0xb8;
	[tilespmem:$0x18800] =	vst v63  }
0x16f: {  	s13 =	simm.s32 $0x18000  }
0x170: {  	[tilespmem:s13], [sflag:$0x2] =	stream.indirect_vreg.gather [hbm4b:s5+s2], $0x80, v3, vm0, $0xb8;
	[tilespmem:$0x18800] =	vst v63  }
0x171: {  	_ =	swait.ge [sflag:s10], $0x6000  }
0x172: {  	[sflag:s10] =	ssyncset.done $0x0  }
0x173: {  	[sflag:s10] =	ssyncadd.s32 $0xFFFFA000  }
0x174: {  	_ =	swait.ge [sflag:s10], $0x6000  }
0x175: {  	[sflag:s10] =	ssyncset.done $0x0  }
0x176: {  	s0 =	simm.s32 $0x800;
	s13 =	rddreg [dreg:$0x8];
	[sflag:s10] =	ssyncadd.s32 $0xFFFFA000  }
0x177: {  	[hbm4b:s13+s2] =	stream.linear.scatter [tilespmem:s0], [sflag:$0x3], $0x6000, $0x38;
	[tilespmem:$0x18800] =	vst v63  }
0x178: {  	s1 =	simm.s32 $0x6800;
	s14 =	rddreg [dreg:$0x9]  }
0x179: {  	[hbm4b:s14+s2] =	stream.linear.scatter [tilespmem:s1], [sflag:$0x3], $0x6000, $0x38;
	[tilespmem:$0x18800] =	vst v63  }
0x17a: {  	_ =	swait.ge [sflag:s11], $0x6000  }
0x17b: {  	[sflag:s11] =	ssyncset.done $0x0  }
0x17c: {  	[sflag:s11] =	ssyncadd.s32 $0xFFFFA000  }
0x17d: {  	_ =	swait.ge [sflag:s11], $0x6000  }
0x17e: {  	[sflag:s11] =	ssyncset.done $0x0  }
0x17f: {  	[sflag:s11] =	ssyncadd.s32 $0xFFFFA000  }
0x180: {  	v3 =	vld [tilespmem:$0x200];
	_ =	sdelay $0x4  }
0x181: {  	v48 =	vshrl.u32 v3, $0x3  }
0x182: {  	v4 =	vmul.u32 $0x30, v48  }
0x183: {  	v3 =	vand.u32 $0x7, v3  }
0x184: {  	v3 =	vor.u32 v3, v4  }
0x185: {  	v4 =	vperm.xlane v3, v0;
	_ =	sdelay $0x1  }
0x186: {  	v4 =	vadd.s32 v1, v4;
	_ =	sdelay $0x3  }
0x187: {  	v3 =	vperm.xlane v3, v2  }
0x188: {  	[tilespmem:s0], [sflag:$0x1] =	stream.indirect_vreg.gather [hbm4b:s3+s2], $0x80, v4, vm0, $0xb8;
	[tilespmem:$0x18800] =	vst v63  }
0x189: {  	v3 =	vadd.s32 v1, v3  }
0x18a: {  	[tilespmem:s8], [sflag:$0x1] =	stream.indirect_vreg.gather [hbm4b:s4+s2], $0x80, v4, vm0, $0xb8;
	[tilespmem:$0x18800] =	vst v63  }
0x18b: {  	_ = 	snop  }
0x18c: {  	[tilespmem:s18], [sflag:$0x1] =	stream.indirect_vreg.gather [hbm4b:s5+s2], $0x80, v4, vm0, $0xb8;
	[tilespmem:$0x18800] =	vst v63  }
0x18d: {  	_ = 	snop  }
0x18e: {  	[tilespmem:s19], [sflag:$0x1] =	stream.indirect_vreg.gather [hbm4b:s3+s2], $0x80, v3, vm0, $0xb8;
	[tilespmem:$0x18800] =	vst v63  }
0x18f: {  	_ = 	snop  }
0x190: {  	[tilespmem:s22], [sflag:$0x1] =	stream.indirect_vreg.gather [hbm4b:s4+s2], $0x80, v3, vm0, $0xb8;
	[tilespmem:$0x18800] =	vst v63  }
0x191: {  	s14 =	simm.s32 $0x3000  }
0x192: {  	[tilespmem:s14], [sflag:$0x1] =	stream.indirect_vreg.gather [hbm4b:s5+s2], $0x80, v3, vm0, $0xb8;
	[tilespmem:$0x18800] =	vst v63  }
0x193: {  	v3 =	vld [tilespmem:$0x210];
	_ =	sdelay $0x4  }
0x194: {  	v49 =	vshrl.u32 v3, $0x3  }
0x195: {  	v4 =	vmul.u32 $0x30, v49  }
0x196: {  	v3 =	vand.u32 $0x7, v3  }
0x197: {  	v3 =	vor.u32 v3, v4  }
0x198: {  	v4 =	vperm.xlane v3, v0;
	_ =	sdelay $0x1  }
0x199: {  	v4 =	vadd.s32 v1, v4;
	_ =	sdelay $0x3  }
0x19a: {  	s22 =	simm.s32 $0x3800;
	v3 =	vperm.xlane v3, v2  }
0x19b: {  	[tilespmem:s22], [sflag:$0x1] =	stream.indirect_vreg.gather [hbm4b:s3+s2], $0x80, v4, vm0, $0xb8;
	[tilespmem:$0x18800] =	vst v63  }
0x19c: {  	v3 =	vadd.s32 v1, v3  }
0x19d: {  	[tilespmem:s23], [sflag:$0x1] =	stream.indirect_vreg.gather [hbm4b:s4+s2], $0x80, v4, vm0, $0xb8;
	[tilespmem:$0x18800] =	vst v63  }
0x19e: {  	_ = 	snop  }
0x19f: {  	[tilespmem:s24], [sflag:$0x1] =	stream.indirect_vreg.gather [hbm4b:s5+s2], $0x80, v4, vm0, $0xb8;
	[tilespmem:$0x18800] =	vst v63  }
0x1a0: {  	_ = 	snop  }
0x1a1: {  	[tilespmem:s25], [sflag:$0x1] =	stream.indirect_vreg.gather [hbm4b:s3+s2], $0x80, v3, vm0, $0xb8;
	[tilespmem:$0x18800] =	vst v63  }
0x1a2: {  	_ = 	snop  }
0x1a3: {  	[tilespmem:s26], [sflag:$0x1] =	stream.indirect_vreg.gather [hbm4b:s4+s2], $0x80, v3, vm0, $0xb8;
	[tilespmem:$0x18800] =	vst v63  }
0x1a4: {  	s13 =	simm.s32 $0x6000  }
0x1a5: {  	[tilespmem:s13], [sflag:$0x1] =	stream.indirect_vreg.gather [hbm4b:s5+s2], $0x80, v3, vm0, $0xb8;
	[tilespmem:$0x18800] =	vst v63  }
0x1a6: {  	v3 =	vld [tilespmem:$0x600];
	_ =	sdelay $0x4  }
0x1a7: {  	v50 =	vshrl.u32 v3, $0x3  }
0x1a8: {  	v4 =	vmul.u32 $0x30, v50  }
0x1a9: {  	v3 =	vand.u32 $0x7, v3  }
0x1aa: {  	v3 =	vor.u32 v3, v4  }
0x1ab: {  	v4 =	vperm.xlane v3, v0;
	_ =	sdelay $0x1  }
0x1ac: {  	v4 =	vadd.s32 v1, v4;
	_ =	sdelay $0x3  }
0x1ad: {  	v3 =	vperm.xlane v3, v2  }
0x1ae: {  	[tilespmem:s1], [sflag:$0x1] =	stream.indirect_vreg.gather [hbm4b:s3+s2], $0x80, v4, vm0, $0xb8;
	[tilespmem:$0x18800] =	vst v63  }
0x1af: {  	v3 =	vadd.s32 v1, v3  }
0x1b0: {  	[tilespmem:s28], [sflag:$0x1] =	stream.indirect_vreg.gather [hbm4b:s4+s2], $0x80, v4, vm0, $0xb8;
	[tilespmem:$0x18800] =	vst v63  }
0x1b1: {  	_ = 	snop  }
0x1b2: {  	[tilespmem:s29], [sflag:$0x1] =	stream.indirect_vreg.gather [hbm4b:s5+s2], $0x80, v4, vm0, $0xb8;
	[tilespmem:$0x18800] =	vst v63  }
0x1b3: {  	_ = 	snop  }
0x1b4: {  	[tilespmem:s30], [sflag:$0x1] =	stream.indirect_vreg.gather [hbm4b:s3+s2], $0x80, v3, vm0, $0xb8;
	[tilespmem:$0x18800] =	vst v63  }
0x1b5: {  	_ = 	snop  }
0x1b6: {  	[tilespmem:s31], [sflag:$0x1] =	stream.indirect_vreg.gather [hbm4b:s4+s2], $0x80, v3, vm0, $0xb8;
	[tilespmem:$0x18800] =	vst v63  }
0x1b7: {  	s14 =	simm.s32 $0x9000  }
0x1b8: {  	[tilespmem:s14], [sflag:$0x1] =	stream.indirect_vreg.gather [hbm4b:s5+s2], $0x80, v3, vm0, $0xb8;
	[tilespmem:$0x18800] =	vst v63  }
0x1b9: {  	v3 =	vld [tilespmem:$0x610];
	_ =	sdelay $0x4  }
0x1ba: {  	v51 =	vshrl.u32 v3, $0x3  }
0x1bb: {  	v4 =	vmul.u32 $0x30, v51  }
0x1bc: {  	v3 =	vand.u32 $0x7, v3  }
0x1bd: {  	v3 =	vor.u32 v3, v4  }
0x1be: {  	v4 =	vperm.xlane v3, v0;
	_ =	sdelay $0x1  }
0x1bf: {  	v4 =	vadd.s32 v1, v4;
	_ =	sdelay $0x3  }
0x1c0: {  	v3 =	vperm.xlane v3, v2  }
0x1c1: {  	[tilespmem:s17], [sflag:$0x1] =	stream.indirect_vreg.gather [hbm4b:s3+s2], $0x80, v4, vm0, $0xb8;
	[tilespmem:$0x18800] =	vst v63  }
0x1c2: {  	v3 =	vadd.s32 v1, v3  }
0x1c3: {  	[tilespmem:s20], [sflag:$0x1] =	stream.indirect_vreg.gather [hbm4b:s4+s2], $0x80, v4, vm0, $0xb8;
	[tilespmem:$0x18800] =	vst v63  }
0x1c4: {  	_ = 	snop  }
0x1c5: {  	[tilespmem:s9], [sflag:$0x1] =	stream.indirect_vreg.gather [hbm4b:s5+s2], $0x80, v4, vm0, $0xb8;
	[tilespmem:$0x18800] =	vst v63  }
0x1c6: {  	_ = 	snop  }
0x1c7: {  	[tilespmem:s15], [sflag:$0x1] =	stream.indirect_vreg.gather [hbm4b:s3+s2], $0x80, v3, vm0, $0xb8;
	[tilespmem:$0x18800] =	vst v63  }
0x1c8: {  	_ = 	snop  }
0x1c9: {  	[tilespmem:s16], [sflag:$0x1] =	stream.indirect_vreg.gather [hbm4b:s4+s2], $0x80, v3, vm0, $0xb8;
	[tilespmem:$0x18800] =	vst v63  }
0x1ca: {  	_ = 	snop  }
0x1cb: {  	[tilespmem:s21], [sflag:$0x1] =	stream.indirect_vreg.gather [hbm4b:s5+s2], $0x80, v3, vm0, $0xb8;
	[tilespmem:$0x18800] =	vst v63  }
0x1cc: {  	_ =	swait.ge [sflag:s12], $0x6000  }
0x1cd: {  	[sflag:s12] =	ssyncset.done $0x0  }
0x1ce: {  	[sflag:s12] =	ssyncadd.s32 $0xFFFFA000  }
0x1cf: {  	_ =	swait.ge [sflag:s12], $0x6000  }
0x1d0: {  	[sflag:s12] =	ssyncset.done $0x0  }
0x1d1: {  	s31 =	simm.s32 $0xC800;
	s20 =	rddreg [dreg:$0xa];
	[sflag:s12] =	ssyncadd.s32 $0xFFFFA000  }
0x1d2: {  	[hbm4b:s20+s2] =	stream.linear.scatter [tilespmem:s31], [sflag:$0x3], $0x6000, $0x38;
	[tilespmem:$0x18800] =	vst v63  }
0x1d3: {  	s21 =	rddreg [dreg:$0xb]  }
0x1d4: {  	[hbm4b:s21+s2] =	stream.linear.scatter [tilespmem:s7], [sflag:$0x3], $0x6000, $0x38;
	[tilespmem:$0x18800] =	vst v63  }
0x1d5: {  	_ =	swait.ge [sflag:s11], $0x6000  }
0x1d6: {  	[sflag:s11] =	ssyncset.done $0x0  }
0x1d7: {  	[sflag:s11] =	ssyncadd.s32 $0xFFFFA000  }
0x1d8: {  	_ =	swait.ge [sflag:s11], $0x6000  }
0x1d9: {  	[sflag:s11] =	ssyncset.done $0x0  }
0x1da: {  	[sflag:s11] =	ssyncadd.s32 $0xFFFFA000  }
0x1db: {  	v3 =	vld [tilespmem:$0x280];
	_ =	sdelay $0x4  }
0x1dc: {  	v52 =	vshrl.u32 v3, $0x3  }
0x1dd: {  	v4 =	vmul.u32 $0x30, v52  }
0x1de: {  	v3 =	vand.u32 $0x7, v3  }
0x1df: {  	v3 =	vor.u32 v3, v4  }
0x1e0: {  	v4 =	vperm.xlane v3, v0;
	_ =	sdelay $0x1  }
0x1e1: {  	v4 =	vadd.s32 v1, v4;
	_ =	sdelay $0x3  }
0x1e2: {  	v3 =	vperm.xlane v3, v2  }
0x1e3: {  	[tilespmem:s31], [sflag:$0x2] =	stream.indirect_vreg.gather [hbm4b:s3+s2], $0x80, v4, vm0, $0xb8;
	[tilespmem:$0x18800] =	vst v63  }
0x1e4: {  	s20 =	simm.s32 $0xD000;
	v3 =	vadd.s32 v1, v3  }
0x1e5: {  	[tilespmem:s20], [sflag:$0x2] =	stream.indirect_vreg.gather [hbm4b:s4+s2], $0x80, v4, vm0, $0xb8;
	[tilespmem:$0x18800] =	vst v63  }
0x1e6: {  	s31 =	simm.s32 $0xD800  }
0x1e7: {  	[tilespmem:s31], [sflag:$0x2] =	stream.indirect_vreg.gather [hbm4b:s5+s2], $0x80, v4, vm0, $0xb8;
	[tilespmem:$0x18800] =	vst v63  }
0x1e8: {  	s0 =	simm.s32 $0xE000  }
0x1e9: {  	[tilespmem:s0], [sflag:$0x2] =	stream.indirect_vreg.gather [hbm4b:s3+s2], $0x80, v3, vm0, $0xb8;
	[tilespmem:$0x18800] =	vst v63  }
0x1ea: {  	s1 =	simm.s32 $0xE800  }
0x1eb: {  	[tilespmem:s1], [sflag:$0x2] =	stream.indirect_vreg.gather [hbm4b:s4+s2], $0x80, v3, vm0, $0xb8;
	[tilespmem:$0x18800] =	vst v63  }
0x1ec: {  	s14 =	simm.s32 $0xF000  }
0x1ed: {  	[tilespmem:s14], [sflag:$0x2] =	stream.indirect_vreg.gather [hbm4b:s5+s2], $0x80, v3, vm0, $0xb8;
	[tilespmem:$0x18800] =	vst v63  }
0x1ee: {  	v3 =	vld [tilespmem:$0x290];
	_ =	sdelay $0x4  }
0x1ef: {  	v53 =	vshrl.u32 v3, $0x3  }
0x1f0: {  	v4 =	vmul.u32 $0x30, v53  }
0x1f1: {  	v3 =	vand.u32 $0x7, v3  }
0x1f2: {  	v3 =	vor.u32 v3, v4  }
0x1f3: {  	v4 =	vperm.xlane v3, v0;
	_ =	sdelay $0x1  }
0x1f4: {  	v4 =	vadd.s32 v1, v4;
	_ =	sdelay $0x3  }
0x1f5: {  	s1 =	simm.s32 $0xF800;
	v3 =	vperm.xlane v3, v2  }
0x1f6: {  	[tilespmem:s1], [sflag:$0x2] =	stream.indirect_vreg.gather [hbm4b:s3+s2], $0x80, v4, vm0, $0xb8;
	[tilespmem:$0x18800] =	vst v63  }
0x1f7: {  	s14 =	simm.s32 $0x10000;
	v3 =	vadd.s32 v1, v3  }
0x1f8: {  	[tilespmem:s14], [sflag:$0x2] =	stream.indirect_vreg.gather [hbm4b:s4+s2], $0x80, v4, vm0, $0xb8;
	[tilespmem:$0x18800] =	vst v63  }
0x1f9: {  	s1 =	simm.s32 $0x10800  }
0x1fa: {  	[tilespmem:s1], [sflag:$0x2] =	stream.indirect_vreg.gather [hbm4b:s5+s2], $0x80, v4, vm0, $0xb8;
	[tilespmem:$0x18800] =	vst v63  }
0x1fb: {  	s14 =	simm.s32 $0x11000  }
0x1fc: {  	[tilespmem:s14], [sflag:$0x2] =	stream.indirect_vreg.gather [hbm4b:s3+s2], $0x80, v3, vm0, $0xb8;
	[tilespmem:$0x18800] =	vst v63  }
0x1fd: {  	s1 =	simm.s32 $0x11800  }
0x1fe: {  	[tilespmem:s1], [sflag:$0x2] =	stream.indirect_vreg.gather [hbm4b:s4+s2], $0x80, v3, vm0, $0xb8;
	[tilespmem:$0x18800] =	vst v63  }
0x1ff: {  	s14 =	simm.s32 $0x12000  }
0x200: {  	[tilespmem:s14], [sflag:$0x2] =	stream.indirect_vreg.gather [hbm4b:s5+s2], $0x80, v3, vm0, $0xb8;
	[tilespmem:$0x18800] =	vst v63  }
0x201: {  	v3 =	vld [tilespmem:$0x680];
	_ =	sdelay $0x4  }
0x202: {  	v54 =	vshrl.u32 v3, $0x3  }
0x203: {  	v4 =	vmul.u32 $0x30, v54  }
0x204: {  	v3 =	vand.u32 $0x7, v3  }
0x205: {  	v3 =	vor.u32 v3, v4  }
0x206: {  	v4 =	vperm.xlane v3, v0;
	_ =	sdelay $0x1  }
0x207: {  	v4 =	vadd.s32 v1, v4;
	_ =	sdelay $0x3  }
0x208: {  	v3 =	vperm.xlane v3, v2  }
0x209: {  	[tilespmem:s7], [sflag:$0x2] =	stream.indirect_vreg.gather [hbm4b:s3+s2], $0x80, v4, vm0, $0xb8;
	[tilespmem:$0x18800] =	vst v63  }
0x20a: {  	s1 =	simm.s32 $0x13000;
	v3 =	vadd.s32 v1, v3  }
0x20b: {  	[tilespmem:s1], [sflag:$0x2] =	stream.indirect_vreg.gather [hbm4b:s4+s2], $0x80, v4, vm0, $0xb8;
	[tilespmem:$0x18800] =	vst v63  }
0x20c: {  	s14 =	simm.s32 $0x13800  }
0x20d: {  	[tilespmem:s14], [sflag:$0x2] =	stream.indirect_vreg.gather [hbm4b:s5+s2], $0x80, v4, vm0, $0xb8;
	[tilespmem:$0x18800] =	vst v63  }
0x20e: {  	s1 =	simm.s32 $0x14000  }
0x20f: {  	[tilespmem:s1], [sflag:$0x2] =	stream.indirect_vreg.gather [hbm4b:s3+s2], $0x80, v3, vm0, $0xb8;
	[tilespmem:$0x18800] =	vst v63  }
0x210: {  	s14 =	simm.s32 $0x14800  }
0x211: {  	[tilespmem:s14], [sflag:$0x2] =	stream.indirect_vreg.gather [hbm4b:s4+s2], $0x80, v3, vm0, $0xb8;
	[tilespmem:$0x18800] =	vst v63  }
0x212: {  	s1 =	simm.s32 $0x15000  }
0x213: {  	[tilespmem:s1], [sflag:$0x2] =	stream.indirect_vreg.gather [hbm4b:s5+s2], $0x80, v3, vm0, $0xb8;
	[tilespmem:$0x18800] =	vst v63  }
0x214: {  	v3 =	vld [tilespmem:$0x690];
	_ =	sdelay $0x4  }
0x215: {  	v55 =	vshrl.u32 v3, $0x3  }
0x216: {  	v4 =	vmul.u32 $0x30, v55  }
0x217: {  	v3 =	vand.u32 $0x7, v3  }
0x218: {  	v3 =	vor.u32 v3, v4  }
0x219: {  	v4 =	vperm.xlane v3, v0;
	_ =	sdelay $0x1  }
0x21a: {  	v4 =	vadd.s32 v1, v4;
	_ =	sdelay $0x3  }
0x21b: {  	s14 =	simm.s32 $0x15800;
	v3 =	vperm.xlane v3, v2  }
0x21c: {  	[tilespmem:s14], [sflag:$0x2] =	stream.indirect_vreg.gather [hbm4b:s3+s2], $0x80, v4, vm0, $0xb8;
	[tilespmem:$0x18800] =	vst v63  }
0x21d: {  	s1 =	simm.s32 $0x16000;
	v3 =	vadd.s32 v1, v3  }
0x21e: {  	[tilespmem:s1], [sflag:$0x2] =	stream.indirect_vreg.gather [hbm4b:s4+s2], $0x80, v4, vm0, $0xb8;
	[tilespmem:$0x18800] =	vst v63  }
0x21f: {  	s14 =	simm.s32 $0x16800  }
0x220: {  	[tilespmem:s14], [sflag:$0x2] =	stream.indirect_vreg.gather [hbm4b:s5+s2], $0x80, v4, vm0, $0xb8;
	[tilespmem:$0x18800] =	vst v63  }
0x221: {  	s1 =	simm.s32 $0x17000  }
0x222: {  	[tilespmem:s1], [sflag:$0x2] =	stream.indirect_vreg.gather [hbm4b:s3+s2], $0x80, v3, vm0, $0xb8;
	[tilespmem:$0x18800] =	vst v63  }
0x223: {  	s14 =	simm.s32 $0x17800  }
0x224: {  	[tilespmem:s14], [sflag:$0x2] =	stream.indirect_vreg.gather [hbm4b:s4+s2], $0x80, v3, vm0, $0xb8;
	[tilespmem:$0x18800] =	vst v63  }
0x225: {  	s1 =	simm.s32 $0x18000  }
0x226: {  	[tilespmem:s1], [sflag:$0x2] =	stream.indirect_vreg.gather [hbm4b:s5+s2], $0x80, v3, vm0, $0xb8;
	[tilespmem:$0x18800] =	vst v63  }
0x227: {  	_ =	swait.ge [sflag:s10], $0x6000  }
0x228: {  	[sflag:s10] =	ssyncset.done $0x0  }
0x229: {  	[sflag:s10] =	ssyncadd.s32 $0xFFFFA000  }
0x22a: {  	_ =	swait.ge [sflag:s10], $0x6000  }
0x22b: {  	[sflag:s10] =	ssyncset.done $0x0  }
0x22c: {  	s1 =	simm.s32 $0x800;
	s13 =	rddreg [dreg:$0xc];
	[sflag:s10] =	ssyncadd.s32 $0xFFFFA000  }
0x22d: {  	[hbm4b:s13+s2] =	stream.linear.scatter [tilespmem:s1], [sflag:$0x3], $0x6000, $0x38;
	[tilespmem:$0x18800] =	vst v63  }
0x22e: {  	s14 =	rddreg [dreg:$0xd];
	s13 =	simm.s32 $0x6800  }
0x22f: {  	[hbm4b:s14+s2] =	stream.linear.scatter [tilespmem:s13], [sflag:$0x3], $0x6000, $0x38;
	[tilespmem:$0x18800] =	vst v63  }
0x230: {  	_ =	swait.ge [sflag:s11], $0x6000  }
0x231: {  	[sflag:s11] =	ssyncset.done $0x0  }
0x232: {  	[sflag:s11] =	ssyncadd.s32 $0xFFFFA000  }
0x233: {  	_ =	swait.ge [sflag:s11], $0x6000  }
0x234: {  	[sflag:s11] =	ssyncset.done $0x0  }
0x235: {  	[sflag:s11] =	ssyncadd.s32 $0xFFFFA000  }
0x236: {  	v3 =	vld [tilespmem:$0x300];
	_ =	sdelay $0x4  }
0x237: {  	v56 =	vshrl.u32 v3, $0x3  }
0x238: {  	v4 =	vmul.u32 $0x30, v56  }
0x239: {  	v3 =	vand.u32 $0x7, v3  }
0x23a: {  	v3 =	vor.u32 v3, v4  }
0x23b: {  	v4 =	vperm.xlane v3, v0;
	_ =	sdelay $0x1  }
0x23c: {  	v4 =	vadd.s32 v1, v4;
	_ =	sdelay $0x3  }
0x23d: {  	v3 =	vperm.xlane v3, v2  }
0x23e: {  	[tilespmem:s1], [sflag:$0x1] =	stream.indirect_vreg.gather [hbm4b:s3+s2], $0x80, v4, vm0, $0xb8;
	[tilespmem:$0x18800] =	vst v63  }
0x23f: {  	s8 =	simm.s32 $0x1000;
	v3 =	vadd.s32 v1, v3  }
0x240: {  	[tilespmem:s8], [sflag:$0x1] =	stream.indirect_vreg.gather [hbm4b:s4+s2], $0x80, v4, vm0, $0xb8;
	[tilespmem:$0x18800] =	vst v63  }
0x241: {  	s14 =	simm.s32 $0x1800  }
0x242: {  	[tilespmem:s14], [sflag:$0x1] =	stream.indirect_vreg.gather [hbm4b:s5+s2], $0x80, v4, vm0, $0xb8;
	[tilespmem:$0x18800] =	vst v63  }
0x243: {  	s18 =	simm.s32 $0x2000  }
0x244: {  	[tilespmem:s18], [sflag:$0x1] =	stream.indirect_vreg.gather [hbm4b:s3+s2], $0x80, v3, vm0, $0xb8;
	[tilespmem:$0x18800] =	vst v63  }
0x245: {  	s19 =	simm.s32 $0x2800  }
0x246: {  	[tilespmem:s19], [sflag:$0x1] =	stream.indirect_vreg.gather [hbm4b:s4+s2], $0x80, v3, vm0, $0xb8;
	[tilespmem:$0x18800] =	vst v63  }
0x247: {  	s19 =	simm.s32 $0x3000  }
0x248: {  	[tilespmem:s19], [sflag:$0x1] =	stream.indirect_vreg.gather [hbm4b:s5+s2], $0x80, v3, vm0, $0xb8;
	[tilespmem:$0x18800] =	vst v63  }
0x249: {  	v3 =	vld [tilespmem:$0x310];
	_ =	sdelay $0x4  }
0x24a: {  	v57 =	vshrl.u32 v3, $0x3  }
0x24b: {  	v4 =	vmul.u32 $0x30, v57  }
0x24c: {  	v3 =	vand.u32 $0x7, v3  }
0x24d: {  	v3 =	vor.u32 v3, v4  }
0x24e: {  	v4 =	vperm.xlane v3, v0;
	_ =	sdelay $0x1  }
0x24f: {  	v4 =	vadd.s32 v1, v4;
	_ =	sdelay $0x3  }
0x250: {  	s14 =	simm.s32 $0x3800;
	v3 =	vperm.xlane v3, v2  }
0x251: {  	[tilespmem:s14], [sflag:$0x1] =	stream.indirect_vreg.gather [hbm4b:s3+s2], $0x80, v4, vm0, $0xb8;
	[tilespmem:$0x18800] =	vst v63  }
0x252: {  	s22 =	simm.s32 $0x4000;
	v3 =	vadd.s32 v1, v3  }
0x253: {  	[tilespmem:s22], [sflag:$0x1] =	stream.indirect_vreg.gather [hbm4b:s4+s2], $0x80, v4, vm0, $0xb8;
	[tilespmem:$0x18800] =	vst v63  }
0x254: {  	s23 =	simm.s32 $0x4800  }
0x255: {  	[tilespmem:s23], [sflag:$0x1] =	stream.indirect_vreg.gather [hbm4b:s5+s2], $0x80, v4, vm0, $0xb8;
	[tilespmem:$0x18800] =	vst v63  }
0x256: {  	s24 =	simm.s32 $0x5000  }
0x257: {  	[tilespmem:s24], [sflag:$0x1] =	stream.indirect_vreg.gather [hbm4b:s3+s2], $0x80, v3, vm0, $0xb8;
	[tilespmem:$0x18800] =	vst v63  }
0x258: {  	s25 =	simm.s32 $0x5800  }
0x259: {  	[tilespmem:s25], [sflag:$0x1] =	stream.indirect_vreg.gather [hbm4b:s4+s2], $0x80, v3, vm0, $0xb8;
	[tilespmem:$0x18800] =	vst v63  }
0x25a: {  	s18 =	simm.s32 $0x6000  }
0x25b: {  	[tilespmem:s18], [sflag:$0x1] =	stream.indirect_vreg.gather [hbm4b:s5+s2], $0x80, v3, vm0, $0xb8;
	[tilespmem:$0x18800] =	vst v63  }
0x25c: {  	v3 =	vld [tilespmem:$0x700];
	_ =	sdelay $0x4  }
0x25d: {  	v58 =	vshrl.u32 v3, $0x3  }
0x25e: {  	v4 =	vmul.u32 $0x30, v58  }
0x25f: {  	v3 =	vand.u32 $0x7, v3  }
0x260: {  	v3 =	vor.u32 v3, v4  }
0x261: {  	v4 =	vperm.xlane v3, v0;
	_ =	sdelay $0x1  }
0x262: {  	v4 =	vadd.s32 v1, v4;
	_ =	sdelay $0x3  }
0x263: {  	v3 =	vperm.xlane v3, v2  }
0x264: {  	[tilespmem:s13], [sflag:$0x1] =	stream.indirect_vreg.gather [hbm4b:s3+s2], $0x80, v4, vm0, $0xb8;
	[tilespmem:$0x18800] =	vst v63  }
0x265: {  	s26 =	simm.s32 $0x7000;
	v3 =	vadd.s32 v1, v3  }
0x266: {  	[tilespmem:s26], [sflag:$0x1] =	stream.indirect_vreg.gather [hbm4b:s4+s2], $0x80, v4, vm0, $0xb8;
	[tilespmem:$0x18800] =	vst v63  }
0x267: {  	s28 =	simm.s32 $0x7800  }
0x268: {  	[tilespmem:s28], [sflag:$0x1] =	stream.indirect_vreg.gather [hbm4b:s5+s2], $0x80, v4, vm0, $0xb8;
	[tilespmem:$0x18800] =	vst v63  }
0x269: {  	s29 =	simm.s32 $0x8000  }
0x26a: {  	[tilespmem:s29], [sflag:$0x1] =	stream.indirect_vreg.gather [hbm4b:s3+s2], $0x80, v3, vm0, $0xb8;
	[tilespmem:$0x18800] =	vst v63  }
0x26b: {  	s30 =	simm.s32 $0x8800  }
0x26c: {  	[tilespmem:s30], [sflag:$0x1] =	stream.indirect_vreg.gather [hbm4b:s4+s2], $0x80, v3, vm0, $0xb8;
	[tilespmem:$0x18800] =	vst v63  }
0x26d: {  	s19 =	simm.s32 $0x9000  }
0x26e: {  	[tilespmem:s19], [sflag:$0x1] =	stream.indirect_vreg.gather [hbm4b:s5+s2], $0x80, v3, vm0, $0xb8;
	[tilespmem:$0x18800] =	vst v63  }
0x26f: {  	v3 =	vld [tilespmem:$0x710];
	_ =	sdelay $0x4  }
0x270: {  	v59 =	vshrl.u32 v3, $0x3  }
0x271: {  	v4 =	vmul.u32 $0x30, v59  }
0x272: {  	v3 =	vand.u32 $0x7, v3  }
0x273: {  	v3 =	vor.u32 v3, v4  }
0x274: {  	v4 =	vperm.xlane v3, v0;
	_ =	sdelay $0x1  }
0x275: {  	v4 =	vadd.s32 v1, v4;
	_ =	sdelay $0x3  }
0x276: {  	s17 =	simm.s32 $0x9800;
	v3 =	vperm.xlane v3, v2  }
0x277: {  	[tilespmem:s17], [sflag:$0x1] =	stream.indirect_vreg.gather [hbm4b:s3+s2], $0x80, v4, vm0, $0xb8;
	[tilespmem:$0x18800] =	vst v63  }
0x278: {  	s22 =	simm.s32 $0xA000;
	v3 =	vadd.s32 v1, v3  }
0x279: {  	[tilespmem:s22], [sflag:$0x1] =	stream.indirect_vreg.gather [hbm4b:s4+s2], $0x80, v4, vm0, $0xb8;
	[tilespmem:$0x18800] =	vst v63  }
0x27a: {  	s9 =	simm.s32 $0xA800  }
0x27b: {  	[tilespmem:s9], [sflag:$0x1] =	stream.indirect_vreg.gather [hbm4b:s5+s2], $0x80, v4, vm0, $0xb8;
	[tilespmem:$0x18800] =	vst v63  }
0x27c: {  	s15 =	simm.s32 $0xB000  }
0x27d: {  	[tilespmem:s15], [sflag:$0x1] =	stream.indirect_vreg.gather [hbm4b:s3+s2], $0x80, v3, vm0, $0xb8;
	[tilespmem:$0x18800] =	vst v63  }
0x27e: {  	s16 =	simm.s32 $0xB800  }
0x27f: {  	[tilespmem:s16], [sflag:$0x1] =	stream.indirect_vreg.gather [hbm4b:s4+s2], $0x80, v3, vm0, $0xb8;
	[tilespmem:$0x18800] =	vst v63  }
0x280: {  	s23 =	simm.s32 $0xC000  }
0x281: {  	[tilespmem:s23], [sflag:$0x1] =	stream.indirect_vreg.gather [hbm4b:s5+s2], $0x80, v3, vm0, $0xb8;
	[tilespmem:$0x18800] =	vst v63  }
0x282: {  	_ =	swait.ge [sflag:s12], $0x6000  }
0x283: {  	[sflag:s12] =	ssyncset.done $0x0  }
0x284: {  	[sflag:s12] =	ssyncadd.s32 $0xFFFFA000  }
0x285: {  	_ =	swait.ge [sflag:s12], $0x6000  }
0x286: {  	[sflag:s12] =	ssyncset.done $0x0  }
0x287: {  	s21 =	simm.s32 $0xC800;
	s24 =	rddreg [dreg:$0xe];
	[sflag:s12] =	ssyncadd.s32 $0xFFFFA000  }
0x288: {  	[hbm4b:s24+s2] =	stream.linear.scatter [tilespmem:s21], [sflag:$0x3], $0x6000, $0x38;
	[tilespmem:$0x18800] =	vst v63  }
0x289: {  	s25 =	rddreg [dreg:$0xf]  }
0x28a: {  	[hbm4b:s25+s2] =	stream.linear.scatter [tilespmem:s7], [sflag:$0x3], $0x6000, $0x38;
	[tilespmem:$0x18800] =	vst v63  }
0x28b: {  	_ =	swait.ge [sflag:s11], $0x6000  }
0x28c: {  	[sflag:s11] =	ssyncset.done $0x0  }
0x28d: {  	[sflag:s11] =	ssyncadd.s32 $0xFFFFA000  }
0x28e: {  	_ =	swait.ge [sflag:s11], $0x6000  }
0x28f: {  	[sflag:s11] =	ssyncset.done $0x0  }
0x290: {  	[sflag:s11] =	ssyncadd.s32 $0xFFFFA000  }
0x291: {  	v3 =	vld [tilespmem:$0x380];
	_ =	sdelay $0x4  }
0x292: {  	v60 =	vshrl.u32 v3, $0x3  }
0x293: {  	v4 =	vmul.u32 $0x30, v60  }
0x294: {  	v3 =	vand.u32 $0x7, v3  }
0x295: {  	v3 =	vor.u32 v3, v4  }
0x296: {  	v4 =	vperm.xlane v3, v0;
	_ =	sdelay $0x1  }
0x297: {  	v4 =	vadd.s32 v1, v4;
	_ =	sdelay $0x3  }
0x298: {  	v3 =	vperm.xlane v3, v2  }
0x299: {  	[tilespmem:s21], [sflag:$0x2] =	stream.indirect_vreg.gather [hbm4b:s3+s2], $0x80, v4, vm0, $0xb8;
	[tilespmem:$0x18800] =	vst v63  }
0x29a: {  	v3 =	vadd.s32 v1, v3  }
0x29b: {  	[tilespmem:s20], [sflag:$0x2] =	stream.indirect_vreg.gather [hbm4b:s4+s2], $0x80, v4, vm0, $0xb8;
	[tilespmem:$0x18800] =	vst v63  }
0x29c: {  	_ = 	snop  }
0x29d: {  	[tilespmem:s31], [sflag:$0x2] =	stream.indirect_vreg.gather [hbm4b:s5+s2], $0x80, v4, vm0, $0xb8;
	[tilespmem:$0x18800] =	vst v63  }
0x29e: {  	_ = 	snop  }
0x29f: {  	[tilespmem:s0], [sflag:$0x2] =	stream.indirect_vreg.gather [hbm4b:s3+s2], $0x80, v3, vm0, $0xb8;
	[tilespmem:$0x18800] =	vst v63  }
0x2a0: {  	s26 =	simm.s32 $0xE800  }
0x2a1: {  	[tilespmem:s26], [sflag:$0x2] =	stream.indirect_vreg.gather [hbm4b:s4+s2], $0x80, v3, vm0, $0xb8;
	[tilespmem:$0x18800] =	vst v63  }
0x2a2: {  	s28 =	simm.s32 $0xF000  }
0x2a3: {  	[tilespmem:s28], [sflag:$0x2] =	stream.indirect_vreg.gather [hbm4b:s5+s2], $0x80, v3, vm0, $0xb8;
	[tilespmem:$0x18800] =	vst v63  }
0x2a4: {  	v3 =	vld [tilespmem:$0x390];
	_ =	sdelay $0x4  }
0x2a5: {  	v61 =	vshrl.u32 v3, $0x3  }
0x2a6: {  	v4 =	vmul.u32 $0x30, v61  }
0x2a7: {  	v3 =	vand.u32 $0x7, v3  }
0x2a8: {  	v3 =	vor.u32 v3, v4  }
0x2a9: {  	v4 =	vperm.xlane v3, v0;
	_ =	sdelay $0x1  }
0x2aa: {  	v4 =	vadd.s32 v1, v4;
	_ =	sdelay $0x3  }
0x2ab: {  	s29 =	simm.s32 $0xF800;
	v3 =	vperm.xlane v3, v2  }
0x2ac: {  	[tilespmem:s29], [sflag:$0x2] =	stream.indirect_vreg.gather [hbm4b:s3+s2], $0x80, v4, vm0, $0xb8;
	[tilespmem:$0x18800] =	vst v63  }
0x2ad: {  	s30 =	simm.s32 $0x10000;
	v3 =	vadd.s32 v1, v3  }
0x2ae: {  	[tilespmem:s30], [sflag:$0x2] =	stream.indirect_vreg.gather [hbm4b:s4+s2], $0x80, v4, vm0, $0xb8;
	[tilespmem:$0x18800] =	vst v63  }
0x2af: {  	s31 =	simm.s32 $0x10800  }
0x2b0: {  	[tilespmem:s31], [sflag:$0x2] =	stream.indirect_vreg.gather [hbm4b:s5+s2], $0x80, v4, vm0, $0xb8;
	[tilespmem:$0x18800] =	vst v63  }
0x2b1: {  	s9 =	simm.s32 $0x11000  }
0x2b2: {  	[tilespmem:s9], [sflag:$0x2] =	stream.indirect_vreg.gather [hbm4b:s3+s2], $0x80, v3, vm0, $0xb8;
	[tilespmem:$0x18800] =	vst v63  }
0x2b3: {  	s13 =	simm.s32 $0x11800  }
0x2b4: {  	[tilespmem:s13], [sflag:$0x2] =	stream.indirect_vreg.gather [hbm4b:s4+s2], $0x80, v3, vm0, $0xb8;
	[tilespmem:$0x18800] =	vst v63  }
0x2b5: {  	s14 =	simm.s32 $0x12000  }
0x2b6: {  	[tilespmem:s14], [sflag:$0x2] =	stream.indirect_vreg.gather [hbm4b:s5+s2], $0x80, v3, vm0, $0xb8;
	[tilespmem:$0x18800] =	vst v63  }
0x2b7: {  	v3 =	vld [tilespmem:$0x780];
	_ =	sdelay $0x4  }
0x2b8: {  	v62 =	vshrl.u32 v3, $0x3  }
0x2b9: {  	v4 =	vmul.u32 $0x30, v62  }
0x2ba: {  	v3 =	vand.u32 $0x7, v3  }
0x2bb: {  	v3 =	vor.u32 v3, v4  }
0x2bc: {  	v4 =	vperm.xlane v3, v0;
	_ =	sdelay $0x1  }
0x2bd: {  	v4 =	vadd.s32 v1, v4;
	_ =	sdelay $0x3  }
0x2be: {  	v3 =	vperm.xlane v3, v2  }
0x2bf: {  	[tilespmem:s7], [sflag:$0x2] =	stream.indirect_vreg.gather [hbm4b:s3+s2], $0x80, v4, vm0, $0xb8;
	[tilespmem:$0x18800] =	vst v63  }
0x2c0: {  	s15 =	simm.s32 $0x13000;
	v3 =	vadd.s32 v1, v3  }
0x2c1: {  	[tilespmem:s15], [sflag:$0x2] =	stream.indirect_vreg.gather [hbm4b:s4+s2], $0x80, v4, vm0, $0xb8;
	[tilespmem:$0x18800] =	vst v63  }
0x2c2: {  	s16 =	simm.s32 $0x13800  }
0x2c3: {  	[tilespmem:s16], [sflag:$0x2] =	stream.indirect_vreg.gather [hbm4b:s5+s2], $0x80, v4, vm0, $0xb8;
	[tilespmem:$0x18800] =	vst v63  }
0x2c4: {  	s17 =	simm.s32 $0x14000  }
0x2c5: {  	[tilespmem:s17], [sflag:$0x2] =	stream.indirect_vreg.gather [hbm4b:s3+s2], $0x80, v3, vm0, $0xb8;
	[tilespmem:$0x18800] =	vst v63  }
0x2c6: {  	s18 =	simm.s32 $0x14800  }
0x2c7: {  	[tilespmem:s18], [sflag:$0x2] =	stream.indirect_vreg.gather [hbm4b:s4+s2], $0x80, v3, vm0, $0xb8;
	[tilespmem:$0x18800] =	vst v63  }
0x2c8: {  	s19 =	simm.s32 $0x15000  }
0x2c9: {  	[tilespmem:s19], [sflag:$0x2] =	stream.indirect_vreg.gather [hbm4b:s5+s2], $0x80, v3, vm0, $0xb8;
	[tilespmem:$0x18800] =	vst v63  }
0x2ca: {  	v3 =	vld [tilespmem:$0x790];
	_ =	sdelay $0x4  }
0x2cb: {  	v63 =	vshrl.u32 v3, $0x3  }
0x2cc: {  	v4 =	vmul.u32 $0x30, v63  }
0x2cd: {  	v3 =	vand.u32 $0x7, v3  }
0x2ce: {  	v3 =	vor.u32 v3, v4  }
0x2cf: {  	v4 =	vperm.xlane v3, v0;
	_ =	sdelay $0x1  }
0x2d0: {  	v4 =	vadd.s32 v1, v4;
	_ =	sdelay $0x3  }
0x2d1: {  	s20 =	simm.s32 $0x15800;
	v3 =	vperm.xlane v3, v2  }
0x2d2: {  	[tilespmem:s20], [sflag:$0x2] =	stream.indirect_vreg.gather [hbm4b:s3+s2], $0x80, v4, vm0, $0xb8;
	[tilespmem:$0x18800] =	vst v63  }
0x2d3: {  	s22 =	simm.s32 $0x16000;
	v3 =	vadd.s32 v1, v3  }
0x2d4: {  	[tilespmem:s22], [sflag:$0x2] =	stream.indirect_vreg.gather [hbm4b:s4+s2], $0x80, v4, vm0, $0xb8;
	[tilespmem:$0x18800] =	vst v63  }
0x2d5: {  	s23 =	simm.s32 $0x16800  }
0x2d6: {  	[tilespmem:s23], [sflag:$0x2] =	stream.indirect_vreg.gather [hbm4b:s5+s2], $0x80, v4, vm0, $0xb8;
	[tilespmem:$0x18800] =	vst v63  }
0x2d7: {  	s24 =	simm.s32 $0x17000  }
0x2d8: {  	[tilespmem:s24], [sflag:$0x2] =	stream.indirect_vreg.gather [hbm4b:s3+s2], $0x80, v3, vm0, $0xb8;
	[tilespmem:$0x18800] =	vst v63  }
0x2d9: {  	s25 =	simm.s32 $0x17800  }
0x2da: {  	[tilespmem:s25], [sflag:$0x2] =	stream.indirect_vreg.gather [hbm4b:s4+s2], $0x80, v3, vm0, $0xb8;
	[tilespmem:$0x18800] =	vst v63  }
0x2db: {  	s26 =	simm.s32 $0x18000  }
0x2dc: {  	[tilespmem:s26], [sflag:$0x2] =	stream.indirect_vreg.gather [hbm4b:s5+s2], $0x80, v3, vm0, $0xb8;
	[tilespmem:$0x18800] =	vst v63  }
0x2dd: {  	_ =	swait.ge [sflag:s10], $0x6000  }
0x2de: {  	[sflag:s10] =	ssyncset.done $0x0  }
0x2df: {  	[sflag:s10] =	ssyncadd.s32 $0xFFFFA000  }
0x2e0: {  	_ =	swait.ge [sflag:s10], $0x6000  }
0x2e1: {  	[sflag:s10] =	ssyncset.done $0x0  }
0x2e2: {  	s1 =	simm.s32 $0x800;
	s28 =	rddreg [dreg:$0x10];
	[sflag:s10] =	ssyncadd.s32 $0xFFFFA000  }
0x2e3: {  	[hbm4b:s28+s2] =	stream.linear.scatter [tilespmem:s1], [sflag:$0x3], $0x6000, $0x38;
	[tilespmem:$0x18800] =	vst v63  }
0x2e4: {  	s8 =	simm.s32 $0x6800;
	s29 =	rddreg [dreg:$0x11]  }
0x2e5: {  	[hbm4b:s29+s2] =	stream.linear.scatter [tilespmem:s8], [sflag:$0x3], $0x6000, $0x38;
	[tilespmem:$0x18800] =	vst v63  }
0x2e6: {  	_ =	swait.ge [sflag:s12], $0x6000  }
0x2e7: {  	[sflag:s12] =	ssyncset.done $0x0  }
0x2e8: {  	[sflag:s12] =	ssyncadd.s32 $0xFFFFA000  }
0x2e9: {  	_ =	swait.ge [sflag:s12], $0x6000  }
0x2ea: {  	[sflag:s12] =	ssyncset.done $0x0  }
0x2eb: {  	s30 =	rddreg [dreg:$0x12];
	[sflag:s12] =	ssyncadd.s32 $0xFFFFA000  }
0x2ec: {  	[hbm4b:s30+s2] =	stream.linear.scatter [tilespmem:s21], [sflag:$0x3], $0x6000, $0x38;
	[tilespmem:$0x18800] =	vst v63  }
0x2ed: {  	s31 =	rddreg [dreg:$0x13]  }
0x2ee: {  	[hbm4b:s31+s2] =	stream.linear.scatter [tilespmem:s7], [sflag:$0x3], $0x6000, $0x38;
	[tilespmem:$0x18800] =	vst v63  }
0x2ef: {  	_ =	swait.ge [sflag:s11], $0x6000  }
0x2f0: {  	[sflag:s11] =	ssyncset.done $0x0  }
0x2f1: {  	[sflag:s11] =	ssyncadd.s32 $0xFFFFA000  }
0x2f2: {  	_ =	swait.ge [sflag:s11], $0x6000  }
0x2f3: {  	[sflag:s11] =	ssyncset.done $0x0  }
0x2f4: {  	[sflag:s11] =	ssyncadd.s32 $0xFFFFA000  }
0x2f5: {  	p0 =	sne.s32 s6, $0x1;
	_ =	swait.ge [sflag:s11], $0x6000  }
.Ltmp0:
0x2f6: {  	[sflag:s11] =	ssyncset.done $0x0;
	(pc) =	sbr.rel @p0 .LBB2_1-.Ltmp0, $4  }
0x2f7: {  	[sflag:s11] =	ssyncadd.s32 $0xFFFFA000  }
0x2f8: {  	_ =	swait.ge [sflag:s11], $0x6000  }
0x2f9: {  	[sflag:s11] =	ssyncset.done $0x0  }
0x2fa: {  	s6 =	sadd.s32 $0xFFFFFFFF, s6;
	[sflag:s11] =	ssyncadd.s32 $0xFFFFA000  }
0x2fb: {  	_ =	sfence.sel $0x180000  }
0x2fc: {  	[bflag:$0x0] =	sbarrier.arrive $0xFFFF  }
0x2fd: {  	_ =	strace $0x9000004A  }
0x2fe: {  	s0 =	stileid.u32;
	[bflag:$0x2] =	sbarrier.arrive $0xFFFF  }
0x2ff: {  	p0 =	sne.s32 s0, $0x0;
	s0 =	rddreg [dreg:$0x1]  }
0x300: {  	s0 =	sadd.s32 @!p0 $0x100000, s0  }
0x301: {  	[sflag:s0] =	ssyncadd.tile.s32 @!p0 $0x1;
	_ =	shalt  }
.Lfunc_end2:
_tile_overlayer_lowered:
.L_overlay_start_2:
0x302: {  	(tag) =	ssettag $0x2  }
0x303: {  	s0 =	rddreg [dreg:$0x0];
	s2 =	stileid.u32  }
0x304: {  	s1 =	rddreg [dreg:$0x1];
	p0 =	sne.s32 s2, $0x0  }
0x305: {  	s3 =	rddreg [dreg:$0x2];
	[bflag:$0x3] =	sbarrier.arrive $0xFFFF;
	s2 =	simm.s32 @!p0 $0x1C04  }
0x306: {  	[timem:s3], [sflag:s2] =	dma.local @!p0 [hbm:s0], s1  }
0x307: {  	s0 =	simm.s32 @!p0 $0x4  }
0x308: {  	_ =	swait.ge @!p0 [sflag:s0], s1  }
0x309: {  	s1 =	ssub.s32 @!p0 $0x0, s1;
	[sflag:s0] =	ssyncset.done @!p0 $0x0  }
0x30a: {  	[sflag:s0] =	ssyncadd.s32 @!p0 s1  }
0x30b: {  	[bflag:$0x3] =	sbarrier.arrive $0xFFFF  }
0x30c: {  	_ =	shalt  }

// kernel: kernel.7.cloned.1.call-start
scs
__scs_entry_jumppad:
0x0: {  	(pc) =	sbr.rel $0x88, $3  }
0x1: {  	(tag) =	ssettag $0x0;
	lr =	simm.s32 $0x1  }
0x2: {  	[smem:$0x3F99] =	sst lr;
	_ =	strace $0xD0000000  }
0x3: {  	_ = 	snop  }
0x4: {  	_ = 	snop  }
0x5: {  	_ = 	snop  }
0x6: {  	_ = 	snop  }
0x7: {  	_ = 	snop  }
__scs_overlays_trampoline_lowered:
0x8: {  	[smem:$0x3FA8] =	sst s0  }
0x9: {  	[smem:$0x3FA9] =	sst s1  }
0xa: {  	[smem:$0x3FAA] =	sst s2  }
0xb: {  	[smem:$0x3FAB] =	sst s3  }
0xc: {  	[smem:$0x3FAC] =	sst s4  }
0xd: {  	[smem:$0x3FAD] =	sst s5  }
0xe: {  	[smem:$0x3FAE] =	sst s6  }
0xf: {  	[smem:$0x3FAF] =	sst s7  }
0x10: {  	[smem:$0x3FB0] =	sst s8  }
0x11: {  	[smem:$0x3FB1] =	sst s9;
	s0 =	simm.s32 @!p0 $0x0  }
0x12: {  	s1 =	sld [smem:$0x3F97];
	s0 =	simm.s32 @p0 $0x1  }
0x13: {  	[smem:$0x3FB2] =	sst s0;
	s0 =	simm.s32 @!p1 $0x0  }
0x14: {  	s2 =	sld [smem:$0x3F96];
	s0 =	simm.s32 @p1 $0x1  }
0x15: {  	[smem:$0x3FB3] =	sst s0;
	s0 =	simm.s32 @!p2 $0x0  }
0x16: {  	s3 =	sld [smem:$0x3FDB];
	s0 =	simm.s32 @p2 $0x1  }
0x17: {  	s4 =	simm.s32 $0x1BF5;
	[smem:$0x3FB5] =	sst s0  }
0x18: {  	s0 =	sld [smem:$0x3F98];
	_ =	swait.ge [sflag:s4], $0x0  }
0x19: {  	s7 =	sld [smem:$0x3F99]  }
0x1a: {  	s8 =	sadd.s32 $0xFFFFE003, lr  }
0x1b: {  	s9 =	sadd.s32 $0xFFFFFEF7, lr;
	s5 =	simm.s32 $0xFFFFFFFF;
	p2 =	slt.u32 s8, $0xFFFFF086  }
0x1c: {  	p1 =	slt.u32 s9, $0xF7A;
	s5 =	simm.s32 @!p2 $0x0  }
0x1d: {  	s5 =	simm.s32 @p1 $0x1;
	p0 =	seq.s32 s7, s2  }
0x1e: {  	s7 =	smul.u32 @!p0 $0xF7A, s2;
	p2 =	seq.s32 @!p0 s5, $0x0  }
0x1f: {  	s9 =	smul.u32 $0xF7A, s1;
	s8 =	simm.s32 @!p0 $0x1BF5;
	p2 =	por !p2, p0  }
0x20: {  	[sflag:s8] =	ssyncset.s32 @!p0 $0xFFFFF086;
	s6 =	sadd.s32 @!p0 s3, s7;
	s7 =	simm.s32 @!p0 $0x108  }
0x21: {  	s3 =	sadd.s32 s3, s9;
	s6 =	sadd.s32 @!p0 $0x88, s6;
	s7 =	simm.s32 @p2 $0x1082  }
0x22: {  	[simem:s7], [sflag:s8] =	dma.local @!p0 [hbm:s6], $0xF7A  }
0x23: {  	s9 =	sor.u32 $0xD0000000, s2;
	s6 =	simm.s32 $0x108;
	_ =	swait.ge @!p0 [sflag:s8], $0x0  }
0x24: {  	s3 =	sadd.s32 $0x88, s3;
	s6 =	simm.s32 @!p1 $0x1082;
	[sflag:s4] =	ssyncset.s32 $0xFFFFF086  }
0x25: {  	[simem:s6], [sflag:s4] =	dma.local [hbm:s3], $0xF7A  }
0x26: {  	[smem:$0x3F99] =	sst s1;
	(tag) =	ssettag s2;
	_ =	strace s9  }
0x27: {  	s1 =	sld [smem:$0x3FA9]  }
0x28: {  	s2 =	sld [smem:$0x3FAA]  }
0x29: {  	s4 =	sld [smem:$0x3FAC]  }
0x2a: {  	p0 =	seq.s32 s5, $0x0;
	s5 =	sld [smem:$0x3FAD]  }
0x2b: {  	s6 =	sld [smem:$0x3FAE]  }
0x2c: {  	s7 =	sld [smem:$0x3FAF]  }
0x2d: {  	s3 =	simm.s32 $0x108;
	s8 =	sld [smem:$0x3FB0]  }
0x2e: {  	s3 =	simm.s32 @!p0 $0x1082;
	s9 =	sld [smem:$0x3FB1]  }
0x2f: {  	lr =	sadd.s32 s0, s3;
	s0 =	sld [smem:$0x3FA8]  }
0x30: {  	s3 =	sld [smem:$0x3FAB]  }
0x31: {  	[smem:$0x3FB4] =	sst s10  }
0x32: {  	s10 =	sld [smem:$0x3FB2];
	_ =	sdelay $0x3  }
0x33: {  	p0 =	seq.s32 s10, $0x1;
	s10 =	sld [smem:$0x3FB4];
	_ =	sdelay $0x3  }
0x34: {  	[smem:$0x3FB4] =	sst s10  }
0x35: {  	s10 =	sld [smem:$0x3FB3];
	_ =	sdelay $0x3  }
0x36: {  	p1 =	seq.s32 s10, $0x1;
	s10 =	sld [smem:$0x3FB4];
	_ =	sdelay $0x3  }
0x37: {  	[smem:$0x3FB4] =	sst s10  }
0x38: {  	s10 =	sld [smem:$0x3FB5]  }
0x39: {  	_ = 	snop;
	(pc) =	sbr.ind lr, $3  }
0x3a: {  	_ = 	snop  }
0x3b: {  	_ = 	snop  }
0x3c: {  	p2 =	seq.s32 s10, $0x1;
	s10 =	sld [smem:$0x3FB4]  }
0x3d: {  	_ =	shalt  }
0x3e: {  	_ =	shalt  }
0x3f: {  	_ =	shalt  }
0x40: {  	_ =	shalt  }
0x41: {  	_ =	shalt  }
0x42: {  	_ =	shalt  }
0x43: {  	_ =	shalt  }
0x44: {  	_ =	shalt  }
0x45: {  	_ =	shalt  }
0x46: {  	_ =	shalt  }
0x47: {  	_ =	shalt  }
0x48: {  	_ =	shalt  }
0x49: {  	_ =	shalt  }
0x4a: {  	_ =	shalt  }
0x4b: {  	_ =	shalt  }
0x4c: {  	_ =	shalt  }
0x4d: {  	_ =	shalt  }
0x4e: {  	_ =	shalt  }
0x4f: {  	_ =	shalt  }
0x50: {  	_ =	shalt  }
0x51: {  	_ =	shalt  }
0x52: {  	_ =	shalt  }
0x53: {  	_ =	shalt  }
0x54: {  	_ =	shalt  }
0x55: {  	_ =	shalt  }
0x56: {  	_ =	shalt  }
0x57: {  	_ =	shalt  }
0x58: {  	_ =	shalt  }
0x59: {  	_ =	shalt  }
0x5a: {  	_ =	shalt  }
0x5b: {  	_ =	shalt  }
0x5c: {  	_ =	shalt  }
0x5d: {  	_ =	shalt  }
0x5e: {  	_ =	shalt  }
0x5f: {  	_ =	shalt  }
0x60: {  	_ =	shalt  }
0x61: {  	_ =	shalt  }
0x62: {  	_ =	shalt  }
0x63: {  	_ =	shalt  }
0x64: {  	_ =	shalt  }
0x65: {  	_ =	shalt  }
0x66: {  	_ =	shalt  }
0x67: {  	_ =	shalt  }
0x68: {  	_ =	shalt  }
0x69: {  	_ =	shalt  }
0x6a: {  	_ =	shalt  }
0x6b: {  	_ =	shalt  }
0x6c: {  	_ =	shalt  }
0x6d: {  	_ =	shalt  }
0x6e: {  	_ =	shalt  }
0x6f: {  	_ =	shalt  }
0x70: {  	_ =	shalt  }
0x71: {  	_ =	shalt  }
0x72: {  	_ =	shalt  }
0x73: {  	_ =	shalt  }
0x74: {  	_ =	shalt  }
0x75: {  	_ =	shalt  }
0x76: {  	_ =	shalt  }
0x77: {  	_ =	shalt  }
0x78: {  	_ =	shalt  }
0x79: {  	_ =	shalt  }
0x7a: {  	_ =	shalt  }
0x7b: {  	_ =	shalt  }
0x7c: {  	_ =	shalt  }
0x7d: {  	_ =	shalt  }
0x7e: {  	_ =	shalt  }
0x7f: {  	_ =	shalt  }
0x80: {  	_ =	shalt  }
0x81: {  	_ =	shalt  }
0x82: {  	_ =	shalt  }
0x83: {  	_ =	shalt  }
0x84: {  	_ =	shalt  }
0x85: {  	_ =	shalt  }
0x86: {  	_ =	shalt  }
0x87: {  	_ =	shalt  }
.Lfunc_end0:
.L_simem_size_0:
called_computation_lowered:
.L_overlay_start_0:
0x88: {  	s2 =	sld [smem:$0x3FD9]  }
0x89: {  	s3 =	sld [smem:$0x3FFE];
	_ =	sdelay $0x1  }
0x8a: {  	s1 =	srdreg.scid  }
0x8b: {  	s0 =	sand.u32 $0x1, s1  }
0x8c: {  	s17 =	sshll.u32 s0, $0xA;
	s2 =	sadd.s32 s3, s2  }
0x8d: {  	s2 =	sadd.s32 s2, s17  }
0x8e: {  	[smem:$0x3FC0] =	sst s2  }
0x8f: {  	_ = 	snop  }
0x90: {  	s2 =	sld [smem:$0x3FC8];
	(tm) =	ssettm $0x1  }
0x91: {  	s18 =	sld [smem:$0x3FFB];
	_ =	sdelay $0x3  }
0x92: {  	_ =	strace s18  }
0x93: {  	s3 =	sld [smem:$0x3FFC];
	_ =	sdelay $0x3  }
0x94: {  	_ =	strace s3  }
0x95: {  	s3 =	sld [smem:$0x3FFD];
	_ =	sdelay $0x3  }
0x96: {  	_ =	strace s3  }
0x97: {  	_ =	strace $0x8FFFFFFF  }
0x98: {  	s19 =	sld [smem:$0x3FDB];
	_ =	sdelay $0x1  }
0x99: {  	s4 =	simm.s32 $_scs_section_size  }
0x9a: {  	s5 =	simm.s32 $_size__tile_overlayer_lowered;
	s6 =	simm.s32 $_tile_overlayer_lowered  }
0x9b: {  	s22 =	simm.s32 $0x1BFF;
	s21 =	sshll.u32 s6, $0x1;
	s3 =	sadd.s32 s4, s19  }
0x9c: {  	s7 =	simm.s32 $0x0;
	s20 =	sshll.u32 s5, $0x1;
	s5 =	sadd.s32 s21, s3  }
0x9d: {  	[timem:s7], [sflag:s22] =	dma.local [hbm:s5], s20  }
0x9e: {  	_ =	swait.ge [sflag:s22], s20  }
0x9f: {  	s4 =	ssub.s32 $0x0, s20;
	[sflag:s22] =	ssyncset.done $0x0  }
0xa0: {  	[sflag:s22] =	ssyncadd.s32 s4;
	_ =	sdelay $0x1  }
0xa1: {  	s23 =	simm.s32 $0x1B8B  }
0xa2: {  	_ =	swait.ge [sflag:s23], $0x1  }
0xa3: {  	[sflag:s23] =	ssyncset.done $0x0  }
0xa4: {  	s25 =	simm.s32 $0x1B8E;
	s24 =	sld [smem:$0x3FFE];
	[sflag:s23] =	ssyncadd.s32 $0xFFFFFFFF  }
0xa5: {  	s26 =	simm.s32 $execute0_lowered;
	[smem:$0x3FD2] =	sst s25  }
0xa6: {  	s5 =	sshll.u32 s26, $0x1;
	_ =	strace $0x80000046;
	[dreg:$0x1] =	wrdreg $0xFFFFFFFF  }
0xa7: {  	s28 =	simm.s32 $_size_execute0_lowered;
	s3 =	sadd.s32 s3, s5;
	[dreg:$0x0] =	wrdreg $0x0  }
0xa8: {  	s5 =	sshll.u32 s28, $0x1;
	[dreg:$0x2] =	wrdreg s3  }
0xa9: {  	[dreg:$0x3] =	wrdreg s5  }
0xaa: {  	[dreg:$0x4] =	wrdreg $0xC0  }
0xab: {  	_ =	task [dreg:s7], $0x5FFFF  }
0xac: {  	[dreg:$0x1] =	wrdreg $0xFFFFFFFF  }
0xad: {  	[dreg:$0x0] =	wrdreg $0x60  }
0xae: {  	[dreg:$0x2] =	wrdreg s2  }
0xaf: {  	[dreg:$0x3] =	wrdreg s24  }
0xb0: {  	[dreg:$0x4] =	wrdreg $0x9  }
0xb1: {  	_ =	task.clear_ibuf [dreg:s7], $0x5FFFF;
	_ =	strace $0x90000046  }
0xb2: {  	s29 =	simm.s32 $0x9;
	_ =	strace $0x80000048  }
0xb3: {  	_ =	swait.ge [sflag:s29], $0x1  }
0xb4: {  	[sflag:s29] =	ssyncadd.s32 $0xFFFFFFFF  }
0xb5: {  	_ =	strace $0x90000048  }
0xb6: {  	_ =	sfence  }
0xb7: {  	s30 =	sld [smem:$0x0];
	_ =	sdelay $0x2  }
0xb8: {  	s31 =	sshll.u32 s1, $0xD;
	s1 =	sshrl.u32 s1, $0x2  }
0xb9: {  	s3 =	sand.u32 $0x4000, s31;
	s1 =	sadd.s32 s1, s30  }
0xba: {  	s0 =	sor.u32 s3, s0;
	s1 =	sshll.u32 s1, $0x11  }
0xbb: {  	s0 =	sor.u32 s1, s0  }
0xbc: {  	s0 =	sadd.s32 $0x8F2B, s0  }
0xbd: {  	[sflag:s0] =	ssyncadd.remote.s32 $0x1  }
0xbe: {  	_ =	sfence.sel $0xFFFF  }
0xbf: {  	[dreg:$0x0] =	wrdreg $0xFFFFFFFF;
	(pc) =	sbr.abs _section_cstart, $3  }
0xc0: {  	[dreg:$0x1] =	wrdreg $0xFFFFFFFF  }
0xc1: {  	_ =	task.clear_ibuf [dreg:s7], $0x2FFFF;
	_ =	strace $0x9FFFFFFF  }
0xc2: {  	(tm) =	ssettm $0x7FFFFFFF  }
0xc3: {  	_ =	shalt  }
tec
execute0_lowered:
.L_overlay_start_1:
0x0: {  	(tag) =	ssettag $0x1  }
0x1: {  	s0 =	rddreg [dreg:$0x0];
	s1 =	srdreg.scid  }
0x2: {  	s2 =	stileid.u32;
	s4 =	rddreg [dreg:$0x1];
	s31 =	simm.s32 $0x200  }
0x3: {  	s1 =	sand.u32 $0x1, s1;
	s3 =	sshll.u32 s2, $0x1;
	s2 =	simm.s32 $0x0  }
0x4: {  	s13 =	simm.s32 $0x3;
	s3 =	sor.u32 s1, s3;
	[smem:$0x7FF] =	sst s2  }
0x5: {  	s1 =	ssub.s32 $0x2, s1;
	s5 =	sshll.u32 s3, $0x6;
	s6 =	smul.u32 $0x6000, s3  }
0x6: {  	_ =	strace $0x80000047;
	s8 =	smul.u32 $0x30000, s3;
	s5 =	sadd.s32 s5, s4  }
0x7: {  	s3 =	sadd.s32 $0x23800, s4;
	[dreg:$0x8] =	wrdreg s31;
	s7 =	sadd.s32 $0x22800, s5  }
0x8: {  	s9 =	sshrl.u32 s1, $0x1;
	s5 =	sadd.s32 $0x23000, s5;
	[dreg:$0x3] =	wrdreg s7  }
0x9: {  	s28 =	sadd.s32 s0, s6;
	s29 =	sshrl.u32 s8, $0x3;
	[dreg:$0x4] =	wrdreg s5  }
0xa: {  	[dreg:$0x9] =	wrdreg s28;
	s30 =	sadd.s32 $0x1800, s28;
	s0 =	sadd.s32 s0, s29  }
0xb: {  	v2 =	vlaneseq.u32;
	s1 =	ssub.s32 s1, s9;
	[dreg:$0x5] =	wrdreg s30;
	s6 =	sadd.s32 $0x3000, s0  }
0xc: {  	vm0 =	vmmov $0xffff;
	v1 =	vshrl.u32 v2, $0x3;
	s1 =	smax.u32 s1, $0x1;
	s0 =	sadd.s32 $0x4800, s0;
	[dreg:$0x6] =	wrdreg s6  }
0xd: {  	v0 =	vand.u32 $0x7, v2;
	v2 =	vor.u32 $0x8, v2;
	v1 =	vmul.u32 $0x8, v1;
	s5 =	sadd.s32 $0x23900, s4;
	s6 =	sadd.s32 $0x23A00, s4;
	[dreg:$0x7] =	wrdreg s0  }
.LBB2_1:
0xe: {  	[dreg:$0xa] =	wrdreg s1  }
0xf: {  	s18 =	rddreg [dreg:$0x3];
	s0 =	simm.s32 $0x4  }
0x10: {  	[tilespmem:s2], [sflag:$0x4] =	stream.linear.gather [hbm4b:s18+s2], $0x200, $0x38;
	[tilespmem:$0x18400] =	vst v63  }
0x11: {  	_ =	swait.ge [sflag:s0], $0x200  }
0x12: {  	s30 =	rddreg [dreg:$0x4];
	[sflag:s0] =	ssyncset.done $0x0  }
0x13: {  	s19 =	rddreg [dreg:$0x8];
	[sflag:s0] =	ssyncadd.s32 $0xFFFFFE00  }
0x14: {  	[tilespmem:s19], [sflag:$0x4] =	stream.linear.gather [hbm4b:s30+s2], $0x200, $0x38;
	[tilespmem:$0x18400] =	vst v63  }
0x15: {  	_ =	swait.ge [sflag:s0], $0x200  }
0x16: {  	[sflag:s0] =	ssyncset.done $0x0  }
0x17: {  	s1 =	simm.s32 $0x400;
	[sflag:s0] =	ssyncadd.s32 $0xFFFFFE00;
	s0 =	rddreg [dreg:$0x9]  }
0x18: {  	[tilespmem:s1], [sflag:$0x1] =	stream.linear.gather [hbm4b:s0+s2], $0xC000, $0x38;
	[tilespmem:$0x18400] =	vst v63  }
0x19: {  	s7 =	simm.s32 $0xC400;
	s14 =	simm.s32 $0x1;
	s31 =	rddreg [dreg:$0x5]  }
0x1a: {  	[tilespmem:s7], [sflag:$0x2] =	stream.linear.gather [hbm4b:s31+s2], $0xC000, $0x38;
	[tilespmem:$0x18400] =	vst v63  }
0x1b: {  	_ =	swait.ge [sflag:s14], $0xC000  }
0x1c: {  	[sflag:s14] =	ssyncset.done $0x0  }
0x1d: {  	[sflag:s14] =	ssyncadd.s32 $0xFFFF4000  }
0x1e: {  	v3 =	vld [tilespmem:$0x0];
	_ =	sdelay $0x4  }
0x1f: {  	v4 =	vshrl.u32 v3, $0x3  }
0x20: {  	v4 =	vmul.u32 $0x30, v4  }
0x21: {  	v3 =	vand.u32 $0x7, v3  }
0x22: {  	v3 =	vor.u32 v3, v4  }
0x23: {  	v4 =	vperm.xlane v3, v0;
	_ =	sdelay $0x1  }
0x24: {  	v4 =	vadd.s32 v1, v4;
	_ =	sdelay $0x3  }
0x25: {  	s4 =	simm.s32 $0x400;
	v3 =	vperm.xlane v3, v2  }
0x26: {  	[hbm4b:s3+s2] =	stream.indirect_vreg.scatter [tilespmem:s4], [sflag:$0x3], $0x80, v4, vm0, $0xb8;
	[tilespmem:$0x18400] =	vst v63  }
0x27: {  	s8 =	simm.s32 $0xC00;
	v3 =	vadd.s32 v1, v3  }
0x28: {  	[hbm4b:s5+s2] =	stream.indirect_vreg.scatter [tilespmem:s8], [sflag:$0x3], $0x80, v4, vm0, $0xb8;
	[tilespmem:$0x18400] =	vst v63  }
0x29: {  	s9 =	simm.s32 $0x1400  }
0x2a: {  	[hbm4b:s6+s2] =	stream.indirect_vreg.scatter [tilespmem:s9], [sflag:$0x3], $0x80, v4, vm0, $0xb8;
	[tilespmem:$0x18400] =	vst v63  }
0x2b: {  	s10 =	simm.s32 $0x1C00  }
0x2c: {  	[hbm4b:s3+s2] =	stream.indirect_vreg.scatter [tilespmem:s10], [sflag:$0x3], $0x80, v3, vm0, $0xb8;
	[tilespmem:$0x18400] =	vst v63  }
0x2d: {  	s11 =	simm.s32 $0x2400  }
0x2e: {  	[hbm4b:s5+s2] =	stream.indirect_vreg.scatter [tilespmem:s11], [sflag:$0x3], $0x80, v3, vm0, $0xb8;
	[tilespmem:$0x18400] =	vst v63  }
0x2f: {  	s12 =	simm.s32 $0x2C00  }
0x30: {  	[hbm4b:s6+s2] =	stream.indirect_vreg.scatter [tilespmem:s12], [sflag:$0x3], $0x80, v3, vm0, $0xb8;
	[tilespmem:$0x18400] =	vst v63  }
0x31: {  	v3 =	vld [tilespmem:$0x10];
	_ =	sdelay $0x4  }
0x32: {  	v33 =	vshrl.u32 v3, $0x3  }
0x33: {  	v4 =	vmul.u32 $0x30, v33  }
0x34: {  	v3 =	vand.u32 $0x7, v3  }
0x35: {  	v3 =	vor.u32 v3, v4  }
0x36: {  	v4 =	vperm.xlane v3, v0;
	_ =	sdelay $0x1  }
0x37: {  	v4 =	vadd.s32 v1, v4;
	_ =	sdelay $0x3  }
0x38: {  	s15 =	simm.s32 $0x3400;
	v3 =	vperm.xlane v3, v2  }
0x39: {  	[hbm4b:s3+s2] =	stream.indirect_vreg.scatter [tilespmem:s15], [sflag:$0x3], $0x80, v4, vm0, $0xb8;
	[tilespmem:$0x18400] =	vst v63  }
0x3a: {  	s16 =	simm.s32 $0x3C00;
	v3 =	vadd.s32 v1, v3  }
0x3b: {  	[hbm4b:s5+s2] =	stream.indirect_vreg.scatter [tilespmem:s16], [sflag:$0x3], $0x80, v4, vm0, $0xb8;
	[tilespmem:$0x18400] =	vst v63  }
0x3c: {  	s17 =	simm.s32 $0x4400  }
0x3d: {  	[hbm4b:s6+s2] =	stream.indirect_vreg.scatter [tilespmem:s17], [sflag:$0x3], $0x80, v4, vm0, $0xb8;
	[tilespmem:$0x18400] =	vst v63  }
0x3e: {  	s18 =	simm.s32 $0x4C00  }
0x3f: {  	[hbm4b:s3+s2] =	stream.indirect_vreg.scatter [tilespmem:s18], [sflag:$0x3], $0x80, v3, vm0, $0xb8;
	[tilespmem:$0x18400] =	vst v63  }
0x40: {  	s19 =	simm.s32 $0x5400  }
0x41: {  	[hbm4b:s5+s2] =	stream.indirect_vreg.scatter [tilespmem:s19], [sflag:$0x3], $0x80, v3, vm0, $0xb8;
	[tilespmem:$0x18400] =	vst v63  }
0x42: {  	s20 =	simm.s32 $0x5C00  }
0x43: {  	[hbm4b:s6+s2] =	stream.indirect_vreg.scatter [tilespmem:s20], [sflag:$0x3], $0x80, v3, vm0, $0xb8;
	[tilespmem:$0x18400] =	vst v63  }
0x44: {  	v3 =	vld [tilespmem:$0x20];
	_ =	sdelay $0x4  }
0x45: {  	v34 =	vshrl.u32 v3, $0x3  }
0x46: {  	v4 =	vmul.u32 $0x30, v34  }
0x47: {  	v3 =	vand.u32 $0x7, v3  }
0x48: {  	v3 =	vor.u32 v3, v4  }
0x49: {  	v4 =	vperm.xlane v3, v0;
	_ =	sdelay $0x1  }
0x4a: {  	v4 =	vadd.s32 v1, v4;
	_ =	sdelay $0x3  }
0x4b: {  	s21 =	simm.s32 $0x6400;
	v3 =	vperm.xlane v3, v2  }
0x4c: {  	[hbm4b:s3+s2] =	stream.indirect_vreg.scatter [tilespmem:s21], [sflag:$0x3], $0x80, v4, vm0, $0xb8;
	[tilespmem:$0x18400] =	vst v63  }
0x4d: {  	s22 =	simm.s32 $0x6C00;
	v3 =	vadd.s32 v1, v3  }
0x4e: {  	[hbm4b:s5+s2] =	stream.indirect_vreg.scatter [tilespmem:s22], [sflag:$0x3], $0x80, v4, vm0, $0xb8;
	[tilespmem:$0x18400] =	vst v63  }
0x4f: {  	s23 =	simm.s32 $0x7400  }
0x50: {  	[hbm4b:s6+s2] =	stream.indirect_vreg.scatter [tilespmem:s23], [sflag:$0x3], $0x80, v4, vm0, $0xb8;
	[tilespmem:$0x18400] =	vst v63  }
0x51: {  	s24 =	simm.s32 $0x7C00  }
0x52: {  	[hbm4b:s3+s2] =	stream.indirect_vreg.scatter [tilespmem:s24], [sflag:$0x3], $0x80, v3, vm0, $0xb8;
	[tilespmem:$0x18400] =	vst v63  }
0x53: {  	s30 =	simm.s32 $0x8400  }
0x54: {  	[hbm4b:s5+s2] =	stream.indirect_vreg.scatter [tilespmem:s30], [sflag:$0x3], $0x80, v3, vm0, $0xb8;
	[tilespmem:$0x18400] =	vst v63  }
0x55: {  	s31 =	simm.s32 $0x8C00  }
0x56: {  	[hbm4b:s6+s2] =	stream.indirect_vreg.scatter [tilespmem:s31], [sflag:$0x3], $0x80, v3, vm0, $0xb8;
	[tilespmem:$0x18400] =	vst v63  }
0x57: {  	v3 =	vld [tilespmem:$0x30];
	_ =	sdelay $0x4  }
0x58: {  	v35 =	vshrl.u32 v3, $0x3  }
0x59: {  	v4 =	vmul.u32 $0x30, v35  }
0x5a: {  	v3 =	vand.u32 $0x7, v3  }
0x5b: {  	v3 =	vor.u32 v3, v4  }
0x5c: {  	v4 =	vperm.xlane v3, v0;
	_ =	sdelay $0x1  }
0x5d: {  	v4 =	vadd.s32 v1, v4;
	_ =	sdelay $0x3  }
0x5e: {  	s10 =	simm.s32 $0x9400;
	v3 =	vperm.xlane v3, v2  }
0x5f: {  	[hbm4b:s3+s2] =	stream.indirect_vreg.scatter [tilespmem:s10], [sflag:$0x3], $0x80, v4, vm0, $0xb8;
	[tilespmem:$0x18400] =	vst v63  }
0x60: {  	s21 =	simm.s32 $0x9C00;
	v3 =	vadd.s32 v1, v3  }
0x61: {  	[hbm4b:s5+s2] =	stream.indirect_vreg.scatter [tilespmem:s21], [sflag:$0x3], $0x80, v4, vm0, $0xb8;
	[tilespmem:$0x18400] =	vst v63  }
0x62: {  	s22 =	simm.s32 $0xA400  }
0x63: {  	[hbm4b:s6+s2] =	stream.indirect_vreg.scatter [tilespmem:s22], [sflag:$0x3], $0x80, v4, vm0, $0xb8;
	[tilespmem:$0x18400] =	vst v63  }
0x64: {  	s23 =	simm.s32 $0xAC00  }
0x65: {  	[hbm4b:s3+s2] =	stream.indirect_vreg.scatter [tilespmem:s23], [sflag:$0x3], $0x80, v3, vm0, $0xb8;
	[tilespmem:$0x18400] =	vst v63  }
0x66: {  	s24 =	simm.s32 $0xB400  }
0x67: {  	[hbm4b:s5+s2] =	stream.indirect_vreg.scatter [tilespmem:s24], [sflag:$0x3], $0x80, v3, vm0, $0xb8;
	[tilespmem:$0x18400] =	vst v63  }
0x68: {  	s10 =	simm.s32 $0xBC00  }
0x69: {  	[hbm4b:s6+s2] =	stream.indirect_vreg.scatter [tilespmem:s10], [sflag:$0x3], $0x80, v3, vm0, $0xb8;
	[tilespmem:$0x18400] =	vst v63  }
0x6a: {  	v3 =	vld [tilespmem:$0x200];
	_ =	sdelay $0x4  }
0x6b: {  	v36 =	vshrl.u32 v3, $0x3  }
0x6c: {  	v4 =	vmul.u32 $0x30, v36  }
0x6d: {  	v3 =	vand.u32 $0x7, v3  }
0x6e: {  	v3 =	vor.u32 v3, v4  }
0x6f: {  	v4 =	vperm.xlane v3, v0;
	_ =	sdelay $0x1  }
0x70: {  	v4 =	vadd.s32 v1, v4;
	_ =	sdelay $0x3  }
0x71: {  	s7 =	simm.s32 $0x400;
	v3 =	vperm.xlane v3, v2  }
0x72: {  	[hbm4b:s3+s2] =	stream.indirect_vreg.scatter [tilespmem:s7], [sflag:$0x3], $0x80, v4, vm0, $0xb8;
	[tilespmem:$0x18400] =	vst v63  }
0x73: {  	s1 =	simm.s32 $0xC00;
	v3 =	vadd.s32 v1, v3  }
0x74: {  	[hbm4b:s5+s2] =	stream.indirect_vreg.scatter [tilespmem:s1], [sflag:$0x3], $0x80, v4, vm0, $0xb8;
	[tilespmem:$0x18400] =	vst v63  }
0x75: {  	s4 =	simm.s32 $0x1400  }
0x76: {  	[hbm4b:s6+s2] =	stream.indirect_vreg.scatter [tilespmem:s4], [sflag:$0x3], $0x80, v4, vm0, $0xb8;
	[tilespmem:$0x18400] =	vst v63  }
0x77: {  	s8 =	simm.s32 $0x1C00  }
0x78: {  	[hbm4b:s3+s2] =	stream.indirect_vreg.scatter [tilespmem:s8], [sflag:$0x3], $0x80, v3, vm0, $0xb8;
	[tilespmem:$0x18400] =	vst v63  }
0x79: {  	s9 =	simm.s32 $0x2400  }
0x7a: {  	[hbm4b:s5+s2] =	stream.indirect_vreg.scatter [tilespmem:s9], [sflag:$0x3], $0x80, v3, vm0, $0xb8;
	[tilespmem:$0x18400] =	vst v63  }
0x7b: {  	s25 =	simm.s32 $0x2C00  }
0x7c: {  	[hbm4b:s6+s2] =	stream.indirect_vreg.scatter [tilespmem:s25], [sflag:$0x3], $0x80, v3, vm0, $0xb8;
	[tilespmem:$0x18400] =	vst v63  }
0x7d: {  	v3 =	vld [tilespmem:$0x210];
	_ =	sdelay $0x4  }
0x7e: {  	v37 =	vshrl.u32 v3, $0x3  }
0x7f: {  	v4 =	vmul.u32 $0x30, v37  }
0x80: {  	v3 =	vand.u32 $0x7, v3  }
0x81: {  	v3 =	vor.u32 v3, v4  }
0x82: {  	v4 =	vperm.xlane v3, v0;
	_ =	sdelay $0x1  }
0x83: {  	v4 =	vadd.s32 v1, v4;
	_ =	sdelay $0x3  }
0x84: {  	s26 =	simm.s32 $0x3400;
	v3 =	vperm.xlane v3, v2  }
0x85: {  	[hbm4b:s3+s2] =	stream.indirect_vreg.scatter [tilespmem:s26], [sflag:$0x3], $0x80, v4, vm0, $0xb8;
	[tilespmem:$0x18400] =	vst v63  }
0x86: {  	s11 =	simm.s32 $0x3C00;
	v3 =	vadd.s32 v1, v3  }
0x87: {  	[hbm4b:s5+s2] =	stream.indirect_vreg.scatter [tilespmem:s11], [sflag:$0x3], $0x80, v4, vm0, $0xb8;
	[tilespmem:$0x18400] =	vst v63  }
0x88: {  	s12 =	simm.s32 $0x4400  }
0x89: {  	[hbm4b:s6+s2] =	stream.indirect_vreg.scatter [tilespmem:s12], [sflag:$0x3], $0x80, v4, vm0, $0xb8;
	[tilespmem:$0x18400] =	vst v63  }
0x8a: {  	s15 =	simm.s32 $0x4C00  }
0x8b: {  	[hbm4b:s3+s2] =	stream.indirect_vreg.scatter [tilespmem:s15], [sflag:$0x3], $0x80, v3, vm0, $0xb8;
	[tilespmem:$0x18400] =	vst v63  }
0x8c: {  	s16 =	simm.s32 $0x5400  }
0x8d: {  	[hbm4b:s5+s2] =	stream.indirect_vreg.scatter [tilespmem:s16], [sflag:$0x3], $0x80, v3, vm0, $0xb8;
	[tilespmem:$0x18400] =	vst v63  }
0x8e: {  	s28 =	simm.s32 $0x5C00  }
0x8f: {  	[hbm4b:s6+s2] =	stream.indirect_vreg.scatter [tilespmem:s28], [sflag:$0x3], $0x80, v3, vm0, $0xb8;
	[tilespmem:$0x18400] =	vst v63  }
0x90: {  	v3 =	vld [tilespmem:$0x220];
	_ =	sdelay $0x4  }
0x91: {  	v38 =	vshrl.u32 v3, $0x3  }
0x92: {  	v4 =	vmul.u32 $0x30, v38  }
0x93: {  	v3 =	vand.u32 $0x7, v3  }
0x94: {  	v3 =	vor.u32 v3, v4  }
0x95: {  	v4 =	vperm.xlane v3, v0;
	_ =	sdelay $0x1  }
0x96: {  	v4 =	vadd.s32 v1, v4;
	_ =	sdelay $0x3  }
0x97: {  	s29 =	simm.s32 $0x6400;
	v3 =	vperm.xlane v3, v2  }
0x98: {  	[hbm4b:s3+s2] =	stream.indirect_vreg.scatter [tilespmem:s29], [sflag:$0x3], $0x80, v4, vm0, $0xb8;
	[tilespmem:$0x18400] =	vst v63  }
0x99: {  	s17 =	simm.s32 $0x6C00;
	v3 =	vadd.s32 v1, v3  }
0x9a: {  	[hbm4b:s5+s2] =	stream.indirect_vreg.scatter [tilespmem:s17], [sflag:$0x3], $0x80, v4, vm0, $0xb8;
	[tilespmem:$0x18400] =	vst v63  }
0x9b: {  	s18 =	simm.s32 $0x7400  }
0x9c: {  	[hbm4b:s6+s2] =	stream.indirect_vreg.scatter [tilespmem:s18], [sflag:$0x3], $0x80, v4, vm0, $0xb8;
	[tilespmem:$0x18400] =	vst v63  }
0x9d: {  	s19 =	simm.s32 $0x7C00  }
0x9e: {  	[hbm4b:s3+s2] =	stream.indirect_vreg.scatter [tilespmem:s19], [sflag:$0x3], $0x80, v3, vm0, $0xb8;
	[tilespmem:$0x18400] =	vst v63  }
0x9f: {  	s20 =	simm.s32 $0x8400  }
0xa0: {  	[hbm4b:s5+s2] =	stream.indirect_vreg.scatter [tilespmem:s20], [sflag:$0x3], $0x80, v3, vm0, $0xb8;
	[tilespmem:$0x18400] =	vst v63  }
0xa1: {  	s30 =	simm.s32 $0x8C00  }
0xa2: {  	[hbm4b:s6+s2] =	stream.indirect_vreg.scatter [tilespmem:s30], [sflag:$0x3], $0x80, v3, vm0, $0xb8;
	[tilespmem:$0x18400] =	vst v63  }
0xa3: {  	v3 =	vld [tilespmem:$0x230];
	_ =	sdelay $0x4  }
0xa4: {  	v39 =	vshrl.u32 v3, $0x3  }
0xa5: {  	v4 =	vmul.u32 $0x30, v39  }
0xa6: {  	v3 =	vand.u32 $0x7, v3  }
0xa7: {  	v3 =	vor.u32 v3, v4  }
0xa8: {  	v4 =	vperm.xlane v3, v0;
	_ =	sdelay $0x1  }
0xa9: {  	v4 =	vadd.s32 v1, v4;
	_ =	sdelay $0x3  }
0xaa: {  	s31 =	simm.s32 $0x9400;
	v3 =	vperm.xlane v3, v2  }
0xab: {  	[hbm4b:s3+s2] =	stream.indirect_vreg.scatter [tilespmem:s31], [sflag:$0x3], $0x80, v4, vm0, $0xb8;
	[tilespmem:$0x18400] =	vst v63  }
0xac: {  	s21 =	simm.s32 $0x9C00;
	v3 =	vadd.s32 v1, v3  }
0xad: {  	[hbm4b:s5+s2] =	stream.indirect_vreg.scatter [tilespmem:s21], [sflag:$0x3], $0x80, v4, vm0, $0xb8;
	[tilespmem:$0x18400] =	vst v63  }
0xae: {  	s22 =	simm.s32 $0xA400  }
0xaf: {  	[hbm4b:s6+s2] =	stream.indirect_vreg.scatter [tilespmem:s22], [sflag:$0x3], $0x80, v4, vm0, $0xb8;
	[tilespmem:$0x18400] =	vst v63  }
0xb0: {  	s23 =	simm.s32 $0xAC00  }
0xb1: {  	[hbm4b:s3+s2] =	stream.indirect_vreg.scatter [tilespmem:s23], [sflag:$0x3], $0x80, v3, vm0, $0xb8;
	[tilespmem:$0x18400] =	vst v63  }
0xb2: {  	s24 =	simm.s32 $0xB400  }
0xb3: {  	[hbm4b:s5+s2] =	stream.indirect_vreg.scatter [tilespmem:s24], [sflag:$0x3], $0x80, v3, vm0, $0xb8;
	[tilespmem:$0x18400] =	vst v63  }
0xb4: {  	s10 =	simm.s32 $0xBC00  }
0xb5: {  	[hbm4b:s6+s2] =	stream.indirect_vreg.scatter [tilespmem:s10], [sflag:$0x3], $0x80, v3, vm0, $0xb8;
	[tilespmem:$0x18400] =	vst v63  }
0xb6: {  	_ =	swait.ge [sflag:s13], $0xC000  }
0xb7: {  	[sflag:s13] =	ssyncset.done $0x0  }
0xb8: {  	[sflag:s13] =	ssyncadd.s32 $0xFFFF4000  }
0xb9: {  	_ =	swait.ge [sflag:s13], $0xC000  }
0xba: {  	[sflag:s13] =	ssyncset.done $0x0  }
0xbb: {  	s30 =	simm.s32 $0x2;
	s4 =	rddreg [dreg:$0x6];
	[sflag:s13] =	ssyncadd.s32 $0xFFFF4000  }
0xbc: {  	[tilespmem:s7], [sflag:$0x1] =	stream.linear.gather [hbm4b:s4+s2], $0xC000, $0x38;
	[tilespmem:$0x18400] =	vst v63  }
0xbd: {  	_ =	swait.ge [sflag:s30], $0xC000  }
0xbe: {  	[sflag:s30] =	ssyncset.done $0x0  }
0xbf: {  	[sflag:s30] =	ssyncadd.s32 $0xFFFF4000  }
0xc0: {  	v3 =	vld [tilespmem:$0x80];
	_ =	sdelay $0x4  }
0xc1: {  	v40 =	vshrl.u32 v3, $0x3  }
0xc2: {  	v4 =	vmul.u32 $0x30, v40  }
0xc3: {  	v3 =	vand.u32 $0x7, v3  }
0xc4: {  	v3 =	vor.u32 v3, v4  }
0xc5: {  	v4 =	vperm.xlane v3, v0;
	_ =	sdelay $0x1  }
0xc6: {  	v4 =	vadd.s32 v1, v4;
	_ =	sdelay $0x3  }
0xc7: {  	s18 =	simm.s32 $0xC400;
	v3 =	vperm.xlane v3, v2  }
0xc8: {  	[hbm4b:s3+s2] =	stream.indirect_vreg.scatter [tilespmem:s18], [sflag:$0x3], $0x80, v4, vm0, $0xb8;
	[tilespmem:$0x18400] =	vst v63  }
0xc9: {  	s7 =	simm.s32 $0xCC00;
	v3 =	vadd.s32 v1, v3  }
0xca: {  	[hbm4b:s5+s2] =	stream.indirect_vreg.scatter [tilespmem:s7], [sflag:$0x3], $0x80, v4, vm0, $0xb8;
	[tilespmem:$0x18400] =	vst v63  }
0xcb: {  	s8 =	simm.s32 $0xD400  }
0xcc: {  	[hbm4b:s6+s2] =	stream.indirect_vreg.scatter [tilespmem:s8], [sflag:$0x3], $0x80, v4, vm0, $0xb8;
	[tilespmem:$0x18400] =	vst v63  }
0xcd: {  	s9 =	simm.s32 $0xDC00  }
0xce: {  	[hbm4b:s3+s2] =	stream.indirect_vreg.scatter [tilespmem:s9], [sflag:$0x3], $0x80, v3, vm0, $0xb8;
	[tilespmem:$0x18400] =	vst v63  }
0xcf: {  	s10 =	simm.s32 $0xE400  }
0xd0: {  	[hbm4b:s5+s2] =	stream.indirect_vreg.scatter [tilespmem:s10], [sflag:$0x3], $0x80, v3, vm0, $0xb8;
	[tilespmem:$0x18400] =	vst v63  }
0xd1: {  	s11 =	simm.s32 $0xEC00  }
0xd2: {  	[hbm4b:s6+s2] =	stream.indirect_vreg.scatter [tilespmem:s11], [sflag:$0x3], $0x80, v3, vm0, $0xb8;
	[tilespmem:$0x18400] =	vst v63  }
0xd3: {  	v3 =	vld [tilespmem:$0x90];
	_ =	sdelay $0x4  }
0xd4: {  	v41 =	vshrl.u32 v3, $0x3  }
0xd5: {  	v4 =	vmul.u32 $0x30, v41  }
0xd6: {  	v3 =	vand.u32 $0x7, v3  }
0xd7: {  	v3 =	vor.u32 v3, v4  }
0xd8: {  	v4 =	vperm.xlane v3, v0;
	_ =	sdelay $0x1  }
0xd9: {  	v4 =	vadd.s32 v1, v4;
	_ =	sdelay $0x3  }
0xda: {  	s12 =	simm.s32 $0xF400;
	v3 =	vperm.xlane v3, v2  }
0xdb: {  	[hbm4b:s3+s2] =	stream.indirect_vreg.scatter [tilespmem:s12], [sflag:$0x3], $0x80, v4, vm0, $0xb8;
	[tilespmem:$0x18400] =	vst v63  }
0xdc: {  	s15 =	simm.s32 $0xFC00;
	v3 =	vadd.s32 v1, v3  }
0xdd: {  	[hbm4b:s5+s2] =	stream.indirect_vreg.scatter [tilespmem:s15], [sflag:$0x3], $0x80, v4, vm0, $0xb8;
	[tilespmem:$0x18400] =	vst v63  }
0xde: {  	s16 =	simm.s32 $0x10400  }
0xdf: {  	[hbm4b:s6+s2] =	stream.indirect_vreg.scatter [tilespmem:s16], [sflag:$0x3], $0x80, v4, vm0, $0xb8;
	[tilespmem:$0x18400] =	vst v63  }
0xe0: {  	s17 =	simm.s32 $0x10C00  }
0xe1: {  	[hbm4b:s3+s2] =	stream.indirect_vreg.scatter [tilespmem:s17], [sflag:$0x3], $0x80, v3, vm0, $0xb8;
	[tilespmem:$0x18400] =	vst v63  }
0xe2: {  	s19 =	simm.s32 $0x11400  }
0xe3: {  	[hbm4b:s5+s2] =	stream.indirect_vreg.scatter [tilespmem:s19], [sflag:$0x3], $0x80, v3, vm0, $0xb8;
	[tilespmem:$0x18400] =	vst v63  }
0xe4: {  	s20 =	simm.s32 $0x11C00  }
0xe5: {  	[hbm4b:s6+s2] =	stream.indirect_vreg.scatter [tilespmem:s20], [sflag:$0x3], $0x80, v3, vm0, $0xb8;
	[tilespmem:$0x18400] =	vst v63  }
0xe6: {  	v3 =	vld [tilespmem:$0xA0];
	_ =	sdelay $0x4  }
0xe7: {  	v42 =	vshrl.u32 v3, $0x3  }
0xe8: {  	v4 =	vmul.u32 $0x30, v42  }
0xe9: {  	v3 =	vand.u32 $0x7, v3  }
0xea: {  	v3 =	vor.u32 v3, v4  }
0xeb: {  	v4 =	vperm.xlane v3, v0;
	_ =	sdelay $0x1  }
0xec: {  	v4 =	vadd.s32 v1, v4;
	_ =	sdelay $0x3  }
0xed: {  	s21 =	simm.s32 $0x12400;
	v3 =	vperm.xlane v3, v2  }
0xee: {  	[hbm4b:s3+s2] =	stream.indirect_vreg.scatter [tilespmem:s21], [sflag:$0x3], $0x80, v4, vm0, $0xb8;
	[tilespmem:$0x18400] =	vst v63  }
0xef: {  	s22 =	simm.s32 $0x12C00;
	v3 =	vadd.s32 v1, v3  }
0xf0: {  	[hbm4b:s5+s2] =	stream.indirect_vreg.scatter [tilespmem:s22], [sflag:$0x3], $0x80, v4, vm0, $0xb8;
	[tilespmem:$0x18400] =	vst v63  }
0xf1: {  	s23 =	simm.s32 $0x13400  }
0xf2: {  	[hbm4b:s6+s2] =	stream.indirect_vreg.scatter [tilespmem:s23], [sflag:$0x3], $0x80, v4, vm0, $0xb8;
	[tilespmem:$0x18400] =	vst v63  }
0xf3: {  	s24 =	simm.s32 $0x13C00  }
0xf4: {  	[hbm4b:s3+s2] =	stream.indirect_vreg.scatter [tilespmem:s24], [sflag:$0x3], $0x80, v3, vm0, $0xb8;
	[tilespmem:$0x18400] =	vst v63  }
0xf5: {  	s25 =	simm.s32 $0x14400  }
0xf6: {  	[hbm4b:s5+s2] =	stream.indirect_vreg.scatter [tilespmem:s25], [sflag:$0x3], $0x80, v3, vm0, $0xb8;
	[tilespmem:$0x18400] =	vst v63  }
0xf7: {  	s26 =	simm.s32 $0x14C00  }
0xf8: {  	[hbm4b:s6+s2] =	stream.indirect_vreg.scatter [tilespmem:s26], [sflag:$0x3], $0x80, v3, vm0, $0xb8;
	[tilespmem:$0x18400] =	vst v63  }
0xf9: {  	v3 =	vld [tilespmem:$0xB0];
	_ =	sdelay $0x4  }
0xfa: {  	v43 =	vshrl.u32 v3, $0x3  }
0xfb: {  	v4 =	vmul.u32 $0x30, v43  }
0xfc: {  	v3 =	vand.u32 $0x7, v3  }
0xfd: {  	v3 =	vor.u32 v3, v4  }
0xfe: {  	v4 =	vperm.xlane v3, v0;
	_ =	sdelay $0x1  }
0xff: {  	v4 =	vadd.s32 v1, v4;
	_ =	sdelay $0x3  }
0x100: {  	s28 =	simm.s32 $0x15400;
	v3 =	vperm.xlane v3, v2  }
0x101: {  	[hbm4b:s3+s2] =	stream.indirect_vreg.scatter [tilespmem:s28], [sflag:$0x3], $0x80, v4, vm0, $0xb8;
	[tilespmem:$0x18400] =	vst v63  }
0x102: {  	s29 =	simm.s32 $0x15C00;
	v3 =	vadd.s32 v1, v3  }
0x103: {  	[hbm4b:s5+s2] =	stream.indirect_vreg.scatter [tilespmem:s29], [sflag:$0x3], $0x80, v4, vm0, $0xb8;
	[tilespmem:$0x18400] =	vst v63  }
0x104: {  	s0 =	simm.s32 $0x16400  }
0x105: {  	[hbm4b:s6+s2] =	stream.indirect_vreg.scatter [tilespmem:s0], [sflag:$0x3], $0x80, v4, vm0, $0xb8;
	[tilespmem:$0x18400] =	vst v63  }
0x106: {  	s1 =	simm.s32 $0x16C00  }
0x107: {  	[hbm4b:s3+s2] =	stream.indirect_vreg.scatter [tilespmem:s1], [sflag:$0x3], $0x80, v3, vm0, $0xb8;
	[tilespmem:$0x18400] =	vst v63  }
0x108: {  	s4 =	simm.s32 $0x17400  }
0x109: {  	[hbm4b:s5+s2] =	stream.indirect_vreg.scatter [tilespmem:s4], [sflag:$0x3], $0x80, v3, vm0, $0xb8;
	[tilespmem:$0x18400] =	vst v63  }
0x10a: {  	s0 =	simm.s32 $0x17C00  }
0x10b: {  	[hbm4b:s6+s2] =	stream.indirect_vreg.scatter [tilespmem:s0], [sflag:$0x3], $0x80, v3, vm0, $0xb8;
	[tilespmem:$0x18400] =	vst v63  }
0x10c: {  	v3 =	vld [tilespmem:$0x280];
	_ =	sdelay $0x4  }
0x10d: {  	v44 =	vshrl.u32 v3, $0x3  }
0x10e: {  	v4 =	vmul.u32 $0x30, v44  }
0x10f: {  	v3 =	vand.u32 $0x7, v3  }
0x110: {  	v3 =	vor.u32 v3, v4  }
0x111: {  	v4 =	vperm.xlane v3, v0;
	_ =	sdelay $0x1  }
0x112: {  	v4 =	vadd.s32 v1, v4;
	_ =	sdelay $0x3  }
0x113: {  	v3 =	vperm.xlane v3, v2  }
0x114: {  	[hbm4b:s3+s2] =	stream.indirect_vreg.scatter [tilespmem:s18], [sflag:$0x3], $0x80, v4, vm0, $0xb8;
	[tilespmem:$0x18400] =	vst v63  }
0x115: {  	s31 =	simm.s32 $0xCC00;
	v3 =	vadd.s32 v1, v3  }
0x116: {  	[hbm4b:s5+s2] =	stream.indirect_vreg.scatter [tilespmem:s31], [sflag:$0x3], $0x80, v4, vm0, $0xb8;
	[tilespmem:$0x18400] =	vst v63  }
0x117: {  	s8 =	simm.s32 $0xD400  }
0x118: {  	[hbm4b:s6+s2] =	stream.indirect_vreg.scatter [tilespmem:s8], [sflag:$0x3], $0x80, v4, vm0, $0xb8;
	[tilespmem:$0x18400] =	vst v63  }
0x119: {  	s9 =	simm.s32 $0xDC00  }
0x11a: {  	[hbm4b:s3+s2] =	stream.indirect_vreg.scatter [tilespmem:s9], [sflag:$0x3], $0x80, v3, vm0, $0xb8;
	[tilespmem:$0x18400] =	vst v63  }
0x11b: {  	s10 =	simm.s32 $0xE400  }
0x11c: {  	[hbm4b:s5+s2] =	stream.indirect_vreg.scatter [tilespmem:s10], [sflag:$0x3], $0x80, v3, vm0, $0xb8;
	[tilespmem:$0x18400] =	vst v63  }
0x11d: {  	s7 =	simm.s32 $0xEC00  }
0x11e: {  	[hbm4b:s6+s2] =	stream.indirect_vreg.scatter [tilespmem:s7], [sflag:$0x3], $0x80, v3, vm0, $0xb8;
	[tilespmem:$0x18400] =	vst v63  }
0x11f: {  	v3 =	vld [tilespmem:$0x290];
	_ =	sdelay $0x4  }
0x120: {  	v45 =	vshrl.u32 v3, $0x3  }
0x121: {  	v4 =	vmul.u32 $0x30, v45  }
0x122: {  	v3 =	vand.u32 $0x7, v3  }
0x123: {  	v3 =	vor.u32 v3, v4  }
0x124: {  	v4 =	vperm.xlane v3, v0;
	_ =	sdelay $0x1  }
0x125: {  	v4 =	vadd.s32 v1, v4;
	_ =	sdelay $0x3  }
0x126: {  	s11 =	simm.s32 $0xF400;
	v3 =	vperm.xlane v3, v2  }
0x127: {  	[hbm4b:s3+s2] =	stream.indirect_vreg.scatter [tilespmem:s11], [sflag:$0x3], $0x80, v4, vm0, $0xb8;
	[tilespmem:$0x18400] =	vst v63  }
0x128: {  	s12 =	simm.s32 $0xFC00;
	v3 =	vadd.s32 v1, v3  }
0x129: {  	[hbm4b:s5+s2] =	stream.indirect_vreg.scatter [tilespmem:s12], [sflag:$0x3], $0x80, v4, vm0, $0xb8;
	[tilespmem:$0x18400] =	vst v63  }
0x12a: {  	s15 =	simm.s32 $0x10400  }
0x12b: {  	[hbm4b:s6+s2] =	stream.indirect_vreg.scatter [tilespmem:s15], [sflag:$0x3], $0x80, v4, vm0, $0xb8;
	[tilespmem:$0x18400] =	vst v63  }
0x12c: {  	s16 =	simm.s32 $0x10C00  }
0x12d: {  	[hbm4b:s3+s2] =	stream.indirect_vreg.scatter [tilespmem:s16], [sflag:$0x3], $0x80, v3, vm0, $0xb8;
	[tilespmem:$0x18400] =	vst v63  }
0x12e: {  	s17 =	simm.s32 $0x11400  }
0x12f: {  	[hbm4b:s5+s2] =	stream.indirect_vreg.scatter [tilespmem:s17], [sflag:$0x3], $0x80, v3, vm0, $0xb8;
	[tilespmem:$0x18400] =	vst v63  }
0x130: {  	s19 =	simm.s32 $0x11C00  }
0x131: {  	[hbm4b:s6+s2] =	stream.indirect_vreg.scatter [tilespmem:s19], [sflag:$0x3], $0x80, v3, vm0, $0xb8;
	[tilespmem:$0x18400] =	vst v63  }
0x132: {  	v3 =	vld [tilespmem:$0x2A0];
	_ =	sdelay $0x4  }
0x133: {  	v46 =	vshrl.u32 v3, $0x3  }
0x134: {  	v4 =	vmul.u32 $0x30, v46  }
0x135: {  	v3 =	vand.u32 $0x7, v3  }
0x136: {  	v3 =	vor.u32 v3, v4  }
0x137: {  	v4 =	vperm.xlane v3, v0;
	_ =	sdelay $0x1  }
0x138: {  	v4 =	vadd.s32 v1, v4;
	_ =	sdelay $0x3  }
0x139: {  	s20 =	simm.s32 $0x12400;
	v3 =	vperm.xlane v3, v2  }
0x13a: {  	[hbm4b:s3+s2] =	stream.indirect_vreg.scatter [tilespmem:s20], [sflag:$0x3], $0x80, v4, vm0, $0xb8;
	[tilespmem:$0x18400] =	vst v63  }
0x13b: {  	s21 =	simm.s32 $0x12C00;
	v3 =	vadd.s32 v1, v3  }
0x13c: {  	[hbm4b:s5+s2] =	stream.indirect_vreg.scatter [tilespmem:s21], [sflag:$0x3], $0x80, v4, vm0, $0xb8;
	[tilespmem:$0x18400] =	vst v63  }
0x13d: {  	s22 =	simm.s32 $0x13400  }
0x13e: {  	[hbm4b:s6+s2] =	stream.indirect_vreg.scatter [tilespmem:s22], [sflag:$0x3], $0x80, v4, vm0, $0xb8;
	[tilespmem:$0x18400] =	vst v63  }
0x13f: {  	s23 =	simm.s32 $0x13C00  }
0x140: {  	[hbm4b:s3+s2] =	stream.indirect_vreg.scatter [tilespmem:s23], [sflag:$0x3], $0x80, v3, vm0, $0xb8;
	[tilespmem:$0x18400] =	vst v63  }
0x141: {  	s24 =	simm.s32 $0x14400  }
0x142: {  	[hbm4b:s5+s2] =	stream.indirect_vreg.scatter [tilespmem:s24], [sflag:$0x3], $0x80, v3, vm0, $0xb8;
	[tilespmem:$0x18400] =	vst v63  }
0x143: {  	s25 =	simm.s32 $0x14C00  }
0x144: {  	[hbm4b:s6+s2] =	stream.indirect_vreg.scatter [tilespmem:s25], [sflag:$0x3], $0x80, v3, vm0, $0xb8;
	[tilespmem:$0x18400] =	vst v63  }
0x145: {  	v3 =	vld [tilespmem:$0x2B0];
	_ =	sdelay $0x4  }
0x146: {  	v47 =	vshrl.u32 v3, $0x3  }
0x147: {  	v4 =	vmul.u32 $0x30, v47  }
0x148: {  	v3 =	vand.u32 $0x7, v3  }
0x149: {  	v3 =	vor.u32 v3, v4  }
0x14a: {  	v4 =	vperm.xlane v3, v0;
	_ =	sdelay $0x1  }
0x14b: {  	v4 =	vadd.s32 v1, v4;
	_ =	sdelay $0x3  }
0x14c: {  	s26 =	simm.s32 $0x15400;
	v3 =	vperm.xlane v3, v2  }
0x14d: {  	[hbm4b:s3+s2] =	stream.indirect_vreg.scatter [tilespmem:s26], [sflag:$0x3], $0x80, v4, vm0, $0xb8;
	[tilespmem:$0x18400] =	vst v63  }
0x14e: {  	s28 =	simm.s32 $0x15C00;
	v3 =	vadd.s32 v1, v3  }
0x14f: {  	[hbm4b:s5+s2] =	stream.indirect_vreg.scatter [tilespmem:s28], [sflag:$0x3], $0x80, v4, vm0, $0xb8;
	[tilespmem:$0x18400] =	vst v63  }
0x150: {  	s29 =	simm.s32 $0x16400  }
0x151: {  	[hbm4b:s6+s2] =	stream.indirect_vreg.scatter [tilespmem:s29], [sflag:$0x3], $0x80, v4, vm0, $0xb8;
	[tilespmem:$0x18400] =	vst v63  }
0x152: {  	s31 =	simm.s32 $0x16C00  }
0x153: {  	[hbm4b:s3+s2] =	stream.indirect_vreg.scatter [tilespmem:s31], [sflag:$0x3], $0x80, v3, vm0, $0xb8;
	[tilespmem:$0x18400] =	vst v63  }
0x154: {  	s1 =	simm.s32 $0x17400  }
0x155: {  	[hbm4b:s5+s2] =	stream.indirect_vreg.scatter [tilespmem:s1], [sflag:$0x3], $0x80, v3, vm0, $0xb8;
	[tilespmem:$0x18400] =	vst v63  }
0x156: {  	s0 =	simm.s32 $0x17C00  }
0x157: {  	[hbm4b:s6+s2] =	stream.indirect_vreg.scatter [tilespmem:s0], [sflag:$0x3], $0x80, v3, vm0, $0xb8;
	[tilespmem:$0x18400] =	vst v63  }
0x158: {  	_ =	swait.ge [sflag:s13], $0xC000  }
0x159: {  	[sflag:s13] =	ssyncset.done $0x0  }
0x15a: {  	[sflag:s13] =	ssyncadd.s32 $0xFFFF4000  }
0x15b: {  	_ =	swait.ge [sflag:s13], $0xC000  }
0x15c: {  	[sflag:s13] =	ssyncset.done $0x0  }
0x15d: {  	s18 =	simm.s32 $0xC400;
	s1 =	rddreg [dreg:$0x7];
	[sflag:s13] =	ssyncadd.s32 $0xFFFF4000  }
0x15e: {  	[tilespmem:s18], [sflag:$0x2] =	stream.linear.gather [hbm4b:s1+s2], $0xC000, $0x38;
	[tilespmem:$0x18400] =	vst v63  }
0x15f: {  	_ =	swait.ge [sflag:s14], $0xC000  }
0x160: {  	[sflag:s14] =	ssyncset.done $0x0  }
0x161: {  	[sflag:s14] =	ssyncadd.s32 $0xFFFF4000  }
0x162: {  	v3 =	vld [tilespmem:$0x100];
	_ =	sdelay $0x4  }
0x163: {  	v48 =	vshrl.u32 v3, $0x3  }
0x164: {  	v4 =	vmul.u32 $0x30, v48  }
0x165: {  	v3 =	vand.u32 $0x7, v3  }
0x166: {  	v3 =	vor.u32 v3, v4  }
0x167: {  	v4 =	vperm.xlane v3, v0;
	_ =	sdelay $0x1  }
0x168: {  	v4 =	vadd.s32 v1, v4;
	_ =	sdelay $0x3  }
0x169: {  	s1 =	simm.s32 $0x400;
	v3 =	vperm.xlane v3, v2  }
0x16a: {  	[hbm4b:s3+s2] =	stream.indirect_vreg.scatter [tilespmem:s1], [sflag:$0x3], $0x80, v4, vm0, $0xb8;
	[tilespmem:$0x18400] =	vst v63  }
0x16b: {  	s4 =	simm.s32 $0xC00;
	v3 =	vadd.s32 v1, v3  }
0x16c: {  	[hbm4b:s5+s2] =	stream.indirect_vreg.scatter [tilespmem:s4], [sflag:$0x3], $0x80, v4, vm0, $0xb8;
	[tilespmem:$0x18400] =	vst v63  }
0x16d: {  	s7 =	simm.s32 $0x1400  }
0x16e: {  	[hbm4b:s6+s2] =	stream.indirect_vreg.scatter [tilespmem:s7], [sflag:$0x3], $0x80, v4, vm0, $0xb8;
	[tilespmem:$0x18400] =	vst v63  }
0x16f: {  	s8 =	simm.s32 $0x1C00  }
0x170: {  	[hbm4b:s3+s2] =	stream.indirect_vreg.scatter [tilespmem:s8], [sflag:$0x3], $0x80, v3, vm0, $0xb8;
	[tilespmem:$0x18400] =	vst v63  }
0x171: {  	s9 =	simm.s32 $0x2400  }
0x172: {  	[hbm4b:s5+s2] =	stream.indirect_vreg.scatter [tilespmem:s9], [sflag:$0x3], $0x80, v3, vm0, $0xb8;
	[tilespmem:$0x18400] =	vst v63  }
0x173: {  	s23 =	simm.s32 $0x2C00  }
0x174: {  	[hbm4b:s6+s2] =	stream.indirect_vreg.scatter [tilespmem:s23], [sflag:$0x3], $0x80, v3, vm0, $0xb8;
	[tilespmem:$0x18400] =	vst v63  }
0x175: {  	v3 =	vld [tilespmem:$0x110];
	_ =	sdelay $0x4  }
0x176: {  	v49 =	vshrl.u32 v3, $0x3  }
0x177: {  	v4 =	vmul.u32 $0x30, v49  }
0x178: {  	v3 =	vand.u32 $0x7, v3  }
0x179: {  	v3 =	vor.u32 v3, v4  }
0x17a: {  	v4 =	vperm.xlane v3, v0;
	_ =	sdelay $0x1  }
0x17b: {  	v4 =	vadd.s32 v1, v4;
	_ =	sdelay $0x3  }
0x17c: {  	s24 =	simm.s32 $0x3400;
	v3 =	vperm.xlane v3, v2  }
0x17d: {  	[hbm4b:s3+s2] =	stream.indirect_vreg.scatter [tilespmem:s24], [sflag:$0x3], $0x80, v4, vm0, $0xb8;
	[tilespmem:$0x18400] =	vst v63  }
0x17e: {  	s10 =	simm.s32 $0x3C00;
	v3 =	vadd.s32 v1, v3  }
0x17f: {  	[hbm4b:s5+s2] =	stream.indirect_vreg.scatter [tilespmem:s10], [sflag:$0x3], $0x80, v4, vm0, $0xb8;
	[tilespmem:$0x18400] =	vst v63  }
0x180: {  	s18 =	simm.s32 $0x4400  }
0x181: {  	[hbm4b:s6+s2] =	stream.indirect_vreg.scatter [tilespmem:s18], [sflag:$0x3], $0x80, v4, vm0, $0xb8;
	[tilespmem:$0x18400] =	vst v63  }
0x182: {  	s0 =	simm.s32 $0x4C00  }
0x183: {  	[hbm4b:s3+s2] =	stream.indirect_vreg.scatter [tilespmem:s0], [sflag:$0x3], $0x80, v3, vm0, $0xb8;
	[tilespmem:$0x18400] =	vst v63  }
0x184: {  	s11 =	simm.s32 $0x5400  }
0x185: {  	[hbm4b:s5+s2] =	stream.indirect_vreg.scatter [tilespmem:s11], [sflag:$0x3], $0x80, v3, vm0, $0xb8;
	[tilespmem:$0x18400] =	vst v63  }
0x186: {  	s25 =	simm.s32 $0x5C00  }
0x187: {  	[hbm4b:s6+s2] =	stream.indirect_vreg.scatter [tilespmem:s25], [sflag:$0x3], $0x80, v3, vm0, $0xb8;
	[tilespmem:$0x18400] =	vst v63  }
0x188: {  	v3 =	vld [tilespmem:$0x120];
	_ =	sdelay $0x4  }
0x189: {  	v50 =	vshrl.u32 v3, $0x3  }
0x18a: {  	v4 =	vmul.u32 $0x30, v50  }
0x18b: {  	v3 =	vand.u32 $0x7, v3  }
0x18c: {  	v3 =	vor.u32 v3, v4  }
0x18d: {  	v4 =	vperm.xlane v3, v0;
	_ =	sdelay $0x1  }
0x18e: {  	v4 =	vadd.s32 v1, v4;
	_ =	sdelay $0x3  }
0x18f: {  	s26 =	simm.s32 $0x6400;
	v3 =	vperm.xlane v3, v2  }
0x190: {  	[hbm4b:s3+s2] =	stream.indirect_vreg.scatter [tilespmem:s26], [sflag:$0x3], $0x80, v4, vm0, $0xb8;
	[tilespmem:$0x18400] =	vst v63  }
0x191: {  	s12 =	simm.s32 $0x6C00;
	v3 =	vadd.s32 v1, v3  }
0x192: {  	[hbm4b:s5+s2] =	stream.indirect_vreg.scatter [tilespmem:s12], [sflag:$0x3], $0x80, v4, vm0, $0xb8;
	[tilespmem:$0x18400] =	vst v63  }
0x193: {  	s15 =	simm.s32 $0x7400  }
0x194: {  	[hbm4b:s6+s2] =	stream.indirect_vreg.scatter [tilespmem:s15], [sflag:$0x3], $0x80, v4, vm0, $0xb8;
	[tilespmem:$0x18400] =	vst v63  }
0x195: {  	s16 =	simm.s32 $0x7C00  }
0x196: {  	[hbm4b:s3+s2] =	stream.indirect_vreg.scatter [tilespmem:s16], [sflag:$0x3], $0x80, v3, vm0, $0xb8;
	[tilespmem:$0x18400] =	vst v63  }
0x197: {  	s17 =	simm.s32 $0x8400  }
0x198: {  	[hbm4b:s5+s2] =	stream.indirect_vreg.scatter [tilespmem:s17], [sflag:$0x3], $0x80, v3, vm0, $0xb8;
	[tilespmem:$0x18400] =	vst v63  }
0x199: {  	s28 =	simm.s32 $0x8C00  }
0x19a: {  	[hbm4b:s6+s2] =	stream.indirect_vreg.scatter [tilespmem:s28], [sflag:$0x3], $0x80, v3, vm0, $0xb8;
	[tilespmem:$0x18400] =	vst v63  }
0x19b: {  	v3 =	vld [tilespmem:$0x130];
	_ =	sdelay $0x4  }
0x19c: {  	v51 =	vshrl.u32 v3, $0x3  }
0x19d: {  	v4 =	vmul.u32 $0x30, v51  }
0x19e: {  	v3 =	vand.u32 $0x7, v3  }
0x19f: {  	v3 =	vor.u32 v3, v4  }
0x1a0: {  	v4 =	vperm.xlane v3, v0;
	_ =	sdelay $0x1  }
0x1a1: {  	v4 =	vadd.s32 v1, v4;
	_ =	sdelay $0x3  }
0x1a2: {  	s29 =	simm.s32 $0x9400;
	v3 =	vperm.xlane v3, v2  }
0x1a3: {  	[hbm4b:s3+s2] =	stream.indirect_vreg.scatter [tilespmem:s29], [sflag:$0x3], $0x80, v4, vm0, $0xb8;
	[tilespmem:$0x18400] =	vst v63  }
0x1a4: {  	s19 =	simm.s32 $0x9C00;
	v3 =	vadd.s32 v1, v3  }
0x1a5: {  	[hbm4b:s5+s2] =	stream.indirect_vreg.scatter [tilespmem:s19], [sflag:$0x3], $0x80, v4, vm0, $0xb8;
	[tilespmem:$0x18400] =	vst v63  }
0x1a6: {  	s20 =	simm.s32 $0xA400  }
0x1a7: {  	[hbm4b:s6+s2] =	stream.indirect_vreg.scatter [tilespmem:s20], [sflag:$0x3], $0x80, v4, vm0, $0xb8;
	[tilespmem:$0x18400] =	vst v63  }
0x1a8: {  	s21 =	simm.s32 $0xAC00  }
0x1a9: {  	[hbm4b:s3+s2] =	stream.indirect_vreg.scatter [tilespmem:s21], [sflag:$0x3], $0x80, v3, vm0, $0xb8;
	[tilespmem:$0x18400] =	vst v63  }
0x1aa: {  	s22 =	simm.s32 $0xB400  }
0x1ab: {  	[hbm4b:s5+s2] =	stream.indirect_vreg.scatter [tilespmem:s22], [sflag:$0x3], $0x80, v3, vm0, $0xb8;
	[tilespmem:$0x18400] =	vst v63  }
0x1ac: {  	s14 =	simm.s32 $0xBC00  }
0x1ad: {  	[hbm4b:s6+s2] =	stream.indirect_vreg.scatter [tilespmem:s14], [sflag:$0x3], $0x80, v3, vm0, $0xb8;
	[tilespmem:$0x18400] =	vst v63  }
0x1ae: {  	v3 =	vld [tilespmem:$0x300];
	_ =	sdelay $0x4  }
0x1af: {  	v52 =	vshrl.u32 v3, $0x3  }
0x1b0: {  	v4 =	vmul.u32 $0x30, v52  }
0x1b1: {  	v3 =	vand.u32 $0x7, v3  }
0x1b2: {  	v3 =	vor.u32 v3, v4  }
0x1b3: {  	v4 =	vperm.xlane v3, v0;
	_ =	sdelay $0x1  }
0x1b4: {  	v4 =	vadd.s32 v1, v4;
	_ =	sdelay $0x3  }
0x1b5: {  	v3 =	vperm.xlane v3, v2  }
0x1b6: {  	[hbm4b:s3+s2] =	stream.indirect_vreg.scatter [tilespmem:s1], [sflag:$0x3], $0x80, v4, vm0, $0xb8;
	[tilespmem:$0x18400] =	vst v63  }
0x1b7: {  	v3 =	vadd.s32 v1, v3  }
0x1b8: {  	[hbm4b:s5+s2] =	stream.indirect_vreg.scatter [tilespmem:s4], [sflag:$0x3], $0x80, v4, vm0, $0xb8;
	[tilespmem:$0x18400] =	vst v63  }
0x1b9: {  	_ = 	snop  }
0x1ba: {  	[hbm4b:s6+s2] =	stream.indirect_vreg.scatter [tilespmem:s7], [sflag:$0x3], $0x80, v4, vm0, $0xb8;
	[tilespmem:$0x18400] =	vst v63  }
0x1bb: {  	_ = 	snop  }
0x1bc: {  	[hbm4b:s3+s2] =	stream.indirect_vreg.scatter [tilespmem:s8], [sflag:$0x3], $0x80, v3, vm0, $0xb8;
	[tilespmem:$0x18400] =	vst v63  }
0x1bd: {  	_ = 	snop  }
0x1be: {  	[hbm4b:s5+s2] =	stream.indirect_vreg.scatter [tilespmem:s9], [sflag:$0x3], $0x80, v3, vm0, $0xb8;
	[tilespmem:$0x18400] =	vst v63  }
0x1bf: {  	_ = 	snop  }
0x1c0: {  	[hbm4b:s6+s2] =	stream.indirect_vreg.scatter [tilespmem:s23], [sflag:$0x3], $0x80, v3, vm0, $0xb8;
	[tilespmem:$0x18400] =	vst v63  }
0x1c1: {  	v3 =	vld [tilespmem:$0x310];
	_ =	sdelay $0x4  }
0x1c2: {  	v53 =	vshrl.u32 v3, $0x3  }
0x1c3: {  	v4 =	vmul.u32 $0x30, v53  }
0x1c4: {  	v3 =	vand.u32 $0x7, v3  }
0x1c5: {  	v3 =	vor.u32 v3, v4  }
0x1c6: {  	v4 =	vperm.xlane v3, v0;
	_ =	sdelay $0x1  }
0x1c7: {  	v4 =	vadd.s32 v1, v4;
	_ =	sdelay $0x3  }
0x1c8: {  	v3 =	vperm.xlane v3, v2  }
0x1c9: {  	[hbm4b:s3+s2] =	stream.indirect_vreg.scatter [tilespmem:s24], [sflag:$0x3], $0x80, v4, vm0, $0xb8;
	[tilespmem:$0x18400] =	vst v63  }
0x1ca: {  	v3 =	vadd.s32 v1, v3  }
0x1cb: {  	[hbm4b:s5+s2] =	stream.indirect_vreg.scatter [tilespmem:s10], [sflag:$0x3], $0x80, v4, vm0, $0xb8;
	[tilespmem:$0x18400] =	vst v63  }
0x1cc: {  	_ = 	snop  }
0x1cd: {  	[hbm4b:s6+s2] =	stream.indirect_vreg.scatter [tilespmem:s18], [sflag:$0x3], $0x80, v4, vm0, $0xb8;
	[tilespmem:$0x18400] =	vst v63  }
0x1ce: {  	_ = 	snop  }
0x1cf: {  	[hbm4b:s3+s2] =	stream.indirect_vreg.scatter [tilespmem:s0], [sflag:$0x3], $0x80, v3, vm0, $0xb8;
	[tilespmem:$0x18400] =	vst v63  }
0x1d0: {  	_ = 	snop  }
0x1d1: {  	[hbm4b:s5+s2] =	stream.indirect_vreg.scatter [tilespmem:s11], [sflag:$0x3], $0x80, v3, vm0, $0xb8;
	[tilespmem:$0x18400] =	vst v63  }
0x1d2: {  	_ = 	snop  }
0x1d3: {  	[hbm4b:s6+s2] =	stream.indirect_vreg.scatter [tilespmem:s25], [sflag:$0x3], $0x80, v3, vm0, $0xb8;
	[tilespmem:$0x18400] =	vst v63  }
0x1d4: {  	v3 =	vld [tilespmem:$0x320];
	_ =	sdelay $0x4  }
0x1d5: {  	v54 =	vshrl.u32 v3, $0x3  }
0x1d6: {  	v4 =	vmul.u32 $0x30, v54  }
0x1d7: {  	v3 =	vand.u32 $0x7, v3  }
0x1d8: {  	v3 =	vor.u32 v3, v4  }
0x1d9: {  	v4 =	vperm.xlane v3, v0;
	_ =	sdelay $0x1  }
0x1da: {  	v4 =	vadd.s32 v1, v4;
	_ =	sdelay $0x3  }
0x1db: {  	v3 =	vperm.xlane v3, v2  }
0x1dc: {  	[hbm4b:s3+s2] =	stream.indirect_vreg.scatter [tilespmem:s26], [sflag:$0x3], $0x80, v4, vm0, $0xb8;
	[tilespmem:$0x18400] =	vst v63  }
0x1dd: {  	v3 =	vadd.s32 v1, v3  }
0x1de: {  	[hbm4b:s5+s2] =	stream.indirect_vreg.scatter [tilespmem:s12], [sflag:$0x3], $0x80, v4, vm0, $0xb8;
	[tilespmem:$0x18400] =	vst v63  }
0x1df: {  	_ = 	snop  }
0x1e0: {  	[hbm4b:s6+s2] =	stream.indirect_vreg.scatter [tilespmem:s15], [sflag:$0x3], $0x80, v4, vm0, $0xb8;
	[tilespmem:$0x18400] =	vst v63  }
0x1e1: {  	_ = 	snop  }
0x1e2: {  	[hbm4b:s3+s2] =	stream.indirect_vreg.scatter [tilespmem:s16], [sflag:$0x3], $0x80, v3, vm0, $0xb8;
	[tilespmem:$0x18400] =	vst v63  }
0x1e3: {  	_ = 	snop  }
0x1e4: {  	[hbm4b:s5+s2] =	stream.indirect_vreg.scatter [tilespmem:s17], [sflag:$0x3], $0x80, v3, vm0, $0xb8;
	[tilespmem:$0x18400] =	vst v63  }
0x1e5: {  	_ = 	snop  }
0x1e6: {  	[hbm4b:s6+s2] =	stream.indirect_vreg.scatter [tilespmem:s28], [sflag:$0x3], $0x80, v3, vm0, $0xb8;
	[tilespmem:$0x18400] =	vst v63  }
0x1e7: {  	v3 =	vld [tilespmem:$0x330];
	_ =	sdelay $0x4  }
0x1e8: {  	v55 =	vshrl.u32 v3, $0x3  }
0x1e9: {  	v4 =	vmul.u32 $0x30, v55  }
0x1ea: {  	v3 =	vand.u32 $0x7, v3  }
0x1eb: {  	v3 =	vor.u32 v3, v4  }
0x1ec: {  	v4 =	vperm.xlane v3, v0;
	_ =	sdelay $0x1  }
0x1ed: {  	v4 =	vadd.s32 v1, v4;
	_ =	sdelay $0x3  }
0x1ee: {  	v3 =	vperm.xlane v3, v2  }
0x1ef: {  	[hbm4b:s3+s2] =	stream.indirect_vreg.scatter [tilespmem:s29], [sflag:$0x3], $0x80, v4, vm0, $0xb8;
	[tilespmem:$0x18400] =	vst v63  }
0x1f0: {  	v3 =	vadd.s32 v1, v3  }
0x1f1: {  	[hbm4b:s5+s2] =	stream.indirect_vreg.scatter [tilespmem:s19], [sflag:$0x3], $0x80, v4, vm0, $0xb8;
	[tilespmem:$0x18400] =	vst v63  }
0x1f2: {  	_ = 	snop  }
0x1f3: {  	[hbm4b:s6+s2] =	stream.indirect_vreg.scatter [tilespmem:s20], [sflag:$0x3], $0x80, v4, vm0, $0xb8;
	[tilespmem:$0x18400] =	vst v63  }
0x1f4: {  	_ = 	snop  }
0x1f5: {  	[hbm4b:s3+s2] =	stream.indirect_vreg.scatter [tilespmem:s21], [sflag:$0x3], $0x80, v3, vm0, $0xb8;
	[tilespmem:$0x18400] =	vst v63  }
0x1f6: {  	_ = 	snop  }
0x1f7: {  	[hbm4b:s5+s2] =	stream.indirect_vreg.scatter [tilespmem:s22], [sflag:$0x3], $0x80, v3, vm0, $0xb8;
	[tilespmem:$0x18400] =	vst v63  }
0x1f8: {  	_ = 	snop  }
0x1f9: {  	[hbm4b:s6+s2] =	stream.indirect_vreg.scatter [tilespmem:s14], [sflag:$0x3], $0x80, v3, vm0, $0xb8;
	[tilespmem:$0x18400] =	vst v63  }
0x1fa: {  	_ =	swait.ge [sflag:s30], $0xC000  }
0x1fb: {  	[sflag:s30] =	ssyncset.done $0x0  }
0x1fc: {  	[sflag:s30] =	ssyncadd.s32 $0xFFFF4000  }
0x1fd: {  	v3 =	vld [tilespmem:$0x180];
	_ =	sdelay $0x4  }
0x1fe: {  	v56 =	vshrl.u32 v3, $0x3  }
0x1ff: {  	v4 =	vmul.u32 $0x30, v56  }
0x200: {  	v3 =	vand.u32 $0x7, v3  }
0x201: {  	v3 =	vor.u32 v3, v4  }
0x202: {  	v4 =	vperm.xlane v3, v0;
	_ =	sdelay $0x1  }
0x203: {  	v4 =	vadd.s32 v1, v4;
	_ =	sdelay $0x3  }
0x204: {  	s31 =	simm.s32 $0xC400;
	v3 =	vperm.xlane v3, v2  }
0x205: {  	[hbm4b:s3+s2] =	stream.indirect_vreg.scatter [tilespmem:s31], [sflag:$0x3], $0x80, v4, vm0, $0xb8;
	[tilespmem:$0x18400] =	vst v63  }
0x206: {  	s4 =	simm.s32 $0xCC00;
	v3 =	vadd.s32 v1, v3  }
0x207: {  	[hbm4b:s5+s2] =	stream.indirect_vreg.scatter [tilespmem:s4], [sflag:$0x3], $0x80, v4, vm0, $0xb8;
	[tilespmem:$0x18400] =	vst v63  }
0x208: {  	s7 =	simm.s32 $0xD400  }
0x209: {  	[hbm4b:s6+s2] =	stream.indirect_vreg.scatter [tilespmem:s7], [sflag:$0x3], $0x80, v4, vm0, $0xb8;
	[tilespmem:$0x18400] =	vst v63  }
0x20a: {  	s8 =	simm.s32 $0xDC00  }
0x20b: {  	[hbm4b:s3+s2] =	stream.indirect_vreg.scatter [tilespmem:s8], [sflag:$0x3], $0x80, v3, vm0, $0xb8;
	[tilespmem:$0x18400] =	vst v63  }
0x20c: {  	s10 =	simm.s32 $0xE400  }
0x20d: {  	[hbm4b:s5+s2] =	stream.indirect_vreg.scatter [tilespmem:s10], [sflag:$0x3], $0x80, v3, vm0, $0xb8;
	[tilespmem:$0x18400] =	vst v63  }
0x20e: {  	s11 =	simm.s32 $0xEC00  }
0x20f: {  	[hbm4b:s6+s2] =	stream.indirect_vreg.scatter [tilespmem:s11], [sflag:$0x3], $0x80, v3, vm0, $0xb8;
	[tilespmem:$0x18400] =	vst v63  }
0x210: {  	v3 =	vld [tilespmem:$0x190];
	_ =	sdelay $0x4  }
0x211: {  	v57 =	vshrl.u32 v3, $0x3  }
0x212: {  	v4 =	vmul.u32 $0x30, v57  }
0x213: {  	v3 =	vand.u32 $0x7, v3  }
0x214: {  	v3 =	vor.u32 v3, v4  }
0x215: {  	v4 =	vperm.xlane v3, v0;
	_ =	sdelay $0x1  }
0x216: {  	v4 =	vadd.s32 v1, v4;
	_ =	sdelay $0x3  }
0x217: {  	s12 =	simm.s32 $0xF400;
	v3 =	vperm.xlane v3, v2  }
0x218: {  	[hbm4b:s3+s2] =	stream.indirect_vreg.scatter [tilespmem:s12], [sflag:$0x3], $0x80, v4, vm0, $0xb8;
	[tilespmem:$0x18400] =	vst v63  }
0x219: {  	s14 =	simm.s32 $0xFC00;
	v3 =	vadd.s32 v1, v3  }
0x21a: {  	[hbm4b:s5+s2] =	stream.indirect_vreg.scatter [tilespmem:s14], [sflag:$0x3], $0x80, v4, vm0, $0xb8;
	[tilespmem:$0x18400] =	vst v63  }
0x21b: {  	s15 =	simm.s32 $0x10400  }
0x21c: {  	[hbm4b:s6+s2] =	stream.indirect_vreg.scatter [tilespmem:s15], [sflag:$0x3], $0x80, v4, vm0, $0xb8;
	[tilespmem:$0x18400] =	vst v63  }
0x21d: {  	s16 =	simm.s32 $0x10C00  }
0x21e: {  	[hbm4b:s3+s2] =	stream.indirect_vreg.scatter [tilespmem:s16], [sflag:$0x3], $0x80, v3, vm0, $0xb8;
	[tilespmem:$0x18400] =	vst v63  }
0x21f: {  	s17 =	simm.s32 $0x11400  }
0x220: {  	[hbm4b:s5+s2] =	stream.indirect_vreg.scatter [tilespmem:s17], [sflag:$0x3], $0x80, v3, vm0, $0xb8;
	[tilespmem:$0x18400] =	vst v63  }
0x221: {  	s18 =	simm.s32 $0x11C00  }
0x222: {  	[hbm4b:s6+s2] =	stream.indirect_vreg.scatter [tilespmem:s18], [sflag:$0x3], $0x80, v3, vm0, $0xb8;
	[tilespmem:$0x18400] =	vst v63  }
0x223: {  	v3 =	vld [tilespmem:$0x1A0];
	_ =	sdelay $0x4  }
0x224: {  	v58 =	vshrl.u32 v3, $0x3  }
0x225: {  	v4 =	vmul.u32 $0x30, v58  }
0x226: {  	v3 =	vand.u32 $0x7, v3  }
0x227: {  	v3 =	vor.u32 v3, v4  }
0x228: {  	v4 =	vperm.xlane v3, v0;
	_ =	sdelay $0x1  }
0x229: {  	v4 =	vadd.s32 v1, v4;
	_ =	sdelay $0x3  }
0x22a: {  	s19 =	simm.s32 $0x12400;
	v3 =	vperm.xlane v3, v2  }
0x22b: {  	[hbm4b:s3+s2] =	stream.indirect_vreg.scatter [tilespmem:s19], [sflag:$0x3], $0x80, v4, vm0, $0xb8;
	[tilespmem:$0x18400] =	vst v63  }
0x22c: {  	s20 =	simm.s32 $0x12C00;
	v3 =	vadd.s32 v1, v3  }
0x22d: {  	[hbm4b:s5+s2] =	stream.indirect_vreg.scatter [tilespmem:s20], [sflag:$0x3], $0x80, v4, vm0, $0xb8;
	[tilespmem:$0x18400] =	vst v63  }
0x22e: {  	s21 =	simm.s32 $0x13400  }
0x22f: {  	[hbm4b:s6+s2] =	stream.indirect_vreg.scatter [tilespmem:s21], [sflag:$0x3], $0x80, v4, vm0, $0xb8;
	[tilespmem:$0x18400] =	vst v63  }
0x230: {  	s22 =	simm.s32 $0x13C00  }
0x231: {  	[hbm4b:s3+s2] =	stream.indirect_vreg.scatter [tilespmem:s22], [sflag:$0x3], $0x80, v3, vm0, $0xb8;
	[tilespmem:$0x18400] =	vst v63  }
0x232: {  	s23 =	simm.s32 $0x14400  }
0x233: {  	[hbm4b:s5+s2] =	stream.indirect_vreg.scatter [tilespmem:s23], [sflag:$0x3], $0x80, v3, vm0, $0xb8;
	[tilespmem:$0x18400] =	vst v63  }
0x234: {  	s24 =	simm.s32 $0x14C00  }
0x235: {  	[hbm4b:s6+s2] =	stream.indirect_vreg.scatter [tilespmem:s24], [sflag:$0x3], $0x80, v3, vm0, $0xb8;
	[tilespmem:$0x18400] =	vst v63  }
0x236: {  	v3 =	vld [tilespmem:$0x1B0];
	_ =	sdelay $0x4  }
0x237: {  	v59 =	vshrl.u32 v3, $0x3  }
0x238: {  	v4 =	vmul.u32 $0x30, v59  }
0x239: {  	v3 =	vand.u32 $0x7, v3  }
0x23a: {  	v3 =	vor.u32 v3, v4  }
0x23b: {  	v4 =	vperm.xlane v3, v0;
	_ =	sdelay $0x1  }
0x23c: {  	v4 =	vadd.s32 v1, v4;
	_ =	sdelay $0x3  }
0x23d: {  	s25 =	simm.s32 $0x15400;
	v3 =	vperm.xlane v3, v2  }
0x23e: {  	[hbm4b:s3+s2] =	stream.indirect_vreg.scatter [tilespmem:s25], [sflag:$0x3], $0x80, v4, vm0, $0xb8;
	[tilespmem:$0x18400] =	vst v63  }
0x23f: {  	s26 =	simm.s32 $0x15C00;
	v3 =	vadd.s32 v1, v3  }
0x240: {  	[hbm4b:s5+s2] =	stream.indirect_vreg.scatter [tilespmem:s26], [sflag:$0x3], $0x80, v4, vm0, $0xb8;
	[tilespmem:$0x18400] =	vst v63  }
0x241: {  	s0 =	simm.s32 $0x16400  }
0x242: {  	[hbm4b:s6+s2] =	stream.indirect_vreg.scatter [tilespmem:s0], [sflag:$0x3], $0x80, v4, vm0, $0xb8;
	[tilespmem:$0x18400] =	vst v63  }
0x243: {  	s9 =	simm.s32 $0x16C00  }
0x244: {  	[hbm4b:s3+s2] =	stream.indirect_vreg.scatter [tilespmem:s9], [sflag:$0x3], $0x80, v3, vm0, $0xb8;
	[tilespmem:$0x18400] =	vst v63  }
0x245: {  	s29 =	simm.s32 $0x17400  }
0x246: {  	[hbm4b:s5+s2] =	stream.indirect_vreg.scatter [tilespmem:s29], [sflag:$0x3], $0x80, v3, vm0, $0xb8;
	[tilespmem:$0x18400] =	vst v63  }
0x247: {  	s30 =	simm.s32 $0x17C00  }
0x248: {  	[hbm4b:s6+s2] =	stream.indirect_vreg.scatter [tilespmem:s30], [sflag:$0x3], $0x80, v3, vm0, $0xb8;
	[tilespmem:$0x18400] =	vst v63  }
0x249: {  	v3 =	vld [tilespmem:$0x380];
	_ =	sdelay $0x4  }
0x24a: {  	v60 =	vshrl.u32 v3, $0x3  }
0x24b: {  	v4 =	vmul.u32 $0x30, v60  }
0x24c: {  	v3 =	vand.u32 $0x7, v3  }
0x24d: {  	v3 =	vor.u32 v3, v4  }
0x24e: {  	v4 =	vperm.xlane v3, v0;
	_ =	sdelay $0x1  }
0x24f: {  	v4 =	vadd.s32 v1, v4;
	_ =	sdelay $0x3  }
0x250: {  	v3 =	vperm.xlane v3, v2  }
0x251: {  	[hbm4b:s3+s2] =	stream.indirect_vreg.scatter [tilespmem:s31], [sflag:$0x3], $0x80, v4, vm0, $0xb8;
	[tilespmem:$0x18400] =	vst v63  }
0x252: {  	v3 =	vadd.s32 v1, v3  }
0x253: {  	[hbm4b:s5+s2] =	stream.indirect_vreg.scatter [tilespmem:s4], [sflag:$0x3], $0x80, v4, vm0, $0xb8;
	[tilespmem:$0x18400] =	vst v63  }
0x254: {  	_ = 	snop  }
0x255: {  	[hbm4b:s6+s2] =	stream.indirect_vreg.scatter [tilespmem:s7], [sflag:$0x3], $0x80, v4, vm0, $0xb8;
	[tilespmem:$0x18400] =	vst v63  }
0x256: {  	_ = 	snop  }
0x257: {  	[hbm4b:s3+s2] =	stream.indirect_vreg.scatter [tilespmem:s8], [sflag:$0x3], $0x80, v3, vm0, $0xb8;
	[tilespmem:$0x18400] =	vst v63  }
0x258: {  	_ = 	snop  }
0x259: {  	[hbm4b:s5+s2] =	stream.indirect_vreg.scatter [tilespmem:s10], [sflag:$0x3], $0x80, v3, vm0, $0xb8;
	[tilespmem:$0x18400] =	vst v63  }
0x25a: {  	_ = 	snop  }
0x25b: {  	[hbm4b:s6+s2] =	stream.indirect_vreg.scatter [tilespmem:s11], [sflag:$0x3], $0x80, v3, vm0, $0xb8;
	[tilespmem:$0x18400] =	vst v63  }
0x25c: {  	v3 =	vld [tilespmem:$0x390];
	_ =	sdelay $0x4  }
0x25d: {  	v61 =	vshrl.u32 v3, $0x3  }
0x25e: {  	v4 =	vmul.u32 $0x30, v61  }
0x25f: {  	v3 =	vand.u32 $0x7, v3  }
0x260: {  	v3 =	vor.u32 v3, v4  }
0x261: {  	v4 =	vperm.xlane v3, v0;
	_ =	sdelay $0x1  }
0x262: {  	v4 =	vadd.s32 v1, v4;
	_ =	sdelay $0x3  }
0x263: {  	v3 =	vperm.xlane v3, v2  }
0x264: {  	[hbm4b:s3+s2] =	stream.indirect_vreg.scatter [tilespmem:s12], [sflag:$0x3], $0x80, v4, vm0, $0xb8;
	[tilespmem:$0x18400] =	vst v63  }
0x265: {  	v3 =	vadd.s32 v1, v3  }
0x266: {  	[hbm4b:s5+s2] =	stream.indirect_vreg.scatter [tilespmem:s14], [sflag:$0x3], $0x80, v4, vm0, $0xb8;
	[tilespmem:$0x18400] =	vst v63  }
0x267: {  	_ = 	snop  }
0x268: {  	[hbm4b:s6+s2] =	stream.indirect_vreg.scatter [tilespmem:s15], [sflag:$0x3], $0x80, v4, vm0, $0xb8;
	[tilespmem:$0x18400] =	vst v63  }
0x269: {  	_ = 	snop  }
0x26a: {  	[hbm4b:s3+s2] =	stream.indirect_vreg.scatter [tilespmem:s16], [sflag:$0x3], $0x80, v3, vm0, $0xb8;
	[tilespmem:$0x18400] =	vst v63  }
0x26b: {  	_ = 	snop  }
0x26c: {  	[hbm4b:s5+s2] =	stream.indirect_vreg.scatter [tilespmem:s17], [sflag:$0x3], $0x80, v3, vm0, $0xb8;
	[tilespmem:$0x18400] =	vst v63  }
0x26d: {  	_ = 	snop  }
0x26e: {  	[hbm4b:s6+s2] =	stream.indirect_vreg.scatter [tilespmem:s18], [sflag:$0x3], $0x80, v3, vm0, $0xb8;
	[tilespmem:$0x18400] =	vst v63  }
0x26f: {  	v3 =	vld [tilespmem:$0x3A0];
	_ =	sdelay $0x4  }
0x270: {  	v62 =	vshrl.u32 v3, $0x3  }
0x271: {  	v4 =	vmul.u32 $0x30, v62  }
0x272: {  	v3 =	vand.u32 $0x7, v3  }
0x273: {  	v3 =	vor.u32 v3, v4  }
0x274: {  	v4 =	vperm.xlane v3, v0;
	_ =	sdelay $0x1  }
0x275: {  	v4 =	vadd.s32 v1, v4;
	_ =	sdelay $0x3  }
0x276: {  	v3 =	vperm.xlane v3, v2  }
0x277: {  	[hbm4b:s3+s2] =	stream.indirect_vreg.scatter [tilespmem:s19], [sflag:$0x3], $0x80, v4, vm0, $0xb8;
	[tilespmem:$0x18400] =	vst v63  }
0x278: {  	v3 =	vadd.s32 v1, v3  }
0x279: {  	[hbm4b:s5+s2] =	stream.indirect_vreg.scatter [tilespmem:s20], [sflag:$0x3], $0x80, v4, vm0, $0xb8;
	[tilespmem:$0x18400] =	vst v63  }
0x27a: {  	_ = 	snop  }
0x27b: {  	[hbm4b:s6+s2] =	stream.indirect_vreg.scatter [tilespmem:s21], [sflag:$0x3], $0x80, v4, vm0, $0xb8;
	[tilespmem:$0x18400] =	vst v63  }
0x27c: {  	_ = 	snop  }
0x27d: {  	[hbm4b:s3+s2] =	stream.indirect_vreg.scatter [tilespmem:s22], [sflag:$0x3], $0x80, v3, vm0, $0xb8;
	[tilespmem:$0x18400] =	vst v63  }
0x27e: {  	_ = 	snop  }
0x27f: {  	[hbm4b:s5+s2] =	stream.indirect_vreg.scatter [tilespmem:s23], [sflag:$0x3], $0x80, v3, vm0, $0xb8;
	[tilespmem:$0x18400] =	vst v63  }
0x280: {  	_ = 	snop  }
0x281: {  	[hbm4b:s6+s2] =	stream.indirect_vreg.scatter [tilespmem:s24], [sflag:$0x3], $0x80, v3, vm0, $0xb8;
	[tilespmem:$0x18400] =	vst v63  }
0x282: {  	v3 =	vld [tilespmem:$0x3B0];
	_ =	sdelay $0x4  }
0x283: {  	v63 =	vshrl.u32 v3, $0x3  }
0x284: {  	v4 =	vmul.u32 $0x30, v63  }
0x285: {  	v3 =	vand.u32 $0x7, v3  }
0x286: {  	v3 =	vor.u32 v3, v4  }
0x287: {  	v4 =	vperm.xlane v3, v0;
	_ =	sdelay $0x1  }
0x288: {  	v4 =	vadd.s32 v1, v4;
	_ =	sdelay $0x3  }
0x289: {  	v3 =	vperm.xlane v3, v2  }
0x28a: {  	[hbm4b:s3+s2] =	stream.indirect_vreg.scatter [tilespmem:s25], [sflag:$0x3], $0x80, v4, vm0, $0xb8;
	[tilespmem:$0x18400] =	vst v63  }
0x28b: {  	v3 =	vadd.s32 v1, v3  }
0x28c: {  	[hbm4b:s5+s2] =	stream.indirect_vreg.scatter [tilespmem:s26], [sflag:$0x3], $0x80, v4, vm0, $0xb8;
	[tilespmem:$0x18400] =	vst v63  }
0x28d: {  	_ = 	snop  }
0x28e: {  	[hbm4b:s6+s2] =	stream.indirect_vreg.scatter [tilespmem:s0], [sflag:$0x3], $0x80, v4, vm0, $0xb8;
	[tilespmem:$0x18400] =	vst v63  }
0x28f: {  	_ = 	snop  }
0x290: {  	[hbm4b:s3+s2] =	stream.indirect_vreg.scatter [tilespmem:s9], [sflag:$0x3], $0x80, v3, vm0, $0xb8;
	[tilespmem:$0x18400] =	vst v63  }
0x291: {  	_ = 	snop  }
0x292: {  	[hbm4b:s5+s2] =	stream.indirect_vreg.scatter [tilespmem:s29], [sflag:$0x3], $0x80, v3, vm0, $0xb8;
	[tilespmem:$0x18400] =	vst v63  }
0x293: {  	_ = 	snop  }
0x294: {  	[hbm4b:s6+s2] =	stream.indirect_vreg.scatter [tilespmem:s30], [sflag:$0x3], $0x80, v3, vm0, $0xb8;
	[tilespmem:$0x18400] =	vst v63  }
0x295: {  	s31 =	rddreg [dreg:$0xa];
	_ =	swait.ge [sflag:s13], $0xC000  }
0x296: {  	[sflag:s13] =	ssyncset.done $0x0  }
0x297: {  	[sflag:s13] =	ssyncadd.s32 $0xFFFF4000  }
0x298: {  	_ =	swait.ge [sflag:s13], $0xC000  }
0x299: {  	[sflag:s13] =	ssyncset.done $0x0  }
0x29a: {  	[sflag:s13] =	ssyncadd.s32 $0xFFFF4000  }
0x29b: {  	p0 =	sne.s32 s31, $0x1;
	_ =	swait.ge [sflag:s13], $0xC000  }
.Ltmp0:
0x29c: {  	[sflag:s13] =	ssyncset.done $0x0;
	(pc) =	sbr.rel @p0 .LBB2_1-.Ltmp0, $4  }
0x29d: {  	[sflag:s13] =	ssyncadd.s32 $0xFFFF4000  }
0x29e: {  	_ =	swait.ge [sflag:s13], $0xC000  }
0x29f: {  	[sflag:s13] =	ssyncset.done $0x0  }
0x2a0: {  	s1 =	sadd.s32 $0xFFFFFFFF, s31;
	[sflag:s13] =	ssyncadd.s32 $0xFFFF4000  }
0x2a1: {  	_ =	sfence.sel $0x180000  }
0x2a2: {  	[bflag:$0x0] =	sbarrier.arrive $0xFFFF  }
0x2a3: {  	_ =	strace $0x90000047  }
0x2a4: {  	s0 =	stileid.u32;
	[bflag:$0x2] =	sbarrier.arrive $0xFFFF  }
0x2a5: {  	p0 =	sne.s32 s0, $0x0;
	s0 =	rddreg [dreg:$0x2]  }
0x2a6: {  	s0 =	sadd.s32 @!p0 $0x100000, s0  }
0x2a7: {  	[sflag:s0] =	ssyncadd.tile.s32 @!p0 $0x1;
	_ =	shalt  }
.Lfunc_end2:
_tile_overlayer_lowered:
.L_overlay_start_2:
0x2a8: {  	(tag) =	ssettag $0x2  }
0x2a9: {  	s0 =	rddreg [dreg:$0x0];
	s2 =	stileid.u32  }
0x2aa: {  	s1 =	rddreg [dreg:$0x1];
	p0 =	sne.s32 s2, $0x0  }
0x2ab: {  	s3 =	rddreg [dreg:$0x2];
	[bflag:$0x3] =	sbarrier.arrive $0xFFFF;
	s2 =	simm.s32 @!p0 $0x1C04  }
0x2ac: {  	[timem:s3], [sflag:s2] =	dma.local @!p0 [hbm:s0], s1  }
0x2ad: {  	s0 =	simm.s32 @!p0 $0x4  }
0x2ae: {  	_ =	swait.ge @!p0 [sflag:s0], s1  }
0x2af: {  	s1 =	ssub.s32 @!p0 $0x0, s1;
	[sflag:s0] =	ssyncset.done @!p0 $0x0  }
0x2b0: {  	[sflag:s0] =	ssyncadd.s32 @!p0 s1  }
0x2b1: {  	[bflag:$0x3] =	sbarrier.arrive $0xFFFF  }
0x2b2: {  	_ =	shalt  }

</sc_bundles>
